<compile_context>
chip_gen: v7x
topology: tpu7x:2x2x1
jax: 0.10.2.dev20260603
libtpu: 0.0.44.dev20260713+nightly
codegen_flags: <defaults>
</compile_context>

<pallas_src>
import functools

import jax
import jax.numpy as jnp
from jax import lax
from jax.experimental import pallas as pl
from jax.experimental.pallas import tpu as pltpu
from jax.experimental.pallas import tpu_sc as plsc

N = 10000
E = 320000
D = 128
H = 128
O = 2

NC = 2
NS = 16
NW = NC * NS
CH = 125
CPW = 80
EPW = CH * CPW

_mesh = plsc.VectorSubcoreMesh(
    core_axis_name="c", subcore_axis_name="s", num_cores=NC, num_subcores=NS
)



def _segsum_body(with_counts, table, ei2, *rest):
    if with_counts:
        (out, cnt_out, rows_a, rows_b, src_a, src_b, src_c2, src_d,
         dst_a, dst_b, dst_c2, dst_d, cnt_v, acc,
         gsem_a, gsem_b, ssem_a, ssem_b, ssem_c, ssem_d,
         dsem_a, dsem_b, dsem_c, dsem_d, scsem) = rest
    else:
        (out, rows_a, rows_b, src_a, src_b, src_c2, src_d,
         dst_a, dst_b, dst_c2, dst_d, acc,
         gsem_a, gsem_b, ssem_a, ssem_b, ssem_c, ssem_d,
         dsem_a, dsem_b, dsem_c, dsem_d, scsem) = rest
        cnt_v = None
    cid = lax.axis_index("c")
    sid = lax.axis_index("s")
    wid = sid * NC + cid

    zero16f = jnp.zeros((16,), jnp.float32)

    @pl.loop(0, CH * D // 16)
    def _zr(i):
        rows_a[(i * 16) // D, pl.ds((i * 16) % D, 16)] = zero16f

    @pl.loop(0, N // (NS * CH))
    def _za(j):
        pltpu.sync_copy(rows_a, acc.at[pl.ds((sid * (N // (NS * CH)) + j) * CH, CH)])

    if with_counts:
        zero16 = jnp.zeros((16,), jnp.float32)

        @pl.loop(0, N // 16)
        def _z(i):
            cnt_v[pl.ds(i * 16, 16)] = zero16

        one16 = jnp.ones((16,), jnp.float32)
        tail_mask = lax.iota(jnp.int32, 16) >= 3

    plsc.subcore_barrier()

    base = wid * CPW

    def _prefetch_idx(c, sbuf, dbuf, ssem, dsem):
        pltpu.async_copy(ei2.at[base + c], sbuf, ssem)
        pltpu.async_copy(ei2.at[NW * CPW + base + c], dbuf, dsem)

    def _launch_gather(c, sbuf, rows_buf, ssem, gsem):
        pltpu.make_async_copy(ei2.at[base + c], sbuf, ssem).wait()
        pltpu.async_copy(table.at[sbuf], rows_buf, gsem)

    def _consume(c, sbuf, dbuf, rows_buf, ssem, dsem, gsem):
        pltpu.make_async_copy(ei2.at[NW * CPW + base + c], dbuf, dsem).wait()
        pltpu.make_async_copy(table.at[sbuf], rows_buf, gsem).wait()
        cp = pltpu.async_copy(rows_buf, acc.at[dbuf], scsem, add=True)
        if with_counts:
            for j in range(7):
                d16 = dbuf[pl.ds(j * 16, 16)]
                plsc.addupdate_scatter(cnt_v, [d16], one16)
            d16 = dbuf[pl.ds(CH - 16, 16)]
            plsc.addupdate_scatter(cnt_v, [d16], one16, mask=tail_mask)
        cp.wait()

    srcs = (src_a, src_b, src_c2, src_d)
    dsts = (dst_a, dst_b, dst_c2, dst_d)
    ssems = (ssem_a, ssem_b, ssem_c, ssem_d)
    dsems = (dsem_a, dsem_b, dsem_c, dsem_d)
    rows = (rows_a, rows_b)
    gsems = (gsem_a, gsem_b)

    for k in range(4):
        _prefetch_idx(k, srcs[k], dsts[k], ssems[k], dsems[k])
    _launch_gather(0, srcs[0], rows[0], ssems[0], gsems[0])

    @pl.loop(0, CPW // 4)
    def _chunk(c4):
        c0 = c4 * 4
        for ph in range(4):
            c = c0 + ph
            k = ph
            kn = (ph + 1) % 4
            r = ph % 2
            rn = (ph + 1) % 2

            @pl.when(c + 1 < CPW)
            def _():
                _launch_gather(c + 1, srcs[kn], rows[rn], ssems[kn], gsems[rn])

            _consume(c, srcs[k], dsts[k], rows[r], ssems[k], dsems[k], gsems[r])

            @pl.when(c + 4 < CPW)
            def _():
                _prefetch_idx(c + 4, srcs[k], dsts[k], ssems[k], dsems[k])

    if with_counts:
        pltpu.sync_copy(cnt_v, cnt_out.at[wid])

    plsc.subcore_barrier()

    @pl.when(sid == 0)
    def _():
        pltpu.sync_copy(acc, out.at[cid])


def _make_segsum(with_counts):
    parts = jax.ShapeDtypeStruct((NC, N, D), jnp.float32)
    cnts = jax.ShapeDtypeStruct((NW, N), jnp.float32)
    scratch = [
        pltpu.VMEM((CH, D), jnp.float32),
        pltpu.VMEM((CH, D), jnp.float32),
    ] + [pltpu.VMEM((CH,), jnp.int32)] * 8
    if with_counts:
        scratch.append(pltpu.VMEM((N,), jnp.float32))
    scratch += [pltpu.VMEM_SHARED((N, D), jnp.float32)]
    scratch += [pltpu.SemaphoreType.DMA] * 11
    return pl.kernel(
        functools.partial(_segsum_body, with_counts),
        out_type=(parts, cnts) if with_counts else parts,
        mesh=_mesh,
        compiler_params=pltpu.CompilerParams(needs_layout_passes=False),
        scratch_types=scratch,
    )


_segsum_cnt = _make_segsum(True)
_segsum = _make_segsum(False)


def _edge_body(ab, eiw, s0_out, s1_out, ab_v, src_v, dst_v, o0_v, o1_v,
               sem_ab, sem_s, sem_d):
    cid = lax.axis_index("c")
    sid = lax.axis_index("s")
    wid = sid * NC + cid

    cp_ab = pltpu.async_copy(ab, ab_v, sem_ab)
    cp_s = pltpu.async_copy(eiw.at[wid], src_v, sem_s)
    cp_d = pltpu.async_copy(eiw.at[NW + wid], dst_v, sem_d)
    cp_ab.wait()
    cp_s.wait()
    cp_d.wait()

    @pl.loop(0, EPW // 16)
    def _grp(i):
        s16 = src_v[pl.ds(i * 16, 16)] * 4
        d16 = dst_v[pl.ds(i * 16, 16)] * 4
        a0 = plsc.load_gather(ab_v, [s16])
        a1 = plsc.load_gather(ab_v, [s16 + 1])
        b0 = plsc.load_gather(ab_v, [d16 + 2])
        b1 = plsc.load_gather(ab_v, [d16 + 3])
        o0_v[pl.ds(i * 16, 16)] = a0 + b0
        o1_v[pl.ds(i * 16, 16)] = a1 + b1

    pltpu.sync_copy(o0_v, s0_out.at[pl.ds(wid * EPW, EPW)])
    pltpu.sync_copy(o1_v, s1_out.at[pl.ds(wid * EPW, EPW)])


_edge = pl.kernel(
    _edge_body,
    out_type=(
        jax.ShapeDtypeStruct((E,), jnp.float32),
        jax.ShapeDtypeStruct((E,), jnp.float32),
    ),
    mesh=_mesh,
    compiler_params=pltpu.CompilerParams(needs_layout_passes=False),
    scratch_types=[
        pltpu.VMEM((N * 4,), jnp.float32),
        pltpu.VMEM((EPW,), jnp.int32),
        pltpu.VMEM((EPW,), jnp.int32),
        pltpu.VMEM((EPW,), jnp.float32),
        pltpu.VMEM((EPW,), jnp.float32),
        pltpu.SemaphoreType.DMA,
        pltpu.SemaphoreType.DMA,
        pltpu.SemaphoreType.DMA,
    ],
)



_RB = 2000

_CONTRACT0 = (((0,), (0,)), ((), ()))


def _cnt_reduce_body(cp, out):
    ones = jnp.ones((NW, 1), jnp.float32)
    cnt = lax.dot_general(cp[...], ones, _CONTRACT0,
                          preferred_element_type=jnp.float32)
    out[...] = jnp.maximum(cnt, 1.0)


def _cnt_reduce(cp):
    return pl.pallas_call(
        _cnt_reduce_body,
        out_shape=jax.ShapeDtypeStruct((N, 1), jnp.float32),
    )(cp)


def _layer_tc_body(cp, p, xin, wl, br, wr, out):
    s = p[0] + p[1]
    mean = s / cp[...]
    h = jnp.dot(mean, wl[...], preferred_element_type=jnp.float32)
    h = h + br[...] + jnp.dot(xin[...], wr[...], preferred_element_type=jnp.float32)
    out[...] = jnp.maximum(h, 0.0)


def _layer_tc(cp, p, xin, wl, br, wr):
    blk = lambda i: (i, 0)
    cnt_blk = pl.BlockSpec((_RB, 1), blk)
    w_blk = pl.BlockSpec((D, H), lambda i: (0, 0))
    return pl.pallas_call(
        _layer_tc_body,
        grid=(N // _RB,),
        in_specs=[
            cnt_blk,
            pl.BlockSpec((NC, _RB, D), lambda i: (0, i, 0)),
            pl.BlockSpec((_RB, D), blk),
            w_blk,
            pl.BlockSpec((1, H), lambda i: (0, 0)),
            w_blk,
        ],
        out_specs=pl.BlockSpec((_RB, H), blk),
        out_shape=jax.ShapeDtypeStruct((N, H), jnp.float32),
    )(cp, p, xin, wl, br, wr)


def _final_tc_body(cp, p, hin, wl, br, wr, wt, wb, bf, out):
    s = p[0] + p[1]
    mean = s / cp[...]
    h = jnp.dot(mean, wl[...], preferred_element_type=jnp.float32)
    h = h + br[...] + jnp.dot(hin[...], wr[...], preferred_element_type=jnp.float32)
    h = jnp.maximum(h, 0.0)
    a = jnp.dot(h, wt[...], preferred_element_type=jnp.float32) + bf[...]
    b = jnp.dot(h, wb[...], preferred_element_type=jnp.float32)
    out[...] = jnp.concatenate([a, b], axis=1)


def _final_tc(cp, p, hin, wl, br, wr, wt, wb, bf):
    blk = lambda i: (i, 0)
    cnt_blk = pl.BlockSpec((_RB, 1), blk)
    w_blk = pl.BlockSpec((D, H), lambda i: (0, 0))
    return pl.pallas_call(
        _final_tc_body,
        grid=(N // _RB,),
        in_specs=[
            cnt_blk,
            pl.BlockSpec((NC, _RB, D), lambda i: (0, i, 0)),
            pl.BlockSpec((_RB, D), blk),
            w_blk,
            pl.BlockSpec((1, H), lambda i: (0, 0)),
            w_blk,
            pl.BlockSpec((H, O), lambda i: (0, 0)),
            pl.BlockSpec((H, O), lambda i: (0, 0)),
            pl.BlockSpec((1, O), lambda i: (0, 0)),
        ],
        out_specs=pl.BlockSpec((_RB, 4), blk),
        out_shape=jax.ShapeDtypeStruct((N, 4), jnp.float32),
    )(cp, p, hin, wl, br, wr, wt, wb, bf)


def _lsm_body(s0, s1, o0, o1):
    a = s0[...]
    b = s1[...]
    m = jnp.maximum(a, b)
    lse = m + jnp.log(jnp.exp(a - m) + jnp.exp(b - m))
    o0[...] = a - lse
    o1[...] = b - lse


def _lsm(s0, s1):
    return pl.pallas_call(
        _lsm_body,
        out_shape=(
            jax.ShapeDtypeStruct(s0.shape, jnp.float32),
            jax.ShapeDtypeStruct(s0.shape, jnp.float32),
        ),
    )(s0, s1)


def kernel(x, edge_index, W1_l, b1, W1_r, W2_l, b2, W2_r, Wfc, bfc):
    ei2 = edge_index.reshape(2 * NW * CPW, CH)
    eiw = edge_index.reshape(2 * NW, EPW)

    p, cnt_parts = _segsum_cnt(x, ei2)
    cnt_col = _cnt_reduce(cnt_parts)
    h1 = _layer_tc(cnt_col, p, x, W1_l, b1.reshape(1, H), W1_r)
    p2 = _segsum(h1, ei2)
    ab = _final_tc(
        cnt_col, p2, h1, W2_l, b2.reshape(1, H), W2_r,
        Wfc[:H], Wfc[H:], bfc.reshape(1, O),
    )
    s0, s1 = _edge(ab.reshape(-1), eiw)
    o0, o1 = _lsm(s0.reshape(E // 128, 128), s1.reshape(E // 128, 128))
    return jnp.stack([o0.reshape(-1), o1.reshape(-1)], axis=-1)

# --- scband reference (transcript-rebuilt; emitter-appended) ---
"""Pipeline reference for scband-sageclassifier-89781996356214 (READ-ONLY COPY).

The authoritative reference and input builder live on the scoring server;
editing this copy changes nothing except your own understanding.
"""

import jax, jax.numpy as jnp
import numpy as np

N = 10000
E = 320000
D = 128
H = 128
O = 2


def sage_conv(x, src, dst, W_l, b_l, W_r, n_nodes):
    # PyG SAGEConv with aggr='mean': out = lin_l(mean_{j in N(i)} x_j) + lin_r(x_i)
    msgs = x[src]
    summed = jax.ops.segment_sum(msgs, dst, num_segments=n_nodes)
    cnt = jax.ops.segment_sum(jnp.ones((src.shape[0], 1), dtype=x.dtype), dst, num_segments=n_nodes)
    mean = summed / jnp.clip(cnt, 1.0, None)
    return mean @ W_l + b_l + x @ W_r


def setup_inputs(seed: int = 0) -> dict:
    key = jax.random.key(seed)
    ks = jax.random.split(key, 12)
    x = jax.random.normal(ks[0], (N, D), dtype=jnp.float32)
    edge_index = jax.random.randint(ks[1], (2, E), 0, N, dtype=jnp.int32)
    s1 = 1.0 / np.sqrt(D)
    s2 = 1.0 / np.sqrt(H)
    s3 = 1.0 / np.sqrt(2 * H)
    W1_l = jax.random.uniform(ks[2], (D, H), jnp.float32, -s1, s1)
    b1 = jax.random.uniform(ks[3], (H,), jnp.float32, -s1, s1)
    W1_r = jax.random.uniform(ks[4], (D, H), jnp.float32, -s1, s1)
    W2_l = jax.random.uniform(ks[5], (H, H), jnp.float32, -s2, s2)
    b2 = jax.random.uniform(ks[6], (H,), jnp.float32, -s2, s2)
    W2_r = jax.random.uniform(ks[7], (H, H), jnp.float32, -s2, s2)
    Wfc = jax.random.uniform(ks[8], (2 * H, O), jnp.float32, -s3, s3)
    bfc = jax.random.uniform(ks[9], (O,), jnp.float32, -s3, s3)
    return {"x": x, "edge_index": edge_index, "W1_l": W1_l, "b1": b1, "W1_r": W1_r,
            "W2_l": W2_l, "b2": b2, "W2_r": W2_r, "Wfc": Wfc, "bfc": bfc}


def reference(x, edge_index, W1_l, b1, W1_r, W2_l, b2, W2_r, Wfc, bfc):
    src = edge_index[0]
    dst = edge_index[1]
    h = sage_conv(x, src, dst, W1_l, b1, W1_r, N)
    h = jax.nn.relu(h)
    # dropout is identity in eval mode
    h = sage_conv(h, src, dst, W2_l, b2, W2_r, N)
    h = jax.nn.relu(h)
    edge_x = jnp.concatenate([h[src], h[dst]], axis=-1)
    edge_scores = edge_x @ Wfc + bfc
    return jax.nn.log_softmax(edge_scores, axis=1)

if __name__ == "__main__":
    import jax
    _d = setup_inputs()
    print(jax.jit(kernel)(*tuple(_d.values())))

</pallas_src>

<mosaic_0001>
#map = affine_map<(d0, d1) -> (0, 0)>
#map1 = affine_map<(d0, d1) -> (0, 0, 0)>
module attributes {stable_mosaic.version = 14 : i64} {
  func.func @_segsum_body(%arg0: i32, %arg1: i32, %arg2: memref<10000x128xf32, #tpu.memory_space<hbm>>, %arg3: memref<5120x125xi32, #tpu.memory_space<hbm>>, %arg4: memref<2x10000x128xf32, #tpu.memory_space<hbm>>, %arg5: memref<32x10000xf32, #tpu.memory_space<hbm>>, %arg6: memref<125x128xf32, #tpu.memory_space<vmem>>, %arg7: memref<125x128xf32, #tpu.memory_space<vmem>>, %arg8: memref<125xi32, #tpu.memory_space<vmem>>, %arg9: memref<125xi32, #tpu.memory_space<vmem>>, %arg10: memref<125xi32, #tpu.memory_space<vmem>>, %arg11: memref<125xi32, #tpu.memory_space<vmem>>, %arg12: memref<125xi32, #tpu.memory_space<vmem>>, %arg13: memref<125xi32, #tpu.memory_space<vmem>>, %arg14: memref<125xi32, #tpu.memory_space<vmem>>, %arg15: memref<125xi32, #tpu.memory_space<vmem>>, %arg16: memref<10000xf32, #tpu.memory_space<vmem>>, %arg17: memref<10000x128xf32, #tpu.memory_space<vmem_shared>>, %arg18: memref<!tpu.dma_semaphore, #tpu.memory_space<semaphore_mem>>, %arg19: memref<!tpu.dma_semaphore, #tpu.memory_space<semaphore_mem>>, %arg20: memref<!tpu.dma_semaphore, #tpu.memory_space<semaphore_mem>>, %arg21: memref<!tpu.dma_semaphore, #tpu.memory_space<semaphore_mem>>, %arg22: memref<!tpu.dma_semaphore, #tpu.memory_space<semaphore_mem>>, %arg23: memref<!tpu.dma_semaphore, #tpu.memory_space<semaphore_mem>>, %arg24: memref<!tpu.dma_semaphore, #tpu.memory_space<semaphore_mem>>, %arg25: memref<!tpu.dma_semaphore, #tpu.memory_space<semaphore_mem>>, %arg26: memref<!tpu.dma_semaphore, #tpu.memory_space<semaphore_mem>>, %arg27: memref<!tpu.dma_semaphore, #tpu.memory_space<semaphore_mem>>, %arg28: memref<!tpu.dma_semaphore, #tpu.memory_space<semaphore_mem>>) attributes {dimension_semantics = [#tpu.dimension_semantics<core_parallel>, #tpu.dimension_semantics<subcore_parallel>], iteration_bounds = array<i64: 2, 16>, scalar_prefetch = 0 : i64, scratch_operands = 23 : i64, tpu.core_type = #tpu.core_type<sc_vector_subcore>, window_params = [{transform_indices = #map}, {transform_indices = #map}, {transform_indices = #map1}, {transform_indices = #map}]} {
    %mul3A = arith.constant 2 : i32
    %mul3A_0 = arith.muli %arg1, %mul3A : i32
    %add3A = arith.addi %mul3A_0, %arg0 : i32
    %broadcast_in_dim3A = arith.constant 0.000000e+00 : f32
    %broadcast_in_dim3A_1 = vector.broadcast %broadcast_in_dim3A : f32 to vector<16xf32>
    %scan3A = arith.constant 0 : i32
    %scan3A_2 = arith.constant 1000 : i32
    %scan3A_3 = arith.addi %scan3A, %scan3A_2 : i32
    %scan3A_4 = arith.constant 1 : i32
    scf.for %scan3A_113 = %scan3A to %scan3A_3 step %scan3A_4  : i32 {
      %mul3A_114 = arith.constant 1 : i32
      %mul3A_115 = arith.muli %scan3A_113, %mul3A_114 : i32
      %add3A_116 = arith.constant 0 : i32
      %add3A_117 = arith.addi %add3A_116, %mul3A_115 : i32
      %mul3A_118 = arith.constant 16 : i32
      %mul3A_119 = arith.muli %add3A_117, %mul3A_118 : i32
      %jit3A = arith.constant 128 : i32
      %div3A = arith.divsi %mul3A_119, %jit3A : i32
      %sign3A = arith.constant 0 : i32
      %sign3A_120 = arith.cmpi sgt, %mul3A_119, %sign3A : i32
      %sign3A_121 = arith.extui %sign3A_120 : i1 to i32
      %sign3A_122 = arith.constant 0 : i32
      %sign3A_123 = arith.cmpi slt, %mul3A_119, %sign3A_122 : i32
      %sign3A_124 = arith.extui %sign3A_123 : i1 to i32
      %sign3A_125 = arith.subi %sign3A_121, %sign3A_124 : i32
      %sign3A_126 = arith.constant 0 : i32
      %sign3A_127 = arith.cmpi sgt, %jit3A, %sign3A_126 : i32
      %sign3A_128 = arith.extui %sign3A_127 : i1 to i32
      %sign3A_129 = arith.constant 0 : i32
      %sign3A_130 = arith.cmpi slt, %jit3A, %sign3A_129 : i32
      %sign3A_131 = arith.extui %sign3A_130 : i1 to i32
      %sign3A_132 = arith.subi %sign3A_128, %sign3A_131 : i32
      %ne3A = arith.cmpi ne, %sign3A_125, %sign3A_132 : i32
      %rem3A = arith.remsi %mul3A_119, %jit3A : i32
      %ne3A_133 = arith.constant 0 : i32
      %ne3A_134 = arith.cmpi ne, %rem3A, %ne3A_133 : i32
      %and3A = arith.andi %ne3A, %ne3A_134 : i1
      %sub3A = arith.constant 1 : i32
      %sub3A_135 = arith.subi %div3A, %sub3A : i32
      %select_n3A = arith.select %and3A, %sub3A_135, %div3A : i32
      %mul3A_136 = arith.constant 16 : i32
      %mul3A_137 = arith.muli %add3A_117, %mul3A_136 : i32
      %jit3A_138 = arith.constant 128 : i32
      %eq3A_139 = arith.constant 0 : i32
      %eq3A_140 = arith.cmpi eq, %jit3A_138, %eq3A_139 : i32
      %jit3A_141 = arith.constant 1 : i32
      %select_n3A_142 = arith.select %eq3A_140, %jit3A_141, %jit3A_138 : i32
      %rem3A_143 = arith.remsi %mul3A_137, %select_n3A_142 : i32
      %ne3A_144 = arith.constant 0 : i32
      %ne3A_145 = arith.cmpi ne, %rem3A_143, %ne3A_144 : i32
      %lt3A = arith.constant 0 : i32
      %lt3A_146 = arith.cmpi slt, %rem3A_143, %lt3A : i32
      %lt3A_147 = arith.constant 0 : i32
      %lt3A_148 = arith.cmpi slt, %select_n3A_142, %lt3A_147 : i32
      %ne3A_149 = arith.xori %lt3A_146, %lt3A_148 : i1
      %and3A_150 = arith.andi %ne3A_149, %ne3A_145 : i1
      %add3A_151 = arith.addi %rem3A_143, %select_n3A_142 : i32
      %select_n3A_152 = arith.select %and3A_150, %add3A_151, %rem3A_143 : i32
      %swap3A = arith.index_cast %select_n3A : i32 to index
      %swap3A_153 = arith.index_cast %select_n3A_152 : i32 to index
      %swap3A_154 = tpu.vector_load %arg6[%swap3A, %swap3A_153] {strides = array<i32>} : memref<125x128xf32, #tpu.memory_space<vmem>>, vector<16xf32>,
      tpu.vector_store %arg6[%swap3A, %swap3A_153], %broadcast_in_dim3A_1 {strides = array<i32>} : memref<125x128xf32, #tpu.memory_space<vmem>>, vector<16xf32>,
    }
    %scan3A_5 = arith.constant 1000 : i32
    %scan3A_6 = arith.constant 0 : i32
    %scan3A_7 = arith.constant 5 : i32
    %scan3A_8 = arith.addi %scan3A_6, %scan3A_7 : i32
    %scan3A_9 = arith.constant 1 : i32
    scf.for %scan3A_113 = %scan3A_6 to %scan3A_8 step %scan3A_9  : i32 {
      %mul3A_114 = arith.constant 1 : i32
      %mul3A_115 = arith.muli %scan3A_113, %mul3A_114 : i32
      %add3A_116 = arith.constant 0 : i32
      %add3A_117 = arith.addi %add3A_116, %mul3A_115 : i32
      %mul3A_118 = arith.constant 5 : i32
      %mul3A_119 = arith.muli %arg1, %mul3A_118 : i32
      %add3A_120 = arith.addi %mul3A_119, %add3A_117 : i32
      %mul3A_121 = arith.constant 125 : i32
      %mul3A_122 = arith.muli %add3A_120, %mul3A_121 : i32
      "tpu.region"() ({
        %run_scoped3A = tpu.sem_alloc : memref<!tpu.dma_semaphore, #tpu.memory_space<semaphore_mem>>
        %dma_start3A_123 = arith.constant 0 : i32
        %dma_start3A_124 = tpu.memref_slice %arg17[%mul3A_122, %dma_start3A_123] : memref<10000x128xf32, #tpu.memory_space<vmem_shared>> -> memref<125x128xf32, #tpu.memory_space<vmem_shared>>
        %dma_start3A_125 = arith.constant 0 : i32
        %dma_start3A_126 = tpu.memref_slice %arg17[%mul3A_122, %dma_start3A_125] : memref<10000x128xf32, #tpu.memory_space<vmem_shared>> -> memref<125x128xf32, #tpu.memory_space<vmem_shared>>
        tpu.enqueue_dma source(%arg6 : memref<125x128xf32, #tpu.memory_space<vmem>>) target(%dma_start3A_126 : memref<125x128xf32, #tpu.memory_space<vmem_shared>>) target_semaphore(%run_scoped3A : memref<!tpu.dma_semaphore, #tpu.memory_space<semaphore_mem>>)
        %dma_wait3A_127 = arith.constant 0 : i32
        %dma_wait3A_128 = tpu.memref_slice %arg17[%mul3A_122, %dma_wait3A_127] : memref<10000x128xf32, #tpu.memory_space<vmem_shared>> -> memref<125x128xf32, #tpu.memory_space<vmem_shared>>
        %dma_wait3A_129 = arith.constant 0 : i32
        %dma_wait3A_130 = tpu.memref_slice %arg17[%mul3A_122, %dma_wait3A_129] : memref<10000x128xf32, #tpu.memory_space<vmem_shared>> -> memref<125x128xf32, #tpu.memory_space<vmem_shared>>
        tpu.wait_dma2 semaphore(%run_scoped3A : memref<!tpu.dma_semaphore, #tpu.memory_space<semaphore_mem>>) src(%arg6 : memref<125x128xf32, #tpu.memory_space<vmem>>) dst(%dma_wait3A_130 : memref<125x128xf32, #tpu.memory_space<vmem_shared>>)
        tpu.yield
      }) : () -> ()
    }
    %scan3A_10 = arith.constant 5 : i32
    %broadcast_in_dim3A_11 = arith.constant 0.000000e+00 : f32
    %broadcast_in_dim3A_12 = vector.broadcast %broadcast_in_dim3A_11 : f32 to vector<16xf32>
    %scan3A_13 = arith.constant 0 : i32
    %scan3A_14 = arith.constant 625 : i32
    %scan3A_15 = arith.addi %scan3A_13, %scan3A_14 : i32
    %scan3A_16 = arith.constant 1 : i32
    scf.for %scan3A_113 = %scan3A_13 to %scan3A_15 step %scan3A_16  : i32 {
      %mul3A_114 = arith.constant 1 : i32
      %mul3A_115 = arith.muli %scan3A_113, %mul3A_114 : i32
      %add3A_116 = arith.constant 0 : i32
      %add3A_117 = arith.addi %add3A_116, %mul3A_115 : i32
      %mul3A_118 = arith.constant 16 : i32
      %mul3A_119 = arith.muli %add3A_117, %mul3A_118 : i32
      %swap3A = arith.index_cast %mul3A_119 : i32 to index
      %swap3A_120 = tpu.vector_load %arg16[%swap3A] {strides = array<i32>} : memref<10000xf32, #tpu.memory_space<vmem>>, vector<16xf32>,
      tpu.vector_store %arg16[%swap3A], %broadcast_in_dim3A_12 {strides = array<i32>} : memref<10000xf32, #tpu.memory_space<vmem>>, vector<16xf32>,
    }
    %scan3A_17 = arith.constant 625 : i32
    %broadcast_in_dim3A_18 = arith.constant 1.000000e+00 : f32
    %broadcast_in_dim3A_19 = vector.broadcast %broadcast_in_dim3A_18 : f32 to vector<16xf32>
    %iota3A = tpu.iota {dimensions = array<i32: 0>} : vector<16xi32>
    %ge3A = arith.constant 3 : i32
    %ge3A_20 = vector.broadcast %ge3A : i32 to vector<16xi32>
    %ge3A_21 = arith.cmpi sge, %iota3A, %ge3A_20 : vector<16xi32>
    %barrier3A = arith.constant 0 : index
    tpu.barrier barrier_id(%barrier3A)
    %mul3A_22 = arith.constant 80 : i32
    %mul3A_23 = arith.muli %add3A, %mul3A_22 : i32
    %add3A_24 = arith.constant 0 : i32
    %add3A_25 = arith.addi %mul3A_23, %add3A_24 : i32
    %dma_start3A = arith.constant 0 : i32
    %dma_start3A_26 = tpu.memref_slice %arg3[%add3A_25, %dma_start3A] : memref<5120x125xi32, #tpu.memory_space<hbm>> -> memref<1x125xi32, #tpu.memory_space<hbm>>
    %dma_start3A_27 = tpu.memref_squeeze %dma_start3A_26 : memref<1x125xi32, #tpu.memory_space<hbm>> -> memref<125xi32, #tpu.memory_space<hbm>>
    %dma_start3A_28 = arith.constant 0 : i32
    %dma_start3A_29 = tpu.memref_slice %arg3[%add3A_25, %dma_start3A_28] : memref<5120x125xi32, #tpu.memory_space<hbm>> -> memref<1x125xi32, #tpu.memory_space<hbm>>
    %dma_start3A_30 = tpu.memref_squeeze %dma_start3A_29 : memref<1x125xi32, #tpu.memory_space<hbm>> -> memref<125xi32, #tpu.memory_space<hbm>>
    tpu.enqueue_dma source(%dma_start3A_30 : memref<125xi32, #tpu.memory_space<hbm>>) target(%arg8 : memref<125xi32, #tpu.memory_space<vmem>>) target_semaphore(%arg20 : memref<!tpu.dma_semaphore, #tpu.memory_space<semaphore_mem>>)
    %add3A_31 = arith.constant 2560 : i32
    %add3A_32 = arith.addi %add3A_31, %mul3A_23 : i32
    %add3A_33 = arith.constant 0 : i32
    %add3A_34 = arith.addi %add3A_32, %add3A_33 : i32
    %dma_start3A_35 = arith.constant 0 : i32
    %dma_start3A_36 = tpu.memref_slice %arg3[%add3A_34, %dma_start3A_35] : memref<5120x125xi32, #tpu.memory_space<hbm>> -> memref<1x125xi32, #tpu.memory_space<hbm>>
    %dma_start3A_37 = tpu.memref_squeeze %dma_start3A_36 : memref<1x125xi32, #tpu.memory_space<hbm>> -> memref<125xi32, #tpu.memory_space<hbm>>
    %dma_start3A_38 = arith.constant 0 : i32
    %dma_start3A_39 = tpu.memref_slice %arg3[%add3A_34, %dma_start3A_38] : memref<5120x125xi32, #tpu.memory_space<hbm>> -> memref<1x125xi32, #tpu.memory_space<hbm>>
    %dma_start3A_40 = tpu.memref_squeeze %dma_start3A_39 : memref<1x125xi32, #tpu.memory_space<hbm>> -> memref<125xi32, #tpu.memory_space<hbm>>
    tpu.enqueue_dma source(%dma_start3A_40 : memref<125xi32, #tpu.memory_space<hbm>>) target(%arg12 : memref<125xi32, #tpu.memory_space<vmem>>) target_semaphore(%arg24 : memref<!tpu.dma_semaphore, #tpu.memory_space<semaphore_mem>>)
    %add3A_41 = arith.constant 1 : i32
    %add3A_42 = arith.addi %mul3A_23, %add3A_41 : i32
    %dma_start3A_43 = arith.constant 0 : i32
    %dma_start3A_44 = tpu.memref_slice %arg3[%add3A_42, %dma_start3A_43] : memref<5120x125xi32, #tpu.memory_space<hbm>> -> memref<1x125xi32, #tpu.memory_space<hbm>>
    %dma_start3A_45 = tpu.memref_squeeze %dma_start3A_44 : memref<1x125xi32, #tpu.memory_space<hbm>> -> memref<125xi32, #tpu.memory_space<hbm>>
    %dma_start3A_46 = arith.constant 0 : i32
    %dma_start3A_47 = tpu.memref_slice %arg3[%add3A_42, %dma_start3A_46] : memref<5120x125xi32, #tpu.memory_space<hbm>> -> memref<1x125xi32, #tpu.memory_space<hbm>>
    %dma_start3A_48 = tpu.memref_squeeze %dma_start3A_47 : memref<1x125xi32, #tpu.memory_space<hbm>> -> memref<125xi32, #tpu.memory_space<hbm>>
    tpu.enqueue_dma source(%dma_start3A_48 : memref<125xi32, #tpu.memory_space<hbm>>) target(%arg9 : memref<125xi32, #tpu.memory_space<vmem>>) target_semaphore(%arg21 : memref<!tpu.dma_semaphore, #tpu.memory_space<semaphore_mem>>)
    %add3A_49 = arith.constant 2560 : i32
    %add3A_50 = arith.addi %add3A_49, %mul3A_23 : i32
    %add3A_51 = arith.constant 1 : i32
    %add3A_52 = arith.addi %add3A_50, %add3A_51 : i32
    %dma_start3A_53 = arith.constant 0 : i32
    %dma_start3A_54 = tpu.memref_slice %arg3[%add3A_52, %dma_start3A_53] : memref<5120x125xi32, #tpu.memory_space<hbm>> -> memref<1x125xi32, #tpu.memory_space<hbm>>
    %dma_start3A_55 = tpu.memref_squeeze %dma_start3A_54 : memref<1x125xi32, #tpu.memory_space<hbm>> -> memref<125xi32, #tpu.memory_space<hbm>>
    %dma_start3A_56 = arith.constant 0 : i32
    %dma_start3A_57 = tpu.memref_slice %arg3[%add3A_52, %dma_start3A_56] : memref<5120x125xi32, #tpu.memory_space<hbm>> -> memref<1x125xi32, #tpu.memory_space<hbm>>
    %dma_start3A_58 = tpu.memref_squeeze %dma_start3A_57 : memref<1x125xi32, #tpu.memory_space<hbm>> -> memref<125xi32, #tpu.memory_space<hbm>>
    tpu.enqueue_dma source(%dma_start3A_58 : memref<125xi32, #tpu.memory_space<hbm>>) target(%arg13 : memref<125xi32, #tpu.memory_space<vmem>>) target_semaphore(%arg25 : memref<!tpu.dma_semaphore, #tpu.memory_space<semaphore_mem>>)
    %add3A_59 = arith.constant 2 : i32
    %add3A_60 = arith.addi %mul3A_23, %add3A_59 : i32
    %dma_start3A_61 = arith.constant 0 : i32
    %dma_start3A_62 = tpu.memref_slice %arg3[%add3A_60, %dma_start3A_61] : memref<5120x125xi32, #tpu.memory_space<hbm>> -> memref<1x125xi32, #tpu.memory_space<hbm>>
    %dma_start3A_63 = tpu.memref_squeeze %dma_start3A_62 : memref<1x125xi32, #tpu.memory_space<hbm>> -> memref<125xi32, #tpu.memory_space<hbm>>
    %dma_start3A_64 = arith.constant 0 : i32
    %dma_start3A_65 = tpu.memref_slice %arg3[%add3A_60, %dma_start3A_64] : memref<5120x125xi32, #tpu.memory_space<hbm>> -> memref<1x125xi32, #tpu.memory_space<hbm>>
    %dma_start3A_66 = tpu.memref_squeeze %dma_start3A_65 : memref<1x125xi32, #tpu.memory_space<hbm>> -> memref<125xi32, #tpu.memory_space<hbm>>
    tpu.enqueue_dma source(%dma_start3A_66 : memref<125xi32, #tpu.memory_space<hbm>>) target(%arg10 : memref<125xi32, #tpu.memory_space<vmem>>) target_semaphore(%arg22 : memref<!tpu.dma_semaphore, #tpu.memory_space<semaphore_mem>>)
    %add3A_67 = arith.constant 2560 : i32
    %add3A_68 = arith.addi %add3A_67, %mul3A_23 : i32
    %add3A_69 = arith.constant 2 : i32
    %add3A_70 = arith.addi %add3A_68, %add3A_69 : i32
    %dma_start3A_71 = arith.constant 0 : i32
    %dma_start3A_72 = tpu.memref_slice %arg3[%add3A_70, %dma_start3A_71] : memref<5120x125xi32, #tpu.memory_space<hbm>> -> memref<1x125xi32, #tpu.memory_space<hbm>>
    %dma_start3A_73 = tpu.memref_squeeze %dma_start3A_72 : memref<1x125xi32, #tpu.memory_space<hbm>> -> memref<125xi32, #tpu.memory_space<hbm>>
    %dma_start3A_74 = arith.constant 0 : i32
    %dma_start3A_75 = tpu.memref_slice %arg3[%add3A_70, %dma_start3A_74] : memref<5120x125xi32, #tpu.memory_space<hbm>> -> memref<1x125xi32, #tpu.memory_space<hbm>>
    %dma_start3A_76 = tpu.memref_squeeze %dma_start3A_75 : memref<1x125xi32, #tpu.memory_space<hbm>> -> memref<125xi32, #tpu.memory_space<hbm>>
    tpu.enqueue_dma source(%dma_start3A_76 : memref<125xi32, #tpu.memory_space<hbm>>) target(%arg14 : memref<125xi32, #tpu.memory_space<vmem>>) target_semaphore(%arg26 : memref<!tpu.dma_semaphore, #tpu.memory_space<semaphore_mem>>)
    %add3A_77 = arith.constant 3 : i32
    %add3A_78 = arith.addi %mul3A_23, %add3A_77 : i32
    %dma_start3A_79 = arith.constant 0 : i32
    %dma_start3A_80 = tpu.memref_slice %arg3[%add3A_78, %dma_start3A_79] : memref<5120x125xi32, #tpu.memory_space<hbm>> -> memref<1x125xi32, #tpu.memory_space<hbm>>
    %dma_start3A_81 = tpu.memref_squeeze %dma_start3A_80 : memref<1x125xi32, #tpu.memory_space<hbm>> -> memref<125xi32, #tpu.memory_space<hbm>>
    %dma_start3A_82 = arith.constant 0 : i32
    %dma_start3A_83 = tpu.memref_slice %arg3[%add3A_78, %dma_start3A_82] : memref<5120x125xi32, #tpu.memory_space<hbm>> -> memref<1x125xi32, #tpu.memory_space<hbm>>
    %dma_start3A_84 = tpu.memref_squeeze %dma_start3A_83 : memref<1x125xi32, #tpu.memory_space<hbm>> -> memref<125xi32, #tpu.memory_space<hbm>>
    tpu.enqueue_dma source(%dma_start3A_84 : memref<125xi32, #tpu.memory_space<hbm>>) target(%arg11 : memref<125xi32, #tpu.memory_space<vmem>>) target_semaphore(%arg23 : memref<!tpu.dma_semaphore, #tpu.memory_space<semaphore_mem>>)
    %add3A_85 = arith.constant 2560 : i32
    %add3A_86 = arith.addi %add3A_85, %mul3A_23 : i32
    %add3A_87 = arith.constant 3 : i32
    %add3A_88 = arith.addi %add3A_86, %add3A_87 : i32
    %dma_start3A_89 = arith.constant 0 : i32
    %dma_start3A_90 = tpu.memref_slice %arg3[%add3A_88, %dma_start3A_89] : memref<5120x125xi32, #tpu.memory_space<hbm>> -> memref<1x125xi32, #tpu.memory_space<hbm>>
    %dma_start3A_91 = tpu.memref_squeeze %dma_start3A_90 : memref<1x125xi32, #tpu.memory_space<hbm>> -> memref<125xi32, #tpu.memory_space<hbm>>
    %dma_start3A_92 = arith.constant 0 : i32
    %dma_start3A_93 = tpu.memref_slice %arg3[%add3A_88, %dma_start3A_92] : memref<5120x125xi32, #tpu.memory_space<hbm>> -> memref<1x125xi32, #tpu.memory_space<hbm>>
    %dma_start3A_94 = tpu.memref_squeeze %dma_start3A_93 : memref<1x125xi32, #tpu.memory_space<hbm>> -> memref<125xi32, #tpu.memory_space<hbm>>
    tpu.enqueue_dma source(%dma_start3A_94 : memref<125xi32, #tpu.memory_space<hbm>>) target(%arg15 : memref<125xi32, #tpu.memory_space<vmem>>) target_semaphore(%arg27 : memref<!tpu.dma_semaphore, #tpu.memory_space<semaphore_mem>>)
    %add3A_95 = arith.constant 0 : i32
    %add3A_96 = arith.addi %mul3A_23, %add3A_95 : i32
    %dma_wait3A = arith.constant 0 : i32
    %dma_wait3A_97 = tpu.memref_slice %arg3[%add3A_96, %dma_wait3A] : memref<5120x125xi32, #tpu.memory_space<hbm>> -> memref<1x125xi32, #tpu.memory_space<hbm>>
    %dma_wait3A_98 = tpu.memref_squeeze %dma_wait3A_97 : memref<1x125xi32, #tpu.memory_space<hbm>> -> memref<125xi32, #tpu.memory_space<hbm>>
    %dma_wait3A_99 = arith.constant 0 : i32
    %dma_wait3A_100 = tpu.memref_slice %arg3[%add3A_96, %dma_wait3A_99] : memref<5120x125xi32, #tpu.memory_space<hbm>> -> memref<1x125xi32, #tpu.memory_space<hbm>>
    %dma_wait3A_101 = tpu.memref_squeeze %dma_wait3A_100 : memref<1x125xi32, #tpu.memory_space<hbm>> -> memref<125xi32, #tpu.memory_space<hbm>>
    tpu.wait_dma2 semaphore(%arg20 : memref<!tpu.dma_semaphore, #tpu.memory_space<semaphore_mem>>) src(%dma_wait3A_101 : memref<125xi32, #tpu.memory_space<hbm>>) dst(%arg8 : memref<125xi32, #tpu.memory_space<vmem>>)
    %dma_start3A_102 = arith.constant 0 : i32
    %dma_start3A_103 = arith.constant 0 : i32
    %dma_start3A_104 = tpu.memref_slice %arg2[%dma_start3A_102, %dma_start3A_103] : memref<10000x128xf32, #tpu.memory_space<hbm>> -> memref<10000x128xf32, #tpu.memory_space<hbm>>
    tpu.enqueue_indirect_dma source(%dma_start3A_104 : memref<10000x128xf32, #tpu.memory_space<hbm>>) target(%arg6 : memref<125x128xf32, #tpu.memory_space<vmem>>) offsets(%arg8 : memref<125xi32, #tpu.memory_space<vmem>>) semaphore(%arg18 : memref<!tpu.dma_semaphore, #tpu.memory_space<semaphore_mem>>)
    %scan3A_105 = arith.constant 0 : i32
    %scan3A_106 = arith.constant 20 : i32
    %scan3A_107 = arith.addi %scan3A_105, %scan3A_106 : i32
    %scan3A_108 = arith.constant 1 : i32
    scf.for %scan3A_113 = %scan3A_105 to %scan3A_107 step %scan3A_108  : i32 {
      %mul3A_114 = arith.constant 1 : i32
      %mul3A_115 = arith.muli %scan3A_113, %mul3A_114 : i32
      %add3A_116 = arith.constant 0 : i32
      %add3A_117 = arith.addi %add3A_116, %mul3A_115 : i32
      %mul3A_118 = arith.constant 4 : i32
      %mul3A_119 = arith.muli %add3A_117, %mul3A_118 : i32
      %add3A_120 = arith.constant 0 : i32
      %add3A_121 = arith.addi %mul3A_119, %add3A_120 : i32
      %add3A_122 = arith.constant 1 : i32
      %add3A_123 = arith.addi %add3A_121, %add3A_122 : i32
      %lt3A = arith.constant 80 : i32
      %lt3A_124 = arith.cmpi slt, %add3A_123, %lt3A : i32
      %convert_element_type3A_125 = arith.extui %lt3A_124 : i1 to i32
      %cond3A_126 = arith.constant 0 : i32
      %cond3A_127 = arith.cmpi ne, %convert_element_type3A_125, %cond3A_126 : i32
      scf.if %cond3A_127 {
        %add3A_318 = arith.constant 1 : i32
        %add3A_319 = arith.addi %add3A_121, %add3A_318 : i32
        %add3A_320 = arith.addi %mul3A_23, %add3A_319 : i32
        %dma_wait3A_321 = arith.constant 0 : i32
        %dma_wait3A_322 = tpu.memref_slice %arg3[%add3A_320, %dma_wait3A_321] : memref<5120x125xi32, #tpu.memory_space<hbm>> -> memref<1x125xi32, #tpu.memory_space<hbm>>
        %dma_wait3A_323 = tpu.memref_squeeze %dma_wait3A_322 : memref<1x125xi32, #tpu.memory_space<hbm>> -> memref<125xi32, #tpu.memory_space<hbm>>
        %dma_wait3A_324 = arith.constant 0 : i32
        %dma_wait3A_325 = tpu.memref_slice %arg3[%add3A_320, %dma_wait3A_324] : memref<5120x125xi32, #tpu.memory_space<hbm>> -> memref<1x125xi32, #tpu.memory_space<hbm>>
        %dma_wait3A_326 = tpu.memref_squeeze %dma_wait3A_325 : memref<1x125xi32, #tpu.memory_space<hbm>> -> memref<125xi32, #tpu.memory_space<hbm>>
        tpu.wait_dma2 semaphore(%arg21 : memref<!tpu.dma_semaphore, #tpu.memory_space<semaphore_mem>>) src(%dma_wait3A_326 : memref<125xi32, #tpu.memory_space<hbm>>) dst(%arg9 : memref<125xi32, #tpu.memory_space<vmem>>)
        %dma_start3A_327 = arith.constant 0 : i32
        %dma_start3A_328 = arith.constant 0 : i32
        %dma_start3A_329 = tpu.memref_slice %arg2[%dma_start3A_327, %dma_start3A_328] : memref<10000x128xf32, #tpu.memory_space<hbm>> -> memref<10000x128xf32, #tpu.memory_space<hbm>>
        tpu.enqueue_indirect_dma source(%dma_start3A_329 : memref<10000x128xf32, #tpu.memory_space<hbm>>) target(%arg7 : memref<125x128xf32, #tpu.memory_space<vmem>>) offsets(%arg9 : memref<125xi32, #tpu.memory_space<vmem>>) semaphore(%arg19 : memref<!tpu.dma_semaphore, #tpu.memory_space<semaphore_mem>>)
      } else {
      }
      %add3A_128 = arith.constant 2560 : i32
      %add3A_129 = arith.addi %add3A_128, %mul3A_23 : i32
      %add3A_130 = arith.addi %add3A_129, %add3A_121 : i32
      %dma_wait3A_131 = arith.constant 0 : i32
      %dma_wait3A_132 = tpu.memref_slice %arg3[%add3A_130, %dma_wait3A_131] : memref<5120x125xi32, #tpu.memory_space<hbm>> -> memref<1x125xi32, #tpu.memory_space<hbm>>
      %dma_wait3A_133 = tpu.memref_squeeze %dma_wait3A_132 : memref<1x125xi32, #tpu.memory_space<hbm>> -> memref<125xi32, #tpu.memory_space<hbm>>
      %dma_wait3A_134 = arith.constant 0 : i32
      %dma_wait3A_135 = tpu.memref_slice %arg3[%add3A_130, %dma_wait3A_134] : memref<5120x125xi32, #tpu.memory_space<hbm>> -> memref<1x125xi32, #tpu.memory_space<hbm>>
      %dma_wait3A_136 = tpu.memref_squeeze %dma_wait3A_135 : memref<1x125xi32, #tpu.memory_space<hbm>> -> memref<125xi32, #tpu.memory_space<hbm>>
      tpu.wait_dma2 semaphore(%arg24 : memref<!tpu.dma_semaphore, #tpu.memory_space<semaphore_mem>>) src(%dma_wait3A_136 : memref<125xi32, #tpu.memory_space<hbm>>) dst(%arg12 : memref<125xi32, #tpu.memory_space<vmem>>)
      %dma_wait3A_137 = arith.constant 0 : i32
      %dma_wait3A_138 = arith.constant 0 : i32
      %dma_wait3A_139 = tpu.memref_slice %arg2[%dma_wait3A_137, %dma_wait3A_138] : memref<10000x128xf32, #tpu.memory_space<hbm>> -> memref<10000x128xf32, #tpu.memory_space<hbm>>
      tpu.wait_indirect_dma semaphore(%arg18 : memref<!tpu.dma_semaphore, #tpu.memory_space<semaphore_mem>>) src(%dma_wait3A_139 : memref<10000x128xf32, #tpu.memory_space<hbm>>) dst(%arg6 : memref<125x128xf32, #tpu.memory_space<vmem>>)
      %dma_start3A_140 = arith.constant 0 : i32
      %dma_start3A_141 = arith.constant 0 : i32
      %dma_start3A_142 = tpu.memref_slice %arg17[%dma_start3A_140, %dma_start3A_141] : memref<10000x128xf32, #tpu.memory_space<vmem_shared>> -> memref<10000x128xf32, #tpu.memory_space<vmem_shared>>
      tpu.enqueue_indirect_dma source(%arg6 : memref<125x128xf32, #tpu.memory_space<vmem>>) target(%dma_start3A_142 : memref<10000x128xf32, #tpu.memory_space<vmem_shared>>) offsets(%arg12 : memref<125xi32, #tpu.memory_space<vmem>>) semaphore(%arg28 : memref<!tpu.dma_semaphore, #tpu.memory_space<semaphore_mem>>) {add = true}
      %get3A = arith.constant 0 : index
      %get3A_143 = tpu.vector_load %arg12[%get3A] {strides = array<i32>} : memref<125xi32, #tpu.memory_space<vmem>>, vector<16xi32>,
      tpu.vector_store_idx %arg16[%get3A_143], %broadcast_in_dim3A_19 {add = true} : memref<10000xf32, #tpu.memory_space<vmem>>[vector<16xi32>], vector<16xf32>,
      %get3A_144 = arith.constant 16 : index
      %get3A_145 = tpu.vector_load %arg12[%get3A_144] {strides = array<i32>} : memref<125xi32, #tpu.memory_space<vmem>>, vector<16xi32>,
      tpu.vector_store_idx %arg16[%get3A_145], %broadcast_in_dim3A_19 {add = true} : memref<10000xf32, #tpu.memory_space<vmem>>[vector<16xi32>], vector<16xf32>,
      %get3A_146 = arith.constant 32 : index
      %get3A_147 = tpu.vector_load %arg12[%get3A_146] {strides = array<i32>} : memref<125xi32, #tpu.memory_space<vmem>>, vector<16xi32>,
      tpu.vector_store_idx %arg16[%get3A_147], %broadcast_in_dim3A_19 {add = true} : memref<10000xf32, #tpu.memory_space<vmem>>[vector<16xi32>], vector<16xf32>,
      %get3A_148 = arith.constant 48 : index
      %get3A_149 = tpu.vector_load %arg12[%get3A_148] {strides = array<i32>} : memref<125xi32, #tpu.memory_space<vmem>>, vector<16xi32>,
      tpu.vector_store_idx %arg16[%get3A_149], %broadcast_in_dim3A_19 {add = true} : memref<10000xf32, #tpu.memory_space<vmem>>[vector<16xi32>], vector<16xf32>,
      %get3A_150 = arith.constant 64 : index
      %get3A_151 = tpu.vector_load %arg12[%get3A_150] {strides = array<i32>} : memref<125xi32, #tpu.memory_space<vmem>>, vector<16xi32>,
      tpu.vector_store_idx %arg16[%get3A_151], %broadcast_in_dim3A_19 {add = true} : memref<10000xf32, #tpu.memory_space<vmem>>[vector<16xi32>], vector<16xf32>,
      %get3A_152 = arith.constant 80 : index
      %get3A_153 = tpu.vector_load %arg12[%get3A_152] {strides = array<i32>} : memref<125xi32, #tpu.memory_space<vmem>>, vector<16xi32>,
      tpu.vector_store_idx %arg16[%get3A_153], %broadcast_in_dim3A_19 {add = true} : memref<10000xf32, #tpu.memory_space<vmem>>[vector<16xi32>], vector<16xf32>,
      %get3A_154 = arith.constant 96 : index
      %get3A_155 = tpu.vector_load %arg12[%get3A_154] {strides = array<i32>} : memref<125xi32, #tpu.memory_space<vmem>>, vector<16xi32>,
      tpu.vector_store_idx %arg16[%get3A_155], %broadcast_in_dim3A_19 {add = true} : memref<10000xf32, #tpu.memory_space<vmem>>[vector<16xi32>], vector<16xf32>,
      %get3A_156 = arith.constant 109 : index
      %get3A_157 = tpu.vector_load %arg12[%get3A_156] {strides = array<i32>} : memref<125xi32, #tpu.memory_space<vmem>>, vector<16xi32>,
      tpu.vector_store_idx %arg16[%get3A_157], %broadcast_in_dim3A_19 masked %ge3A_21 {add = true} : memref<10000xf32, #tpu.memory_space<vmem>>[vector<16xi32>], vector<16xf32>, vector<16xi1>
      %dma_wait3A_158 = arith.constant 0 : i32
      %dma_wait3A_159 = arith.constant 0 : i32
      %dma_wait3A_160 = tpu.memref_slice %arg17[%dma_wait3A_158, %dma_wait3A_159] : memref<10000x128xf32, #tpu.memory_space<vmem_shared>> -> memref<10000x128xf32, #tpu.memory_space<vmem_shared>>
      tpu.wait_indirect_dma semaphore(%arg28 : memref<!tpu.dma_semaphore, #tpu.memory_space<semaphore_mem>>) src(%arg6 : memref<125x128xf32, #tpu.memory_space<vmem>>) dst(%dma_wait3A_160 : memref<10000x128xf32, #tpu.memory_space<vmem_shared>>)
      %add3A_161 = arith.constant 4 : i32
      %add3A_162 = arith.addi %add3A_121, %add3A_161 : i32
      %lt3A_163 = arith.constant 80 : i32
      %lt3A_164 = arith.cmpi slt, %add3A_162, %lt3A_163 : i32
      %convert_element_type3A_165 = arith.extui %lt3A_164 : i1 to i32
      %cond3A_166 = arith.constant 0 : i32
      %cond3A_167 = arith.cmpi ne, %convert_element_type3A_165, %cond3A_166 : i32
      scf.if %cond3A_167 {
        %add3A_318 = arith.constant 4 : i32
        %add3A_319 = arith.addi %add3A_121, %add3A_318 : i32
        %add3A_320 = arith.addi %mul3A_23, %add3A_319 : i32
        %dma_start3A_321 = arith.constant 0 : i32
        %dma_start3A_322 = tpu.memref_slice %arg3[%add3A_320, %dma_start3A_321] : memref<5120x125xi32, #tpu.memory_space<hbm>> -> memref<1x125xi32, #tpu.memory_space<hbm>>
        %dma_start3A_323 = tpu.memref_squeeze %dma_start3A_322 : memref<1x125xi32, #tpu.memory_space<hbm>> -> memref<125xi32, #tpu.memory_space<hbm>>
        %dma_start3A_324 = arith.constant 0 : i32
        %dma_start3A_325 = tpu.memref_slice %arg3[%add3A_320, %dma_start3A_324] : memref<5120x125xi32, #tpu.memory_space<hbm>> -> memref<1x125xi32, #tpu.memory_space<hbm>>
        %dma_start3A_326 = tpu.memref_squeeze %dma_start3A_325 : memref<1x125xi32, #tpu.memory_space<hbm>> -> memref<125xi32, #tpu.memory_space<hbm>>
        tpu.enqueue_dma source(%dma_start3A_326 : memref<125xi32, #tpu.memory_space<hbm>>) target(%arg8 : memref<125xi32, #tpu.memory_space<vmem>>) target_semaphore(%arg20 : memref<!tpu.dma_semaphore, #tpu.memory_space<semaphore_mem>>)
        %add3A_327 = arith.constant 2560 : i32
        %add3A_328 = arith.addi %add3A_327, %mul3A_23 : i32
        %add3A_329 = arith.addi %add3A_328, %add3A_319 : i32
        %dma_start3A_330 = arith.constant 0 : i32
        %dma_start3A_331 = tpu.memref_slice %arg3[%add3A_329, %dma_start3A_330] : memref<5120x125xi32, #tpu.memory_space<hbm>> -> memref<1x125xi32, #tpu.memory_space<hbm>>
        %dma_start3A_332 = tpu.memref_squeeze %dma_start3A_331 : memref<1x125xi32, #tpu.memory_space<hbm>> -> memref<125xi32, #tpu.memory_space<hbm>>
        %dma_start3A_333 = arith.constant 0 : i32
        %dma_start3A_334 = tpu.memref_slice %arg3[%add3A_329, %dma_start3A_333] : memref<5120x125xi32, #tpu.memory_space<hbm>> -> memref<1x125xi32, #tpu.memory_space<hbm>>
        %dma_start3A_335 = tpu.memref_squeeze %dma_start3A_334 : memref<1x125xi32, #tpu.memory_space<hbm>> -> memref<125xi32, #tpu.memory_space<hbm>>
        tpu.enqueue_dma source(%dma_start3A_335 : memref<125xi32, #tpu.memory_space<hbm>>) target(%arg12 : memref<125xi32, #tpu.memory_space<vmem>>) target_semaphore(%arg24 : memref<!tpu.dma_semaphore, #tpu.memory_space<semaphore_mem>>)
      } else {
      }
      %add3A_168 = arith.constant 1 : i32
      %add3A_169 = arith.addi %mul3A_119, %add3A_168 : i32
      %add3A_170 = arith.constant 1 : i32
      %add3A_171 = arith.addi %add3A_169, %add3A_170 : i32
      %lt3A_172 = arith.constant 80 : i32
      %lt3A_173 = arith.cmpi slt, %add3A_171, %lt3A_172 : i32
      %convert_element_type3A_174 = arith.extui %lt3A_173 : i1 to i32
      %cond3A_175 = arith.constant 0 : i32
      %cond3A_176 = arith.cmpi ne, %convert_element_type3A_174, %cond3A_175 : i32
      scf.if %cond3A_176 {
        %add3A_318 = arith.constant 1 : i32
        %add3A_319 = arith.addi %add3A_169, %add3A_318 : i32
        %add3A_320 = arith.addi %mul3A_23, %add3A_319 : i32
        %dma_wait3A_321 = arith.constant 0 : i32
        %dma_wait3A_322 = tpu.memref_slice %arg3[%add3A_320, %dma_wait3A_321] : memref<5120x125xi32, #tpu.memory_space<hbm>> -> memref<1x125xi32, #tpu.memory_space<hbm>>
        %dma_wait3A_323 = tpu.memref_squeeze %dma_wait3A_322 : memref<1x125xi32, #tpu.memory_space<hbm>> -> memref<125xi32, #tpu.memory_space<hbm>>
        %dma_wait3A_324 = arith.constant 0 : i32
        %dma_wait3A_325 = tpu.memref_slice %arg3[%add3A_320, %dma_wait3A_324] : memref<5120x125xi32, #tpu.memory_space<hbm>> -> memref<1x125xi32, #tpu.memory_space<hbm>>
        %dma_wait3A_326 = tpu.memref_squeeze %dma_wait3A_325 : memref<1x125xi32, #tpu.memory_space<hbm>> -> memref<125xi32, #tpu.memory_space<hbm>>
        tpu.wait_dma2 semaphore(%arg22 : memref<!tpu.dma_semaphore, #tpu.memory_space<semaphore_mem>>) src(%dma_wait3A_326 : memref<125xi32, #tpu.memory_space<hbm>>) dst(%arg10 : memref<125xi32, #tpu.memory_space<vmem>>)
        %dma_start3A_327 = arith.constant 0 : i32
        %dma_start3A_328 = arith.constant 0 : i32
        %dma_start3A_329 = tpu.memref_slice %arg2[%dma_start3A_327, %dma_start3A_328] : memref<10000x128xf32, #tpu.memory_space<hbm>> -> memref<10000x128xf32, #tpu.memory_space<hbm>>
        tpu.enqueue_indirect_dma source(%dma_start3A_329 : memref<10000x128xf32, #tpu.memory_space<hbm>>) target(%arg6 : memref<125x128xf32, #tpu.memory_space<vmem>>) offsets(%arg10 : memref<125xi32, #tpu.memory_space<vmem>>) semaphore(%arg18 : memref<!tpu.dma_semaphore, #tpu.memory_space<semaphore_mem>>)
      } else {
      }
      %add3A_177 = arith.constant 2560 : i32
      %add3A_178 = arith.addi %add3A_177, %mul3A_23 : i32
      %add3A_179 = arith.addi %add3A_178, %add3A_169 : i32
      %dma_wait3A_180 = arith.constant 0 : i32
      %dma_wait3A_181 = tpu.memref_slice %arg3[%add3A_179, %dma_wait3A_180] : memref<5120x125xi32, #tpu.memory_space<hbm>> -> memref<1x125xi32, #tpu.memory_space<hbm>>
      %dma_wait3A_182 = tpu.memref_squeeze %dma_wait3A_181 : memref<1x125xi32, #tpu.memory_space<hbm>> -> memref<125xi32, #tpu.memory_space<hbm>>
      %dma_wait3A_183 = arith.constant 0 : i32
      %dma_wait3A_184 = tpu.memref_slice %arg3[%add3A_179, %dma_wait3A_183] : memref<5120x125xi32, #tpu.memory_space<hbm>> -> memref<1x125xi32, #tpu.memory_space<hbm>>
      %dma_wait3A_185 = tpu.memref_squeeze %dma_wait3A_184 : memref<1x125xi32, #tpu.memory_space<hbm>> -> memref<125xi32, #tpu.memory_space<hbm>>
      tpu.wait_dma2 semaphore(%arg25 : memref<!tpu.dma_semaphore, #tpu.memory_space<semaphore_mem>>) src(%dma_wait3A_185 : memref<125xi32, #tpu.memory_space<hbm>>) dst(%arg13 : memref<125xi32, #tpu.memory_space<vmem>>)
      %dma_wait3A_186 = arith.constant 0 : i32
      %dma_wait3A_187 = arith.constant 0 : i32
      %dma_wait3A_188 = tpu.memref_slice %arg2[%dma_wait3A_186, %dma_wait3A_187] : memref<10000x128xf32, #tpu.memory_space<hbm>> -> memref<10000x128xf32, #tpu.memory_space<hbm>>
      tpu.wait_indirect_dma semaphore(%arg19 : memref<!tpu.dma_semaphore, #tpu.memory_space<semaphore_mem>>) src(%dma_wait3A_188 : memref<10000x128xf32, #tpu.memory_space<hbm>>) dst(%arg7 : memref<125x128xf32, #tpu.memory_space<vmem>>)
      %dma_start3A_189 = arith.constant 0 : i32
      %dma_start3A_190 = arith.constant 0 : i32
      %dma_start3A_191 = tpu.memref_slice %arg17[%dma_start3A_189, %dma_start3A_190] : memref<10000x128xf32, #tpu.memory_space<vmem_shared>> -> memref<10000x128xf32, #tpu.memory_space<vmem_shared>>
      tpu.enqueue_indirect_dma source(%arg7 : memref<125x128xf32, #tpu.memory_space<vmem>>) target(%dma_start3A_191 : memref<10000x128xf32, #tpu.memory_space<vmem_shared>>) offsets(%arg13 : memref<125xi32, #tpu.memory_space<vmem>>) semaphore(%arg28 : memref<!tpu.dma_semaphore, #tpu.memory_space<semaphore_mem>>) {add = true}
      %get3A_192 = arith.constant 0 : index
      %get3A_193 = tpu.vector_load %arg13[%get3A_192] {strides = array<i32>} : memref<125xi32, #tpu.memory_space<vmem>>, vector<16xi32>,
      tpu.vector_store_idx %arg16[%get3A_193], %broadcast_in_dim3A_19 {add = true} : memref<10000xf32, #tpu.memory_space<vmem>>[vector<16xi32>], vector<16xf32>,
      %get3A_194 = arith.constant 16 : index
      %get3A_195 = tpu.vector_load %arg13[%get3A_194] {strides = array<i32>} : memref<125xi32, #tpu.memory_space<vmem>>, vector<16xi32>,
      tpu.vector_store_idx %arg16[%get3A_195], %broadcast_in_dim3A_19 {add = true} : memref<10000xf32, #tpu.memory_space<vmem>>[vector<16xi32>], vector<16xf32>,
      %get3A_196 = arith.constant 32 : index
      %get3A_197 = tpu.vector_load %arg13[%get3A_196] {strides = array<i32>} : memref<125xi32, #tpu.memory_space<vmem>>, vector<16xi32>,
      tpu.vector_store_idx %arg16[%get3A_197], %broadcast_in_dim3A_19 {add = true} : memref<10000xf32, #tpu.memory_space<vmem>>[vector<16xi32>], vector<16xf32>,
      %get3A_198 = arith.constant 48 : index
      %get3A_199 = tpu.vector_load %arg13[%get3A_198] {strides = array<i32>} : memref<125xi32, #tpu.memory_space<vmem>>, vector<16xi32>,
      tpu.vector_store_idx %arg16[%get3A_199], %broadcast_in_dim3A_19 {add = true} : memref<10000xf32, #tpu.memory_space<vmem>>[vector<16xi32>], vector<16xf32>,
      %get3A_200 = arith.constant 64 : index
      %get3A_201 = tpu.vector_load %arg13[%get3A_200] {strides = array<i32>} : memref<125xi32, #tpu.memory_space<vmem>>, vector<16xi32>,
      tpu.vector_store_idx %arg16[%get3A_201], %broadcast_in_dim3A_19 {add = true} : memref<10000xf32, #tpu.memory_space<vmem>>[vector<16xi32>], vector<16xf32>,
      %get3A_202 = arith.constant 80 : index
      %get3A_203 = tpu.vector_load %arg13[%get3A_202] {strides = array<i32>} : memref<125xi32, #tpu.memory_space<vmem>>, vector<16xi32>,
      tpu.vector_store_idx %arg16[%get3A_203], %broadcast_in_dim3A_19 {add = true} : memref<10000xf32, #tpu.memory_space<vmem>>[vector<16xi32>], vector<16xf32>,
      %get3A_204 = arith.constant 96 : index
      %get3A_205 = tpu.vector_load %arg13[%get3A_204] {strides = array<i32>} : memref<125xi32, #tpu.memory_space<vmem>>, vector<16xi32>,
      tpu.vector_store_idx %arg16[%get3A_205], %broadcast_in_dim3A_19 {add = true} : memref<10000xf32, #tpu.memory_space<vmem>>[vector<16xi32>], vector<16xf32>,
      %get3A_206 = arith.constant 109 : index
      %get3A_207 = tpu.vector_load %arg13[%get3A_206] {strides = array<i32>} : memref<125xi32, #tpu.memory_space<vmem>>, vector<16xi32>,
      tpu.vector_store_idx %arg16[%get3A_207], %broadcast_in_dim3A_19 masked %ge3A_21 {add = true} : memref<10000xf32, #tpu.memory_space<vmem>>[vector<16xi32>], vector<16xf32>, vector<16xi1>
      %dma_wait3A_208 = arith.constant 0 : i32
      %dma_wait3A_209 = arith.constant 0 : i32
      %dma_wait3A_210 = tpu.memref_slice %arg17[%dma_wait3A_208, %dma_wait3A_209] : memref<10000x128xf32, #tpu.memory_space<vmem_shared>> -> memref<10000x128xf32, #tpu.memory_space<vmem_shared>>
      tpu.wait_indirect_dma semaphore(%arg28 : memref<!tpu.dma_semaphore, #tpu.memory_space<semaphore_mem>>) src(%arg7 : memref<125x128xf32, #tpu.memory_space<vmem>>) dst(%dma_wait3A_210 : memref<10000x128xf32, #tpu.memory_space<vmem_shared>>)
      %add3A_211 = arith.constant 4 : i32
      %add3A_212 = arith.addi %add3A_169, %add3A_211 : i32
      %lt3A_213 = arith.constant 80 : i32
      %lt3A_214 = arith.cmpi slt, %add3A_212, %lt3A_213 : i32
      %convert_element_type3A_215 = arith.extui %lt3A_214 : i1 to i32
      %cond3A_216 = arith.constant 0 : i32
      %cond3A_217 = arith.cmpi ne, %convert_element_type3A_215, %cond3A_216 : i32
      scf.if %cond3A_217 {
        %add3A_318 = arith.constant 4 : i32
        %add3A_319 = arith.addi %add3A_169, %add3A_318 : i32
        %add3A_320 = arith.addi %mul3A_23, %add3A_319 : i32
        %dma_start3A_321 = arith.constant 0 : i32
        %dma_start3A_322 = tpu.memref_slice %arg3[%add3A_320, %dma_start3A_321] : memref<5120x125xi32, #tpu.memory_space<hbm>> -> memref<1x125xi32, #tpu.memory_space<hbm>>
        %dma_start3A_323 = tpu.memref_squeeze %dma_start3A_322 : memref<1x125xi32, #tpu.memory_space<hbm>> -> memref<125xi32, #tpu.memory_space<hbm>>
        %dma_start3A_324 = arith.constant 0 : i32
        %dma_start3A_325 = tpu.memref_slice %arg3[%add3A_320, %dma_start3A_324] : memref<5120x125xi32, #tpu.memory_space<hbm>> -> memref<1x125xi32, #tpu.memory_space<hbm>>
        %dma_start3A_326 = tpu.memref_squeeze %dma_start3A_325 : memref<1x125xi32, #tpu.memory_space<hbm>> -> memref<125xi32, #tpu.memory_space<hbm>>
        tpu.enqueue_dma source(%dma_start3A_326 : memref<125xi32, #tpu.memory_space<hbm>>) target(%arg9 : memref<125xi32, #tpu.memory_space<vmem>>) target_semaphore(%arg21 : memref<!tpu.dma_semaphore, #tpu.memory_space<semaphore_mem>>)
        %add3A_327 = arith.constant 2560 : i32
        %add3A_328 = arith.addi %add3A_327, %mul3A_23 : i32
        %add3A_329 = arith.addi %add3A_328, %add3A_319 : i32
        %dma_start3A_330 = arith.constant 0 : i32
        %dma_start3A_331 = tpu.memref_slice %arg3[%add3A_329, %dma_start3A_330] : memref<5120x125xi32, #tpu.memory_space<hbm>> -> memref<1x125xi32, #tpu.memory_space<hbm>>
        %dma_start3A_332 = tpu.memref_squeeze %dma_start3A_331 : memref<1x125xi32, #tpu.memory_space<hbm>> -> memref<125xi32, #tpu.memory_space<hbm>>
        %dma_start3A_333 = arith.constant 0 : i32
        %dma_start3A_334 = tpu.memref_slice %arg3[%add3A_329, %dma_start3A_333] : memref<5120x125xi32, #tpu.memory_space<hbm>> -> memref<1x125xi32, #tpu.memory_space<hbm>>
        %dma_start3A_335 = tpu.memref_squeeze %dma_start3A_334 : memref<1x125xi32, #tpu.memory_space<hbm>> -> memref<125xi32, #tpu.memory_space<hbm>>
        tpu.enqueue_dma source(%dma_start3A_335 : memref<125xi32, #tpu.memory_space<hbm>>) target(%arg13 : memref<125xi32, #tpu.memory_space<vmem>>) target_semaphore(%arg25 : memref<!tpu.dma_semaphore, #tpu.memory_space<semaphore_mem>>)
      } else {
      }
      %add3A_218 = arith.constant 2 : i32
      %add3A_219 = arith.addi %mul3A_119, %add3A_218 : i32
      %add3A_220 = arith.constant 1 : i32
      %add3A_221 = arith.addi %add3A_219, %add3A_220 : i32
      %lt3A_222 = arith.constant 80 : i32
      %lt3A_223 = arith.cmpi slt, %add3A_221, %lt3A_222 : i32
      %convert_element_type3A_224 = arith.extui %lt3A_223 : i1 to i32
      %cond3A_225 = arith.constant 0 : i32
      %cond3A_226 = arith.cmpi ne, %convert_element_type3A_224, %cond3A_225 : i32
      scf.if %cond3A_226 {
        %add3A_318 = arith.constant 1 : i32
        %add3A_319 = arith.addi %add3A_219, %add3A_318 : i32
        %add3A_320 = arith.addi %mul3A_23, %add3A_319 : i32
        %dma_wait3A_321 = arith.constant 0 : i32
        %dma_wait3A_322 = tpu.memref_slice %arg3[%add3A_320, %dma_wait3A_321] : memref<5120x125xi32, #tpu.memory_space<hbm>> -> memref<1x125xi32, #tpu.memory_space<hbm>>
        %dma_wait3A_323 = tpu.memref_squeeze %dma_wait3A_322 : memref<1x125xi32, #tpu.memory_space<hbm>> -> memref<125xi32, #tpu.memory_space<hbm>>
        %dma_wait3A_324 = arith.constant 0 : i32
        %dma_wait3A_325 = tpu.memref_slice %arg3[%add3A_320, %dma_wait3A_324] : memref<5120x125xi32, #tpu.memory_space<hbm>> -> memref<1x125xi32, #tpu.memory_space<hbm>>
        %dma_wait3A_326 = tpu.memref_squeeze %dma_wait3A_325 : memref<1x125xi32, #tpu.memory_space<hbm>> -> memref<125xi32, #tpu.memory_space<hbm>>
        tpu.wait_dma2 semaphore(%arg23 : memref<!tpu.dma_semaphore, #tpu.memory_space<semaphore_mem>>) src(%dma_wait3A_326 : memref<125xi32, #tpu.memory_space<hbm>>) dst(%arg11 : memref<125xi32, #tpu.memory_space<vmem>>)
        %dma_start3A_327 = arith.constant 0 : i32
        %dma_start3A_328 = arith.constant 0 : i32
        %dma_start3A_329 = tpu.memref_slice %arg2[%dma_start3A_327, %dma_start3A_328] : memref<10000x128xf32, #tpu.memory_space<hbm>> -> memref<10000x128xf32, #tpu.memory_space<hbm>>
        tpu.enqueue_indirect_dma source(%dma_start3A_329 : memref<10000x128xf32, #tpu.memory_space<hbm>>) target(%arg7 : memref<125x128xf32, #tpu.memory_space<vmem>>) offsets(%arg11 : memref<125xi32, #tpu.memory_space<vmem>>) semaphore(%arg19 : memref<!tpu.dma_semaphore, #tpu.memory_space<semaphore_mem>>)
      } else {
      }
      %add3A_227 = arith.constant 2560 : i32
      %add3A_228 = arith.addi %add3A_227, %mul3A_23 : i32
      %add3A_229 = arith.addi %add3A_228, %add3A_219 : i32
      %dma_wait3A_230 = arith.constant 0 : i32
      %dma_wait3A_231 = tpu.memref_slice %arg3[%add3A_229, %dma_wait3A_230] : memref<5120x125xi32, #tpu.memory_space<hbm>> -> memref<1x125xi32, #tpu.memory_space<hbm>>
      %dma_wait3A_232 = tpu.memref_squeeze %dma_wait3A_231 : memref<1x125xi32, #tpu.memory_space<hbm>> -> memref<125xi32, #tpu.memory_space<hbm>>
      %dma_wait3A_233 = arith.constant 0 : i32
      %dma_wait3A_234 = tpu.memref_slice %arg3[%add3A_229, %dma_wait3A_233] : memref<5120x125xi32, #tpu.memory_space<hbm>> -> memref<1x125xi32, #tpu.memory_space<hbm>>
      %dma_wait3A_235 = tpu.memref_squeeze %dma_wait3A_234 : memref<1x125xi32, #tpu.memory_space<hbm>> -> memref<125xi32, #tpu.memory_space<hbm>>
      tpu.wait_dma2 semaphore(%arg26 : memref<!tpu.dma_semaphore, #tpu.memory_space<semaphore_mem>>) src(%dma_wait3A_235 : memref<125xi32, #tpu.memory_space<hbm>>) dst(%arg14 : memref<125xi32, #tpu.memory_space<vmem>>)
      %dma_wait3A_236 = arith.constant 0 : i32
      %dma_wait3A_237 = arith.constant 0 : i32
      %dma_wait3A_238 = tpu.memref_slice %arg2[%dma_wait3A_236, %dma_wait3A_237] : memref<10000x128xf32, #tpu.memory_space<hbm>> -> memref<10000x128xf32, #tpu.memory_space<hbm>>
      tpu.wait_indirect_dma semaphore(%arg18 : memref<!tpu.dma_semaphore, #tpu.memory_space<semaphore_mem>>) src(%dma_wait3A_238 : memref<10000x128xf32, #tpu.memory_space<hbm>>) dst(%arg6 : memref<125x128xf32, #tpu.memory_space<vmem>>)
      %dma_start3A_239 = arith.constant 0 : i32
      %dma_start3A_240 = arith.constant 0 : i32
      %dma_start3A_241 = tpu.memref_slice %arg17[%dma_start3A_239, %dma_start3A_240] : memref<10000x128xf32, #tpu.memory_space<vmem_shared>> -> memref<10000x128xf32, #tpu.memory_space<vmem_shared>>
      tpu.enqueue_indirect_dma source(%arg6 : memref<125x128xf32, #tpu.memory_space<vmem>>) target(%dma_start3A_241 : memref<10000x128xf32, #tpu.memory_space<vmem_shared>>) offsets(%arg14 : memref<125xi32, #tpu.memory_space<vmem>>) semaphore(%arg28 : memref<!tpu.dma_semaphore, #tpu.memory_space<semaphore_mem>>) {add = true}
      %get3A_242 = arith.constant 0 : index
      %get3A_243 = tpu.vector_load %arg14[%get3A_242] {strides = array<i32>} : memref<125xi32, #tpu.memory_space<vmem>>, vector<16xi32>,
      tpu.vector_store_idx %arg16[%get3A_243], %broadcast_in_dim3A_19 {add = true} : memref<10000xf32, #tpu.memory_space<vmem>>[vector<16xi32>], vector<16xf32>,
      %get3A_244 = arith.constant 16 : index
      %get3A_245 = tpu.vector_load %arg14[%get3A_244] {strides = array<i32>} : memref<125xi32, #tpu.memory_space<vmem>>, vector<16xi32>,
      tpu.vector_store_idx %arg16[%get3A_245], %broadcast_in_dim3A_19 {add = true} : memref<10000xf32, #tpu.memory_space<vmem>>[vector<16xi32>], vector<16xf32>,
      %get3A_246 = arith.constant 32 : index
      %get3A_247 = tpu.vector_load %arg14[%get3A_246] {strides = array<i32>} : memref<125xi32, #tpu.memory_space<vmem>>, vector<16xi32>,
      tpu.vector_store_idx %arg16[%get3A_247], %broadcast_in_dim3A_19 {add = true} : memref<10000xf32, #tpu.memory_space<vmem>>[vector<16xi32>], vector<16xf32>,
      %get3A_248 = arith.constant 48 : index
      %get3A_249 = tpu.vector_load %arg14[%get3A_248] {strides = array<i32>} : memref<125xi32, #tpu.memory_space<vmem>>, vector<16xi32>,
      tpu.vector_store_idx %arg16[%get3A_249], %broadcast_in_dim3A_19 {add = true} : memref<10000xf32, #tpu.memory_space<vmem>>[vector<16xi32>], vector<16xf32>,
      %get3A_250 = arith.constant 64 : index
      %get3A_251 = tpu.vector_load %arg14[%get3A_250] {strides = array<i32>} : memref<125xi32, #tpu.memory_space<vmem>>, vector<16xi32>,
      tpu.vector_store_idx %arg16[%get3A_251], %broadcast_in_dim3A_19 {add = true} : memref<10000xf32, #tpu.memory_space<vmem>>[vector<16xi32>], vector<16xf32>,
      %get3A_252 = arith.constant 80 : index
      %get3A_253 = tpu.vector_load %arg14[%get3A_252] {strides = array<i32>} : memref<125xi32, #tpu.memory_space<vmem>>, vector<16xi32>,
      tpu.vector_store_idx %arg16[%get3A_253], %broadcast_in_dim3A_19 {add = true} : memref<10000xf32, #tpu.memory_space<vmem>>[vector<16xi32>], vector<16xf32>,
      %get3A_254 = arith.constant 96 : index
      %get3A_255 = tpu.vector_load %arg14[%get3A_254] {strides = array<i32>} : memref<125xi32, #tpu.memory_space<vmem>>, vector<16xi32>,
      tpu.vector_store_idx %arg16[%get3A_255], %broadcast_in_dim3A_19 {add = true} : memref<10000xf32, #tpu.memory_space<vmem>>[vector<16xi32>], vector<16xf32>,
      %get3A_256 = arith.constant 109 : index
      %get3A_257 = tpu.vector_load %arg14[%get3A_256] {strides = array<i32>} : memref<125xi32, #tpu.memory_space<vmem>>, vector<16xi32>,
      tpu.vector_store_idx %arg16[%get3A_257], %broadcast_in_dim3A_19 masked %ge3A_21 {add = true} : memref<10000xf32, #tpu.memory_space<vmem>>[vector<16xi32>], vector<16xf32>, vector<16xi1>
      %dma_wait3A_258 = arith.constant 0 : i32
      %dma_wait3A_259 = arith.constant 0 : i32
      %dma_wait3A_260 = tpu.memref_slice %arg17[%dma_wait3A_258, %dma_wait3A_259] : memref<10000x128xf32, #tpu.memory_space<vmem_shared>> -> memref<10000x128xf32, #tpu.memory_space<vmem_shared>>
      tpu.wait_indirect_dma semaphore(%arg28 : memref<!tpu.dma_semaphore, #tpu.memory_space<semaphore_mem>>) src(%arg6 : memref<125x128xf32, #tpu.memory_space<vmem>>) dst(%dma_wait3A_260 : memref<10000x128xf32, #tpu.memory_space<vmem_shared>>)
      %add3A_261 = arith.constant 4 : i32
      %add3A_262 = arith.addi %add3A_219, %add3A_261 : i32
      %lt3A_263 = arith.constant 80 : i32
      %lt3A_264 = arith.cmpi slt, %add3A_262, %lt3A_263 : i32
      %convert_element_type3A_265 = arith.extui %lt3A_264 : i1 to i32
      %cond3A_266 = arith.constant 0 : i32
      %cond3A_267 = arith.cmpi ne, %convert_element_type3A_265, %cond3A_266 : i32
      scf.if %cond3A_267 {
        %add3A_318 = arith.constant 4 : i32
        %add3A_319 = arith.addi %add3A_219, %add3A_318 : i32
        %add3A_320 = arith.addi %mul3A_23, %add3A_319 : i32
        %dma_start3A_321 = arith.constant 0 : i32
        %dma_start3A_322 = tpu.memref_slice %arg3[%add3A_320, %dma_start3A_321] : memref<5120x125xi32, #tpu.memory_space<hbm>> -> memref<1x125xi32, #tpu.memory_space<hbm>>
        %dma_start3A_323 = tpu.memref_squeeze %dma_start3A_322 : memref<1x125xi32, #tpu.memory_space<hbm>> -> memref<125xi32, #tpu.memory_space<hbm>>
        %dma_start3A_324 = arith.constant 0 : i32
        %dma_start3A_325 = tpu.memref_slice %arg3[%add3A_320, %dma_start3A_324] : memref<5120x125xi32, #tpu.memory_space<hbm>> -> memref<1x125xi32, #tpu.memory_space<hbm>>
        %dma_start3A_326 = tpu.memref_squeeze %dma_start3A_325 : memref<1x125xi32, #tpu.memory_space<hbm>> -> memref<125xi32, #tpu.memory_space<hbm>>
        tpu.enqueue_dma source(%dma_start3A_326 : memref<125xi32, #tpu.memory_space<hbm>>) target(%arg10 : memref<125xi32, #tpu.memory_space<vmem>>) target_semaphore(%arg22 : memref<!tpu.dma_semaphore, #tpu.memory_space<semaphore_mem>>)
        %add3A_327 = arith.constant 2560 : i32
        %add3A_328 = arith.addi %add3A_327, %mul3A_23 : i32
        %add3A_329 = arith.addi %add3A_328, %add3A_319 : i32
        %dma_start3A_330 = arith.constant 0 : i32
        %dma_start3A_331 = tpu.memref_slice %arg3[%add3A_329, %dma_start3A_330] : memref<5120x125xi32, #tpu.memory_space<hbm>> -> memref<1x125xi32, #tpu.memory_space<hbm>>
        %dma_start3A_332 = tpu.memref_squeeze %dma_start3A_331 : memref<1x125xi32, #tpu.memory_space<hbm>> -> memref<125xi32, #tpu.memory_space<hbm>>
        %dma_start3A_333 = arith.constant 0 : i32
        %dma_start3A_334 = tpu.memref_slice %arg3[%add3A_329, %dma_start3A_333] : memref<5120x125xi32, #tpu.memory_space<hbm>> -> memref<1x125xi32, #tpu.memory_space<hbm>>
        %dma_start3A_335 = tpu.memref_squeeze %dma_start3A_334 : memref<1x125xi32, #tpu.memory_space<hbm>> -> memref<125xi32, #tpu.memory_space<hbm>>
        tpu.enqueue_dma source(%dma_start3A_335 : memref<125xi32, #tpu.memory_space<hbm>>) target(%arg14 : memref<125xi32, #tpu.memory_space<vmem>>) target_semaphore(%arg26 : memref<!tpu.dma_semaphore, #tpu.memory_space<semaphore_mem>>)
      } else {
      }
      %add3A_268 = arith.constant 3 : i32
      %add3A_269 = arith.addi %mul3A_119, %add3A_268 : i32
      %add3A_270 = arith.constant 1 : i32
      %add3A_271 = arith.addi %add3A_269, %add3A_270 : i32
      %lt3A_272 = arith.constant 80 : i32
      %lt3A_273 = arith.cmpi slt, %add3A_271, %lt3A_272 : i32
      %convert_element_type3A_274 = arith.extui %lt3A_273 : i1 to i32
      %cond3A_275 = arith.constant 0 : i32
      %cond3A_276 = arith.cmpi ne, %convert_element_type3A_274, %cond3A_275 : i32
      scf.if %cond3A_276 {
        %add3A_318 = arith.constant 1 : i32
        %add3A_319 = arith.addi %add3A_269, %add3A_318 : i32
        %add3A_320 = arith.addi %mul3A_23, %add3A_319 : i32
        %dma_wait3A_321 = arith.constant 0 : i32
        %dma_wait3A_322 = tpu.memref_slice %arg3[%add3A_320, %dma_wait3A_321] : memref<5120x125xi32, #tpu.memory_space<hbm>> -> memref<1x125xi32, #tpu.memory_space<hbm>>
        %dma_wait3A_323 = tpu.memref_squeeze %dma_wait3A_322 : memref<1x125xi32, #tpu.memory_space<hbm>> -> memref<125xi32, #tpu.memory_space<hbm>>
        %dma_wait3A_324 = arith.constant 0 : i32
        %dma_wait3A_325 = tpu.memref_slice %arg3[%add3A_320, %dma_wait3A_324] : memref<5120x125xi32, #tpu.memory_space<hbm>> -> memref<1x125xi32, #tpu.memory_space<hbm>>
        %dma_wait3A_326 = tpu.memref_squeeze %dma_wait3A_325 : memref<1x125xi32, #tpu.memory_space<hbm>> -> memref<125xi32, #tpu.memory_space<hbm>>
        tpu.wait_dma2 semaphore(%arg20 : memref<!tpu.dma_semaphore, #tpu.memory_space<semaphore_mem>>) src(%dma_wait3A_326 : memref<125xi32, #tpu.memory_space<hbm>>) dst(%arg8 : memref<125xi32, #tpu.memory_space<vmem>>)
        %dma_start3A_327 = arith.constant 0 : i32
        %dma_start3A_328 = arith.constant 0 : i32
        %dma_start3A_329 = tpu.memref_slice %arg2[%dma_start3A_327, %dma_start3A_328] : memref<10000x128xf32, #tpu.memory_space<hbm>> -> memref<10000x128xf32, #tpu.memory_space<hbm>>
        tpu.enqueue_indirect_dma source(%dma_start3A_329 : memref<10000x128xf32, #tpu.memory_space<hbm>>) target(%arg6 : memref<125x128xf32, #tpu.memory_space<vmem>>) offsets(%arg8 : memref<125xi32, #tpu.memory_space<vmem>>) semaphore(%arg18 : memref<!tpu.dma_semaphore, #tpu.memory_space<semaphore_mem>>)
      } else {
      }
      %add3A_277 = arith.constant 2560 : i32
      %add3A_278 = arith.addi %add3A_277, %mul3A_23 : i32
      %add3A_279 = arith.addi %add3A_278, %add3A_269 : i32
      %dma_wait3A_280 = arith.constant 0 : i32
      %dma_wait3A_281 = tpu.memref_slice %arg3[%add3A_279, %dma_wait3A_280] : memref<5120x125xi32, #tpu.memory_space<hbm>> -> memref<1x125xi32, #tpu.memory_space<hbm>>
      %dma_wait3A_282 = tpu.memref_squeeze %dma_wait3A_281 : memref<1x125xi32, #tpu.memory_space<hbm>> -> memref<125xi32, #tpu.memory_space<hbm>>
      %dma_wait3A_283 = arith.constant 0 : i32
      %dma_wait3A_284 = tpu.memref_slice %arg3[%add3A_279, %dma_wait3A_283] : memref<5120x125xi32, #tpu.memory_space<hbm>> -> memref<1x125xi32, #tpu.memory_space<hbm>>
      %dma_wait3A_285 = tpu.memref_squeeze %dma_wait3A_284 : memref<1x125xi32, #tpu.memory_space<hbm>> -> memref<125xi32, #tpu.memory_space<hbm>>
      tpu.wait_dma2 semaphore(%arg27 : memref<!tpu.dma_semaphore, #tpu.memory_space<semaphore_mem>>) src(%dma_wait3A_285 : memref<125xi32, #tpu.memory_space<hbm>>) dst(%arg15 : memref<125xi32, #tpu.memory_space<vmem>>)
      %dma_wait3A_286 = arith.constant 0 : i32
      %dma_wait3A_287 = arith.constant 0 : i32
      %dma_wait3A_288 = tpu.memref_slice %arg2[%dma_wait3A_286, %dma_wait3A_287] : memref<10000x128xf32, #tpu.memory_space<hbm>> -> memref<10000x128xf32, #tpu.memory_space<hbm>>
      tpu.wait_indirect_dma semaphore(%arg19 : memref<!tpu.dma_semaphore, #tpu.memory_space<semaphore_mem>>) src(%dma_wait3A_288 : memref<10000x128xf32, #tpu.memory_space<hbm>>) dst(%arg7 : memref<125x128xf32, #tpu.memory_space<vmem>>)
      %dma_start3A_289 = arith.constant 0 : i32
      %dma_start3A_290 = arith.constant 0 : i32
      %dma_start3A_291 = tpu.memref_slice %arg17[%dma_start3A_289, %dma_start3A_290] : memref<10000x128xf32, #tpu.memory_space<vmem_shared>> -> memref<10000x128xf32, #tpu.memory_space<vmem_shared>>
      tpu.enqueue_indirect_dma source(%arg7 : memref<125x128xf32, #tpu.memory_space<vmem>>) target(%dma_start3A_291 : memref<10000x128xf32, #tpu.memory_space<vmem_shared>>) offsets(%arg15 : memref<125xi32, #tpu.memory_space<vmem>>) semaphore(%arg28 : memref<!tpu.dma_semaphore, #tpu.memory_space<semaphore_mem>>) {add = true}
      %get3A_292 = arith.constant 0 : index
      %get3A_293 = tpu.vector_load %arg15[%get3A_292] {strides = array<i32>} : memref<125xi32, #tpu.memory_space<vmem>>, vector<16xi32>,
      tpu.vector_store_idx %arg16[%get3A_293], %broadcast_in_dim3A_19 {add = true} : memref<10000xf32, #tpu.memory_space<vmem>>[vector<16xi32>], vector<16xf32>,
      %get3A_294 = arith.constant 16 : index
      %get3A_295 = tpu.vector_load %arg15[%get3A_294] {strides = array<i32>} : memref<125xi32, #tpu.memory_space<vmem>>, vector<16xi32>,
      tpu.vector_store_idx %arg16[%get3A_295], %broadcast_in_dim3A_19 {add = true} : memref<10000xf32, #tpu.memory_space<vmem>>[vector<16xi32>], vector<16xf32>,
      %get3A_296 = arith.constant 32 : index
      %get3A_297 = tpu.vector_load %arg15[%get3A_296] {strides = array<i32>} : memref<125xi32, #tpu.memory_space<vmem>>, vector<16xi32>,
      tpu.vector_store_idx %arg16[%get3A_297], %broadcast_in_dim3A_19 {add = true} : memref<10000xf32, #tpu.memory_space<vmem>>[vector<16xi32>], vector<16xf32>,
      %get3A_298 = arith.constant 48 : index
      %get3A_299 = tpu.vector_load %arg15[%get3A_298] {strides = array<i32>} : memref<125xi32, #tpu.memory_space<vmem>>, vector<16xi32>,
      tpu.vector_store_idx %arg16[%get3A_299], %broadcast_in_dim3A_19 {add = true} : memref<10000xf32, #tpu.memory_space<vmem>>[vector<16xi32>], vector<16xf32>,
      %get3A_300 = arith.constant 64 : index
      %get3A_301 = tpu.vector_load %arg15[%get3A_300] {strides = array<i32>} : memref<125xi32, #tpu.memory_space<vmem>>, vector<16xi32>,
      tpu.vector_store_idx %arg16[%get3A_301], %broadcast_in_dim3A_19 {add = true} : memref<10000xf32, #tpu.memory_space<vmem>>[vector<16xi32>], vector<16xf32>,
      %get3A_302 = arith.constant 80 : index
      %get3A_303 = tpu.vector_load %arg15[%get3A_302] {strides = array<i32>} : memref<125xi32, #tpu.memory_space<vmem>>, vector<16xi32>,
      tpu.vector_store_idx %arg16[%get3A_303], %broadcast_in_dim3A_19 {add = true} : memref<10000xf32, #tpu.memory_space<vmem>>[vector<16xi32>], vector<16xf32>,
      %get3A_304 = arith.constant 96 : index
      %get3A_305 = tpu.vector_load %arg15[%get3A_304] {strides = array<i32>} : memref<125xi32, #tpu.memory_space<vmem>>, vector<16xi32>,
      tpu.vector_store_idx %arg16[%get3A_305], %broadcast_in_dim3A_19 {add = true} : memref<10000xf32, #tpu.memory_space<vmem>>[vector<16xi32>], vector<16xf32>,
      %get3A_306 = arith.constant 109 : index
      %get3A_307 = tpu.vector_load %arg15[%get3A_306] {strides = array<i32>} : memref<125xi32, #tpu.memory_space<vmem>>, vector<16xi32>,
      tpu.vector_store_idx %arg16[%get3A_307], %broadcast_in_dim3A_19 masked %ge3A_21 {add = true} : memref<10000xf32, #tpu.memory_space<vmem>>[vector<16xi32>], vector<16xf32>, vector<16xi1>
      %dma_wait3A_308 = arith.constant 0 : i32
      %dma_wait3A_309 = arith.constant 0 : i32
      %dma_wait3A_310 = tpu.memref_slice %arg17[%dma_wait3A_308, %dma_wait3A_309] : memref<10000x128xf32, #tpu.memory_space<vmem_shared>> -> memref<10000x128xf32, #tpu.memory_space<vmem_shared>>
      tpu.wait_indirect_dma semaphore(%arg28 : memref<!tpu.dma_semaphore, #tpu.memory_space<semaphore_mem>>) src(%arg7 : memref<125x128xf32, #tpu.memory_space<vmem>>) dst(%dma_wait3A_310 : memref<10000x128xf32, #tpu.memory_space<vmem_shared>>)
      %add3A_311 = arith.constant 4 : i32
      %add3A_312 = arith.addi %add3A_269, %add3A_311 : i32
      %lt3A_313 = arith.constant 80 : i32
      %lt3A_314 = arith.cmpi slt, %add3A_312, %lt3A_313 : i32
      %convert_element_type3A_315 = arith.extui %lt3A_314 : i1 to i32
      %cond3A_316 = arith.constant 0 : i32
      %cond3A_317 = arith.cmpi ne, %convert_element_type3A_315, %cond3A_316 : i32
      scf.if %cond3A_317 {
        %add3A_318 = arith.constant 4 : i32
        %add3A_319 = arith.addi %add3A_269, %add3A_318 : i32
        %add3A_320 = arith.addi %mul3A_23, %add3A_319 : i32
        %dma_start3A_321 = arith.constant 0 : i32
        %dma_start3A_322 = tpu.memref_slice %arg3[%add3A_320, %dma_start3A_321] : memref<5120x125xi32, #tpu.memory_space<hbm>> -> memref<1x125xi32, #tpu.memory_space<hbm>>
        %dma_start3A_323 = tpu.memref_squeeze %dma_start3A_322 : memref<1x125xi32, #tpu.memory_space<hbm>> -> memref<125xi32, #tpu.memory_space<hbm>>
        %dma_start3A_324 = arith.constant 0 : i32
        %dma_start3A_325 = tpu.memref_slice %arg3[%add3A_320, %dma_start3A_324] : memref<5120x125xi32, #tpu.memory_space<hbm>> -> memref<1x125xi32, #tpu.memory_space<hbm>>
        %dma_start3A_326 = tpu.memref_squeeze %dma_start3A_325 : memref<1x125xi32, #tpu.memory_space<hbm>> -> memref<125xi32, #tpu.memory_space<hbm>>
        tpu.enqueue_dma source(%dma_start3A_326 : memref<125xi32, #tpu.memory_space<hbm>>) target(%arg11 : memref<125xi32, #tpu.memory_space<vmem>>) target_semaphore(%arg23 : memref<!tpu.dma_semaphore, #tpu.memory_space<semaphore_mem>>)
        %add3A_327 = arith.constant 2560 : i32
        %add3A_328 = arith.addi %add3A_327, %mul3A_23 : i32
        %add3A_329 = arith.addi %add3A_328, %add3A_319 : i32
        %dma_start3A_330 = arith.constant 0 : i32
        %dma_start3A_331 = tpu.memref_slice %arg3[%add3A_329, %dma_start3A_330] : memref<5120x125xi32, #tpu.memory_space<hbm>> -> memref<1x125xi32, #tpu.memory_space<hbm>>
        %dma_start3A_332 = tpu.memref_squeeze %dma_start3A_331 : memref<1x125xi32, #tpu.memory_space<hbm>> -> memref<125xi32, #tpu.memory_space<hbm>>
        %dma_start3A_333 = arith.constant 0 : i32
        %dma_start3A_334 = tpu.memref_slice %arg3[%add3A_329, %dma_start3A_333] : memref<5120x125xi32, #tpu.memory_space<hbm>> -> memref<1x125xi32, #tpu.memory_space<hbm>>
        %dma_start3A_335 = tpu.memref_squeeze %dma_start3A_334 : memref<1x125xi32, #tpu.memory_space<hbm>> -> memref<125xi32, #tpu.memory_space<hbm>>
        tpu.enqueue_dma source(%dma_start3A_335 : memref<125xi32, #tpu.memory_space<hbm>>) target(%arg15 : memref<125xi32, #tpu.memory_space<vmem>>) target_semaphore(%arg27 : memref<!tpu.dma_semaphore, #tpu.memory_space<semaphore_mem>>)
      } else {
      }
    }
    %scan3A_109 = arith.constant 20 : i32
    "tpu.region"() ({
      %run_scoped3A = tpu.sem_alloc : memref<!tpu.dma_semaphore, #tpu.memory_space<semaphore_mem>>
      %dma_start3A_113 = arith.constant 0 : i32
      %dma_start3A_114 = tpu.memref_slice %arg5[%add3A, %dma_start3A_113] : memref<32x10000xf32, #tpu.memory_space<hbm>> -> memref<1x10000xf32, #tpu.memory_space<hbm>>
      %dma_start3A_115 = tpu.memref_squeeze %dma_start3A_114 : memref<1x10000xf32, #tpu.memory_space<hbm>> -> memref<10000xf32, #tpu.memory_space<hbm>>
      %dma_start3A_116 = arith.constant 0 : i32
      %dma_start3A_117 = tpu.memref_slice %arg5[%add3A, %dma_start3A_116] : memref<32x10000xf32, #tpu.memory_space<hbm>> -> memref<1x10000xf32, #tpu.memory_space<hbm>>
      %dma_start3A_118 = tpu.memref_squeeze %dma_start3A_117 : memref<1x10000xf32, #tpu.memory_space<hbm>> -> memref<10000xf32, #tpu.memory_space<hbm>>
      tpu.enqueue_dma source(%arg16 : memref<10000xf32, #tpu.memory_space<vmem>>) target(%dma_start3A_118 : memref<10000xf32, #tpu.memory_space<hbm>>) target_semaphore(%run_scoped3A : memref<!tpu.dma_semaphore, #tpu.memory_space<semaphore_mem>>)
      %dma_wait3A_119 = arith.constant 0 : i32
      %dma_wait3A_120 = tpu.memref_slice %arg5[%add3A, %dma_wait3A_119] : memref<32x10000xf32, #tpu.memory_space<hbm>> -> memref<1x10000xf32, #tpu.memory_space<hbm>>
      %dma_wait3A_121 = tpu.memref_squeeze %dma_wait3A_120 : memref<1x10000xf32, #tpu.memory_space<hbm>> -> memref<10000xf32, #tpu.memory_space<hbm>>
      %dma_wait3A_122 = arith.constant 0 : i32
      %dma_wait3A_123 = tpu.memref_slice %arg5[%add3A, %dma_wait3A_122] : memref<32x10000xf32, #tpu.memory_space<hbm>> -> memref<1x10000xf32, #tpu.memory_space<hbm>>
      %dma_wait3A_124 = tpu.memref_squeeze %dma_wait3A_123 : memref<1x10000xf32, #tpu.memory_space<hbm>> -> memref<10000xf32, #tpu.memory_space<hbm>>
      tpu.wait_dma2 semaphore(%run_scoped3A : memref<!tpu.dma_semaphore, #tpu.memory_space<semaphore_mem>>) src(%arg16 : memref<10000xf32, #tpu.memory_space<vmem>>) dst(%dma_wait3A_124 : memref<10000xf32, #tpu.memory_space<hbm>>)
      tpu.yield
    }) : () -> ()
    %barrier3A_110 = arith.constant 0 : index
    tpu.barrier barrier_id(%barrier3A_110)
    %eq3A = arith.constant 0 : i32
    %eq3A_111 = arith.cmpi eq, %arg1, %eq3A : i32
    %convert_element_type3A = arith.extui %eq3A_111 : i1 to i32
    %cond3A = arith.constant 0 : i32
    %cond3A_112 = arith.cmpi ne, %convert_element_type3A, %cond3A : i32
    scf.if %cond3A_112 {
      "tpu.region"() ({
        %run_scoped3A = tpu.sem_alloc : memref<!tpu.dma_semaphore, #tpu.memory_space<semaphore_mem>>
        %dma_start3A_113 = arith.constant 0 : i32
        %dma_start3A_114 = arith.constant 0 : i32
        %dma_start3A_115 = tpu.memref_slice %arg4[%arg0, %dma_start3A_113, %dma_start3A_114] : memref<2x10000x128xf32, #tpu.memory_space<hbm>> -> memref<1x10000x128xf32, #tpu.memory_space<hbm>>
        %dma_start3A_116 = tpu.memref_squeeze %dma_start3A_115 : memref<1x10000x128xf32, #tpu.memory_space<hbm>> -> memref<10000x128xf32, #tpu.memory_space<hbm>>
        tpu.enqueue_dma source(%arg17 : memref<10000x128xf32, #tpu.memory_space<vmem_shared>>) target(%dma_start3A_116 : memref<10000x128xf32, #tpu.memory_space<hbm>>) target_semaphore(%run_scoped3A : memref<!tpu.dma_semaphore, #tpu.memory_space<semaphore_mem>>)
        %dma_wait3A_117 = arith.constant 0 : i32
        %dma_wait3A_118 = arith.constant 0 : i32
        %dma_wait3A_119 = tpu.memref_slice %arg4[%arg0, %dma_wait3A_117, %dma_wait3A_118] : memref<2x10000x128xf32, #tpu.memory_space<hbm>> -> memref<1x10000x128xf32, #tpu.memory_space<hbm>>
        %dma_wait3A_120 = tpu.memref_squeeze %dma_wait3A_119 : memref<1x10000x128xf32, #tpu.memory_space<hbm>> -> memref<10000x128xf32, #tpu.memory_space<hbm>>
        tpu.wait_dma2 semaphore(%run_scoped3A : memref<!tpu.dma_semaphore, #tpu.memory_space<semaphore_mem>>) src(%arg17 : memref<10000x128xf32, #tpu.memory_space<vmem_shared>>) dst(%dma_wait3A_120 : memref<10000x128xf32, #tpu.memory_space<hbm>>)
        tpu.yield
      }) : () -> ()
    } else {
    }
    return
  }
}

#map = affine_map<(d0, d1) -> (0)>
#map1 = affine_map<(d0, d1) -> (0, 0)>
module attributes {stable_mosaic.version = 14 : i64} {
  func.func @_edge_body(%arg0: i32, %arg1: i32, %arg2: memref<40000xf32, #tpu.memory_space<hbm>>, %arg3: memref<64x10000xi32, #tpu.memory_space<hbm>>, %arg4: memref<320000xf32, #tpu.memory_space<hbm>>, %arg5: memref<320000xf32, #tpu.memory_space<hbm>>, %arg6: memref<40000xf32, #tpu.memory_space<vmem>>, %arg7: memref<10000xi32, #tpu.memory_space<vmem>>, %arg8: memref<10000xi32, #tpu.memory_space<vmem>>, %arg9: memref<10000xf32, #tpu.memory_space<vmem>>, %arg10: memref<10000xf32, #tpu.memory_space<vmem>>, %arg11: memref<!tpu.dma_semaphore, #tpu.memory_space<semaphore_mem>>, %arg12: memref<!tpu.dma_semaphore, #tpu.memory_space<semaphore_mem>>, %arg13: memref<!tpu.dma_semaphore, #tpu.memory_space<semaphore_mem>>) attributes {dimension_semantics = [#tpu.dimension_semantics<core_parallel>, #tpu.dimension_semantics<subcore_parallel>], iteration_bounds = array<i64: 2, 16>, scalar_prefetch = 0 : i64, scratch_operands = 8 : i64, tpu.core_type = #tpu.core_type<sc_vector_subcore>, window_params = [{transform_indices = #map}, {transform_indices = #map1}, {transform_indices = #map}, {transform_indices = #map}]} {
    %mul3A = arith.constant 2 : i32
    %mul3A_0 = arith.muli %arg1, %mul3A : i32
    %add3A = arith.addi %mul3A_0, %arg0 : i32
    tpu.enqueue_dma source(%arg2 : memref<40000xf32, #tpu.memory_space<hbm>>) target(%arg6 : memref<40000xf32, #tpu.memory_space<vmem>>) target_semaphore(%arg11 : memref<!tpu.dma_semaphore, #tpu.memory_space<semaphore_mem>>)
    %dma_start3A = arith.constant 0 : i32
    %dma_start3A_1 = tpu.memref_slice %arg3[%add3A, %dma_start3A] : memref<64x10000xi32, #tpu.memory_space<hbm>> -> memref<1x10000xi32, #tpu.memory_space<hbm>>
    %dma_start3A_2 = tpu.memref_squeeze %dma_start3A_1 : memref<1x10000xi32, #tpu.memory_space<hbm>> -> memref<10000xi32, #tpu.memory_space<hbm>>
    %dma_start3A_3 = arith.constant 0 : i32
    %dma_start3A_4 = tpu.memref_slice %arg3[%add3A, %dma_start3A_3] : memref<64x10000xi32, #tpu.memory_space<hbm>> -> memref<1x10000xi32, #tpu.memory_space<hbm>>
    %dma_start3A_5 = tpu.memref_squeeze %dma_start3A_4 : memref<1x10000xi32, #tpu.memory_space<hbm>> -> memref<10000xi32, #tpu.memory_space<hbm>>
    tpu.enqueue_dma source(%dma_start3A_5 : memref<10000xi32, #tpu.memory_space<hbm>>) target(%arg7 : memref<10000xi32, #tpu.memory_space<vmem>>) target_semaphore(%arg12 : memref<!tpu.dma_semaphore, #tpu.memory_space<semaphore_mem>>)
    %add3A_6 = arith.constant 32 : i32
    %add3A_7 = arith.addi %add3A_6, %add3A : i32
    %dma_start3A_8 = arith.constant 0 : i32
    %dma_start3A_9 = tpu.memref_slice %arg3[%add3A_7, %dma_start3A_8] : memref<64x10000xi32, #tpu.memory_space<hbm>> -> memref<1x10000xi32, #tpu.memory_space<hbm>>
    %dma_start3A_10 = tpu.memref_squeeze %dma_start3A_9 : memref<1x10000xi32, #tpu.memory_space<hbm>> -> memref<10000xi32, #tpu.memory_space<hbm>>
    %dma_start3A_11 = arith.constant 0 : i32
    %dma_start3A_12 = tpu.memref_slice %arg3[%add3A_7, %dma_start3A_11] : memref<64x10000xi32, #tpu.memory_space<hbm>> -> memref<1x10000xi32, #tpu.memory_space<hbm>>
    %dma_start3A_13 = tpu.memref_squeeze %dma_start3A_12 : memref<1x10000xi32, #tpu.memory_space<hbm>> -> memref<10000xi32, #tpu.memory_space<hbm>>
    tpu.enqueue_dma source(%dma_start3A_13 : memref<10000xi32, #tpu.memory_space<hbm>>) target(%arg8 : memref<10000xi32, #tpu.memory_space<vmem>>) target_semaphore(%arg13 : memref<!tpu.dma_semaphore, #tpu.memory_space<semaphore_mem>>)
    tpu.wait_dma2 semaphore(%arg11 : memref<!tpu.dma_semaphore, #tpu.memory_space<semaphore_mem>>) src(%arg2 : memref<40000xf32, #tpu.memory_space<hbm>>) dst(%arg6 : memref<40000xf32, #tpu.memory_space<vmem>>)
    %dma_wait3A = arith.constant 0 : i32
    %dma_wait3A_14 = tpu.memref_slice %arg3[%add3A, %dma_wait3A] : memref<64x10000xi32, #tpu.memory_space<hbm>> -> memref<1x10000xi32, #tpu.memory_space<hbm>>
    %dma_wait3A_15 = tpu.memref_squeeze %dma_wait3A_14 : memref<1x10000xi32, #tpu.memory_space<hbm>> -> memref<10000xi32, #tpu.memory_space<hbm>>
    %dma_wait3A_16 = arith.constant 0 : i32
    %dma_wait3A_17 = tpu.memref_slice %arg3[%add3A, %dma_wait3A_16] : memref<64x10000xi32, #tpu.memory_space<hbm>> -> memref<1x10000xi32, #tpu.memory_space<hbm>>
    %dma_wait3A_18 = tpu.memref_squeeze %dma_wait3A_17 : memref<1x10000xi32, #tpu.memory_space<hbm>> -> memref<10000xi32, #tpu.memory_space<hbm>>
    tpu.wait_dma2 semaphore(%arg12 : memref<!tpu.dma_semaphore, #tpu.memory_space<semaphore_mem>>) src(%dma_wait3A_18 : memref<10000xi32, #tpu.memory_space<hbm>>) dst(%arg7 : memref<10000xi32, #tpu.memory_space<vmem>>)
    %dma_wait3A_19 = arith.constant 0 : i32
    %dma_wait3A_20 = tpu.memref_slice %arg3[%add3A_7, %dma_wait3A_19] : memref<64x10000xi32, #tpu.memory_space<hbm>> -> memref<1x10000xi32, #tpu.memory_space<hbm>>
    %dma_wait3A_21 = tpu.memref_squeeze %dma_wait3A_20 : memref<1x10000xi32, #tpu.memory_space<hbm>> -> memref<10000xi32, #tpu.memory_space<hbm>>
    %dma_wait3A_22 = arith.constant 0 : i32
    %dma_wait3A_23 = tpu.memref_slice %arg3[%add3A_7, %dma_wait3A_22] : memref<64x10000xi32, #tpu.memory_space<hbm>> -> memref<1x10000xi32, #tpu.memory_space<hbm>>
    %dma_wait3A_24 = tpu.memref_squeeze %dma_wait3A_23 : memref<1x10000xi32, #tpu.memory_space<hbm>> -> memref<10000xi32, #tpu.memory_space<hbm>>
    tpu.wait_dma2 semaphore(%arg13 : memref<!tpu.dma_semaphore, #tpu.memory_space<semaphore_mem>>) src(%dma_wait3A_24 : memref<10000xi32, #tpu.memory_space<hbm>>) dst(%arg8 : memref<10000xi32, #tpu.memory_space<vmem>>)
    %scan3A = arith.constant 0 : i32
    %scan3A_25 = arith.constant 625 : i32
    %scan3A_26 = arith.addi %scan3A, %scan3A_25 : i32
    %scan3A_27 = arith.constant 1 : i32
    scf.for %scan3A_33 = %scan3A to %scan3A_26 step %scan3A_27  : i32 {
      %mul3A_34 = arith.constant 1 : i32
      %mul3A_35 = arith.muli %scan3A_33, %mul3A_34 : i32
      %add3A_36 = arith.constant 0 : i32
      %add3A_37 = arith.addi %add3A_36, %mul3A_35 : i32
      %mul3A_38 = arith.constant 16 : i32
      %mul3A_39 = arith.muli %add3A_37, %mul3A_38 : i32
      %get3A = arith.index_cast %mul3A_39 : i32 to index
      %get3A_40 = tpu.vector_load %arg7[%get3A] {strides = array<i32>} : memref<10000xi32, #tpu.memory_space<vmem>>, vector<16xi32>,
      %mul3A_41 = arith.constant 4 : i32
      %mul3A_42 = vector.broadcast %mul3A_41 : i32 to vector<16xi32>
      %mul3A_43 = arith.muli %get3A_40, %mul3A_42 : vector<16xi32>
      %mul3A_44 = arith.constant 16 : i32
      %mul3A_45 = arith.muli %add3A_37, %mul3A_44 : i32
      %get3A_46 = arith.index_cast %mul3A_45 : i32 to index
      %get3A_47 = tpu.vector_load %arg8[%get3A_46] {strides = array<i32>} : memref<10000xi32, #tpu.memory_space<vmem>>, vector<16xi32>,
      %mul3A_48 = arith.constant 4 : i32
      %mul3A_49 = vector.broadcast %mul3A_48 : i32 to vector<16xi32>
      %mul3A_50 = arith.muli %get3A_47, %mul3A_49 : vector<16xi32>
      %gather3A = tpu.vector_load_idx %arg6[%mul3A_43] : memref<40000xf32, #tpu.memory_space<vmem>>[vector<16xi32>], vector<16xf32>,
      %add3A_51 = arith.constant 1 : i32
      %add3A_52 = vector.broadcast %add3A_51 : i32 to vector<16xi32>
      %add3A_53 = arith.addi %mul3A_43, %add3A_52 : vector<16xi32>
      %gather3A_54 = tpu.vector_load_idx %arg6[%add3A_53] : memref<40000xf32, #tpu.memory_space<vmem>>[vector<16xi32>], vector<16xf32>,
      %add3A_55 = arith.constant 2 : i32
      %add3A_56 = vector.broadcast %add3A_55 : i32 to vector<16xi32>
      %add3A_57 = arith.addi %mul3A_50, %add3A_56 : vector<16xi32>
      %gather3A_58 = tpu.vector_load_idx %arg6[%add3A_57] : memref<40000xf32, #tpu.memory_space<vmem>>[vector<16xi32>], vector<16xf32>,
      %add3A_59 = arith.constant 3 : i32
      %add3A_60 = vector.broadcast %add3A_59 : i32 to vector<16xi32>
      %add3A_61 = arith.addi %mul3A_50, %add3A_60 : vector<16xi32>
      %gather3A_62 = tpu.vector_load_idx %arg6[%add3A_61] : memref<40000xf32, #tpu.memory_space<vmem>>[vector<16xi32>], vector<16xf32>,
      %add3A_63 = arith.addf %gather3A, %gather3A_58 : vector<16xf32>
      %mul3A_64 = arith.constant 16 : i32
      %mul3A_65 = arith.muli %add3A_37, %mul3A_64 : i32
      %swap3A = arith.index_cast %mul3A_65 : i32 to index
      %swap3A_66 = tpu.vector_load %arg9[%swap3A] {strides = array<i32>} : memref<10000xf32, #tpu.memory_space<vmem>>, vector<16xf32>,
      tpu.vector_store %arg9[%swap3A], %add3A_63 {strides = array<i32>} : memref<10000xf32, #tpu.memory_space<vmem>>, vector<16xf32>,
      %add3A_67 = arith.addf %gather3A_54, %gather3A_62 : vector<16xf32>
      %mul3A_68 = arith.constant 16 : i32
      %mul3A_69 = arith.muli %add3A_37, %mul3A_68 : i32
      %swap3A_70 = arith.index_cast %mul3A_69 : i32 to index
      %swap3A_71 = tpu.vector_load %arg10[%swap3A_70] {strides = array<i32>} : memref<10000xf32, #tpu.memory_space<vmem>>, vector<16xf32>,
      tpu.vector_store %arg10[%swap3A_70], %add3A_67 {strides = array<i32>} : memref<10000xf32, #tpu.memory_space<vmem>>, vector<16xf32>,
    }
    %scan3A_28 = arith.constant 625 : i32
    %mul3A_29 = arith.constant 10000 : i32
    %mul3A_30 = arith.muli %add3A, %mul3A_29 : i32
    "tpu.region"() ({
      %run_scoped3A = tpu.sem_alloc : memref<!tpu.dma_semaphore, #tpu.memory_space<semaphore_mem>>
      %dma_start3A_33 = tpu.memref_slice %arg4[%mul3A_30] : memref<320000xf32, #tpu.memory_space<hbm>> -> memref<10000xf32, #tpu.memory_space<hbm>>
      %dma_start3A_34 = tpu.memref_slice %arg4[%mul3A_30] : memref<320000xf32, #tpu.memory_space<hbm>> -> memref<10000xf32, #tpu.memory_space<hbm>>
      tpu.enqueue_dma source(%arg9 : memref<10000xf32, #tpu.memory_space<vmem>>) target(%dma_start3A_34 : memref<10000xf32, #tpu.memory_space<hbm>>) target_semaphore(%run_scoped3A : memref<!tpu.dma_semaphore, #tpu.memory_space<semaphore_mem>>)
      %dma_wait3A_35 = tpu.memref_slice %arg4[%mul3A_30] : memref<320000xf32, #tpu.memory_space<hbm>> -> memref<10000xf32, #tpu.memory_space<hbm>>
      %dma_wait3A_36 = tpu.memref_slice %arg4[%mul3A_30] : memref<320000xf32, #tpu.memory_space<hbm>> -> memref<10000xf32, #tpu.memory_space<hbm>>
      tpu.wait_dma2 semaphore(%run_scoped3A : memref<!tpu.dma_semaphore, #tpu.memory_space<semaphore_mem>>) src(%arg9 : memref<10000xf32, #tpu.memory_space<vmem>>) dst(%dma_wait3A_36 : memref<10000xf32, #tpu.memory_space<hbm>>)
      tpu.yield
    }) : () -> ()
    %mul3A_31 = arith.constant 10000 : i32
    %mul3A_32 = arith.muli %add3A, %mul3A_31 : i32
    "tpu.region"() ({
      %run_scoped3A = tpu.sem_alloc : memref<!tpu.dma_semaphore, #tpu.memory_space<semaphore_mem>>
      %dma_start3A_33 = tpu.memref_slice %arg5[%mul3A_32] : memref<320000xf32, #tpu.memory_space<hbm>> -> memref<10000xf32, #tpu.memory_space<hbm>>
      %dma_start3A_34 = tpu.memref_slice %arg5[%mul3A_32] : memref<320000xf32, #tpu.memory_space<hbm>> -> memref<10000xf32, #tpu.memory_space<hbm>>
      tpu.enqueue_dma source(%arg10 : memref<10000xf32, #tpu.memory_space<vmem>>) target(%dma_start3A_34 : memref<10000xf32, #tpu.memory_space<hbm>>) target_semaphore(%run_scoped3A : memref<!tpu.dma_semaphore, #tpu.memory_space<semaphore_mem>>)
      %dma_wait3A_35 = tpu.memref_slice %arg5[%mul3A_32] : memref<320000xf32, #tpu.memory_space<hbm>> -> memref<10000xf32, #tpu.memory_space<hbm>>
      %dma_wait3A_36 = tpu.memref_slice %arg5[%mul3A_32] : memref<320000xf32, #tpu.memory_space<hbm>> -> memref<10000xf32, #tpu.memory_space<hbm>>
      tpu.wait_dma2 semaphore(%run_scoped3A : memref<!tpu.dma_semaphore, #tpu.memory_space<semaphore_mem>>) src(%arg10 : memref<10000xf32, #tpu.memory_space<vmem>>) dst(%dma_wait3A_36 : memref<10000xf32, #tpu.memory_space<hbm>>)
      tpu.yield
    }) : () -> ()
    return
  }
}

#map = affine_map<(d0, d1) -> (0, 0)>
#map1 = affine_map<(d0, d1) -> (0, 0, 0)>
module attributes {stable_mosaic.version = 14 : i64} {
  func.func @_segsum_body(%arg0: i32, %arg1: i32, %arg2: memref<10000x128xf32, #tpu.memory_space<hbm>>, %arg3: memref<5120x125xi32, #tpu.memory_space<hbm>>, %arg4: memref<2x10000x128xf32, #tpu.memory_space<hbm>>, %arg5: memref<125x128xf32, #tpu.memory_space<vmem>>, %arg6: memref<125x128xf32, #tpu.memory_space<vmem>>, %arg7: memref<125xi32, #tpu.memory_space<vmem>>, %arg8: memref<125xi32, #tpu.memory_space<vmem>>, %arg9: memref<125xi32, #tpu.memory_space<vmem>>, %arg10: memref<125xi32, #tpu.memory_space<vmem>>, %arg11: memref<125xi32, #tpu.memory_space<vmem>>, %arg12: memref<125xi32, #tpu.memory_space<vmem>>, %arg13: memref<125xi32, #tpu.memory_space<vmem>>, %arg14: memref<125xi32, #tpu.memory_space<vmem>>, %arg15: memref<10000x128xf32, #tpu.memory_space<vmem_shared>>, %arg16: memref<!tpu.dma_semaphore, #tpu.memory_space<semaphore_mem>>, %arg17: memref<!tpu.dma_semaphore, #tpu.memory_space<semaphore_mem>>, %arg18: memref<!tpu.dma_semaphore, #tpu.memory_space<semaphore_mem>>, %arg19: memref<!tpu.dma_semaphore, #tpu.memory_space<semaphore_mem>>, %arg20: memref<!tpu.dma_semaphore, #tpu.memory_space<semaphore_mem>>, %arg21: memref<!tpu.dma_semaphore, #tpu.memory_space<semaphore_mem>>, %arg22: memref<!tpu.dma_semaphore, #tpu.memory_space<semaphore_mem>>, %arg23: memref<!tpu.dma_semaphore, #tpu.memory_space<semaphore_mem>>, %arg24: memref<!tpu.dma_semaphore, #tpu.memory_space<semaphore_mem>>, %arg25: memref<!tpu.dma_semaphore, #tpu.memory_space<semaphore_mem>>, %arg26: memref<!tpu.dma_semaphore, #tpu.memory_space<semaphore_mem>>) attributes {dimension_semantics = [#tpu.dimension_semantics<core_parallel>, #tpu.dimension_semantics<subcore_parallel>], iteration_bounds = array<i64: 2, 16>, scalar_prefetch = 0 : i64, scratch_operands = 22 : i64, tpu.core_type = #tpu.core_type<sc_vector_subcore>, window_params = [{transform_indices = #map}, {transform_indices = #map}, {transform_indices = #map1}]} {
    %mul3A = arith.constant 2 : i32
    %mul3A_0 = arith.muli %arg1, %mul3A : i32
    %add3A = arith.addi %mul3A_0, %arg0 : i32
    %broadcast_in_dim3A = arith.constant 0.000000e+00 : f32
    %broadcast_in_dim3A_1 = vector.broadcast %broadcast_in_dim3A : f32 to vector<16xf32>
    %scan3A = arith.constant 0 : i32
    %scan3A_2 = arith.constant 1000 : i32
    %scan3A_3 = arith.addi %scan3A, %scan3A_2 : i32
    %scan3A_4 = arith.constant 1 : i32
    scf.for %scan3A_102 = %scan3A to %scan3A_3 step %scan3A_4  : i32 {
      %mul3A_103 = arith.constant 1 : i32
      %mul3A_104 = arith.muli %scan3A_102, %mul3A_103 : i32
      %add3A_105 = arith.constant 0 : i32
      %add3A_106 = arith.addi %add3A_105, %mul3A_104 : i32
      %mul3A_107 = arith.constant 16 : i32
      %mul3A_108 = arith.muli %add3A_106, %mul3A_107 : i32
      %jit3A = arith.constant 128 : i32
      %div3A = arith.divsi %mul3A_108, %jit3A : i32
      %sign3A = arith.constant 0 : i32
      %sign3A_109 = arith.cmpi sgt, %mul3A_108, %sign3A : i32
      %sign3A_110 = arith.extui %sign3A_109 : i1 to i32
      %sign3A_111 = arith.constant 0 : i32
      %sign3A_112 = arith.cmpi slt, %mul3A_108, %sign3A_111 : i32
      %sign3A_113 = arith.extui %sign3A_112 : i1 to i32
      %sign3A_114 = arith.subi %sign3A_110, %sign3A_113 : i32
      %sign3A_115 = arith.constant 0 : i32
      %sign3A_116 = arith.cmpi sgt, %jit3A, %sign3A_115 : i32
      %sign3A_117 = arith.extui %sign3A_116 : i1 to i32
      %sign3A_118 = arith.constant 0 : i32
      %sign3A_119 = arith.cmpi slt, %jit3A, %sign3A_118 : i32
      %sign3A_120 = arith.extui %sign3A_119 : i1 to i32
      %sign3A_121 = arith.subi %sign3A_117, %sign3A_120 : i32
      %ne3A = arith.cmpi ne, %sign3A_114, %sign3A_121 : i32
      %rem3A = arith.remsi %mul3A_108, %jit3A : i32
      %ne3A_122 = arith.constant 0 : i32
      %ne3A_123 = arith.cmpi ne, %rem3A, %ne3A_122 : i32
      %and3A = arith.andi %ne3A, %ne3A_123 : i1
      %sub3A = arith.constant 1 : i32
      %sub3A_124 = arith.subi %div3A, %sub3A : i32
      %select_n3A = arith.select %and3A, %sub3A_124, %div3A : i32
      %mul3A_125 = arith.constant 16 : i32
      %mul3A_126 = arith.muli %add3A_106, %mul3A_125 : i32
      %jit3A_127 = arith.constant 128 : i32
      %eq3A_128 = arith.constant 0 : i32
      %eq3A_129 = arith.cmpi eq, %jit3A_127, %eq3A_128 : i32
      %jit3A_130 = arith.constant 1 : i32
      %select_n3A_131 = arith.select %eq3A_129, %jit3A_130, %jit3A_127 : i32
      %rem3A_132 = arith.remsi %mul3A_126, %select_n3A_131 : i32
      %ne3A_133 = arith.constant 0 : i32
      %ne3A_134 = arith.cmpi ne, %rem3A_132, %ne3A_133 : i32
      %lt3A = arith.constant 0 : i32
      %lt3A_135 = arith.cmpi slt, %rem3A_132, %lt3A : i32
      %lt3A_136 = arith.constant 0 : i32
      %lt3A_137 = arith.cmpi slt, %select_n3A_131, %lt3A_136 : i32
      %ne3A_138 = arith.xori %lt3A_135, %lt3A_137 : i1
      %and3A_139 = arith.andi %ne3A_138, %ne3A_134 : i1
      %add3A_140 = arith.addi %rem3A_132, %select_n3A_131 : i32
      %select_n3A_141 = arith.select %and3A_139, %add3A_140, %rem3A_132 : i32
      %swap3A = arith.index_cast %select_n3A : i32 to index
      %swap3A_142 = arith.index_cast %select_n3A_141 : i32 to index
      %swap3A_143 = tpu.vector_load %arg5[%swap3A, %swap3A_142] {strides = array<i32>} : memref<125x128xf32, #tpu.memory_space<vmem>>, vector<16xf32>,
      tpu.vector_store %arg5[%swap3A, %swap3A_142], %broadcast_in_dim3A_1 {strides = array<i32>} : memref<125x128xf32, #tpu.memory_space<vmem>>, vector<16xf32>,
    }
    %scan3A_5 = arith.constant 1000 : i32
    %scan3A_6 = arith.constant 0 : i32
    %scan3A_7 = arith.constant 5 : i32
    %scan3A_8 = arith.addi %scan3A_6, %scan3A_7 : i32
    %scan3A_9 = arith.constant 1 : i32
    scf.for %scan3A_102 = %scan3A_6 to %scan3A_8 step %scan3A_9  : i32 {
      %mul3A_103 = arith.constant 1 : i32
      %mul3A_104 = arith.muli %scan3A_102, %mul3A_103 : i32
      %add3A_105 = arith.constant 0 : i32
      %add3A_106 = arith.addi %add3A_105, %mul3A_104 : i32
      %mul3A_107 = arith.constant 5 : i32
      %mul3A_108 = arith.muli %arg1, %mul3A_107 : i32
      %add3A_109 = arith.addi %mul3A_108, %add3A_106 : i32
      %mul3A_110 = arith.constant 125 : i32
      %mul3A_111 = arith.muli %add3A_109, %mul3A_110 : i32
      "tpu.region"() ({
        %run_scoped3A = tpu.sem_alloc : memref<!tpu.dma_semaphore, #tpu.memory_space<semaphore_mem>>
        %dma_start3A_112 = arith.constant 0 : i32
        %dma_start3A_113 = tpu.memref_slice %arg15[%mul3A_111, %dma_start3A_112] : memref<10000x128xf32, #tpu.memory_space<vmem_shared>> -> memref<125x128xf32, #tpu.memory_space<vmem_shared>>
        %dma_start3A_114 = arith.constant 0 : i32
        %dma_start3A_115 = tpu.memref_slice %arg15[%mul3A_111, %dma_start3A_114] : memref<10000x128xf32, #tpu.memory_space<vmem_shared>> -> memref<125x128xf32, #tpu.memory_space<vmem_shared>>
        tpu.enqueue_dma source(%arg5 : memref<125x128xf32, #tpu.memory_space<vmem>>) target(%dma_start3A_115 : memref<125x128xf32, #tpu.memory_space<vmem_shared>>) target_semaphore(%run_scoped3A : memref<!tpu.dma_semaphore, #tpu.memory_space<semaphore_mem>>)
        %dma_wait3A_116 = arith.constant 0 : i32
        %dma_wait3A_117 = tpu.memref_slice %arg15[%mul3A_111, %dma_wait3A_116] : memref<10000x128xf32, #tpu.memory_space<vmem_shared>> -> memref<125x128xf32, #tpu.memory_space<vmem_shared>>
        %dma_wait3A_118 = arith.constant 0 : i32
        %dma_wait3A_119 = tpu.memref_slice %arg15[%mul3A_111, %dma_wait3A_118] : memref<10000x128xf32, #tpu.memory_space<vmem_shared>> -> memref<125x128xf32, #tpu.memory_space<vmem_shared>>
        tpu.wait_dma2 semaphore(%run_scoped3A : memref<!tpu.dma_semaphore, #tpu.memory_space<semaphore_mem>>) src(%arg5 : memref<125x128xf32, #tpu.memory_space<vmem>>) dst(%dma_wait3A_119 : memref<125x128xf32, #tpu.memory_space<vmem_shared>>)
        tpu.yield
      }) : () -> ()
    }
    %scan3A_10 = arith.constant 5 : i32
    %barrier3A = arith.constant 0 : index
    tpu.barrier barrier_id(%barrier3A)
    %mul3A_11 = arith.constant 80 : i32
    %mul3A_12 = arith.muli %add3A, %mul3A_11 : i32
    %add3A_13 = arith.constant 0 : i32
    %add3A_14 = arith.addi %mul3A_12, %add3A_13 : i32
    %dma_start3A = arith.constant 0 : i32
    %dma_start3A_15 = tpu.memref_slice %arg3[%add3A_14, %dma_start3A] : memref<5120x125xi32, #tpu.memory_space<hbm>> -> memref<1x125xi32, #tpu.memory_space<hbm>>
    %dma_start3A_16 = tpu.memref_squeeze %dma_start3A_15 : memref<1x125xi32, #tpu.memory_space<hbm>> -> memref<125xi32, #tpu.memory_space<hbm>>
    %dma_start3A_17 = arith.constant 0 : i32
    %dma_start3A_18 = tpu.memref_slice %arg3[%add3A_14, %dma_start3A_17] : memref<5120x125xi32, #tpu.memory_space<hbm>> -> memref<1x125xi32, #tpu.memory_space<hbm>>
    %dma_start3A_19 = tpu.memref_squeeze %dma_start3A_18 : memref<1x125xi32, #tpu.memory_space<hbm>> -> memref<125xi32, #tpu.memory_space<hbm>>
    tpu.enqueue_dma source(%dma_start3A_19 : memref<125xi32, #tpu.memory_space<hbm>>) target(%arg7 : memref<125xi32, #tpu.memory_space<vmem>>) target_semaphore(%arg18 : memref<!tpu.dma_semaphore, #tpu.memory_space<semaphore_mem>>)
    %add3A_20 = arith.constant 2560 : i32
    %add3A_21 = arith.addi %add3A_20, %mul3A_12 : i32
    %add3A_22 = arith.constant 0 : i32
    %add3A_23 = arith.addi %add3A_21, %add3A_22 : i32
    %dma_start3A_24 = arith.constant 0 : i32
    %dma_start3A_25 = tpu.memref_slice %arg3[%add3A_23, %dma_start3A_24] : memref<5120x125xi32, #tpu.memory_space<hbm>> -> memref<1x125xi32, #tpu.memory_space<hbm>>
    %dma_start3A_26 = tpu.memref_squeeze %dma_start3A_25 : memref<1x125xi32, #tpu.memory_space<hbm>> -> memref<125xi32, #tpu.memory_space<hbm>>
    %dma_start3A_27 = arith.constant 0 : i32
    %dma_start3A_28 = tpu.memref_slice %arg3[%add3A_23, %dma_start3A_27] : memref<5120x125xi32, #tpu.memory_space<hbm>> -> memref<1x125xi32, #tpu.memory_space<hbm>>
    %dma_start3A_29 = tpu.memref_squeeze %dma_start3A_28 : memref<1x125xi32, #tpu.memory_space<hbm>> -> memref<125xi32, #tpu.memory_space<hbm>>
    tpu.enqueue_dma source(%dma_start3A_29 : memref<125xi32, #tpu.memory_space<hbm>>) target(%arg11 : memref<125xi32, #tpu.memory_space<vmem>>) target_semaphore(%arg22 : memref<!tpu.dma_semaphore, #tpu.memory_space<semaphore_mem>>)
    %add3A_30 = arith.constant 1 : i32
    %add3A_31 = arith.addi %mul3A_12, %add3A_30 : i32
    %dma_start3A_32 = arith.constant 0 : i32
    %dma_start3A_33 = tpu.memref_slice %arg3[%add3A_31, %dma_start3A_32] : memref<5120x125xi32, #tpu.memory_space<hbm>> -> memref<1x125xi32, #tpu.memory_space<hbm>>
    %dma_start3A_34 = tpu.memref_squeeze %dma_start3A_33 : memref<1x125xi32, #tpu.memory_space<hbm>> -> memref<125xi32, #tpu.memory_space<hbm>>
    %dma_start3A_35 = arith.constant 0 : i32
    %dma_start3A_36 = tpu.memref_slice %arg3[%add3A_31, %dma_start3A_35] : memref<5120x125xi32, #tpu.memory_space<hbm>> -> memref<1x125xi32, #tpu.memory_space<hbm>>
    %dma_start3A_37 = tpu.memref_squeeze %dma_start3A_36 : memref<1x125xi32, #tpu.memory_space<hbm>> -> memref<125xi32, #tpu.memory_space<hbm>>
    tpu.enqueue_dma source(%dma_start3A_37 : memref<125xi32, #tpu.memory_space<hbm>>) target(%arg8 : memref<125xi32, #tpu.memory_space<vmem>>) target_semaphore(%arg19 : memref<!tpu.dma_semaphore, #tpu.memory_space<semaphore_mem>>)
    %add3A_38 = arith.constant 2560 : i32
    %add3A_39 = arith.addi %add3A_38, %mul3A_12 : i32
    %add3A_40 = arith.constant 1 : i32
    %add3A_41 = arith.addi %add3A_39, %add3A_40 : i32
    %dma_start3A_42 = arith.constant 0 : i32
    %dma_start3A_43 = tpu.memref_slice %arg3[%add3A_41, %dma_start3A_42] : memref<5120x125xi32, #tpu.memory_space<hbm>> -> memref<1x125xi32, #tpu.memory_space<hbm>>
    %dma_start3A_44 = tpu.memref_squeeze %dma_start3A_43 : memref<1x125xi32, #tpu.memory_space<hbm>> -> memref<125xi32, #tpu.memory_space<hbm>>
    %dma_start3A_45 = arith.constant 0 : i32
    %dma_start3A_46 = tpu.memref_slice %arg3[%add3A_41, %dma_start3A_45] : memref<5120x125xi32, #tpu.memory_space<hbm>> -> memref<1x125xi32, #tpu.memory_space<hbm>>
    %dma_start3A_47 = tpu.memref_squeeze %dma_start3A_46 : memref<1x125xi32, #tpu.memory_space<hbm>> -> memref<125xi32, #tpu.memory_space<hbm>>
    tpu.enqueue_dma source(%dma_start3A_47 : memref<125xi32, #tpu.memory_space<hbm>>) target(%arg12 : memref<125xi32, #tpu.memory_space<vmem>>) target_semaphore(%arg23 : memref<!tpu.dma_semaphore, #tpu.memory_space<semaphore_mem>>)
    %add3A_48 = arith.constant 2 : i32
    %add3A_49 = arith.addi %mul3A_12, %add3A_48 : i32
    %dma_start3A_50 = arith.constant 0 : i32
    %dma_start3A_51 = tpu.memref_slice %arg3[%add3A_49, %dma_start3A_50] : memref<5120x125xi32, #tpu.memory_space<hbm>> -> memref<1x125xi32, #tpu.memory_space<hbm>>
    %dma_start3A_52 = tpu.memref_squeeze %dma_start3A_51 : memref<1x125xi32, #tpu.memory_space<hbm>> -> memref<125xi32, #tpu.memory_space<hbm>>
    %dma_start3A_53 = arith.constant 0 : i32
    %dma_start3A_54 = tpu.memref_slice %arg3[%add3A_49, %dma_start3A_53] : memref<5120x125xi32, #tpu.memory_space<hbm>> -> memref<1x125xi32, #tpu.memory_space<hbm>>
    %dma_start3A_55 = tpu.memref_squeeze %dma_start3A_54 : memref<1x125xi32, #tpu.memory_space<hbm>> -> memref<125xi32, #tpu.memory_space<hbm>>
    tpu.enqueue_dma source(%dma_start3A_55 : memref<125xi32, #tpu.memory_space<hbm>>) target(%arg9 : memref<125xi32, #tpu.memory_space<vmem>>) target_semaphore(%arg20 : memref<!tpu.dma_semaphore, #tpu.memory_space<semaphore_mem>>)
    %add3A_56 = arith.constant 2560 : i32
    %add3A_57 = arith.addi %add3A_56, %mul3A_12 : i32
    %add3A_58 = arith.constant 2 : i32
    %add3A_59 = arith.addi %add3A_57, %add3A_58 : i32
    %dma_start3A_60 = arith.constant 0 : i32
    %dma_start3A_61 = tpu.memref_slice %arg3[%add3A_59, %dma_start3A_60] : memref<5120x125xi32, #tpu.memory_space<hbm>> -> memref<1x125xi32, #tpu.memory_space<hbm>>
    %dma_start3A_62 = tpu.memref_squeeze %dma_start3A_61 : memref<1x125xi32, #tpu.memory_space<hbm>> -> memref<125xi32, #tpu.memory_space<hbm>>
    %dma_start3A_63 = arith.constant 0 : i32
    %dma_start3A_64 = tpu.memref_slice %arg3[%add3A_59, %dma_start3A_63] : memref<5120x125xi32, #tpu.memory_space<hbm>> -> memref<1x125xi32, #tpu.memory_space<hbm>>
    %dma_start3A_65 = tpu.memref_squeeze %dma_start3A_64 : memref<1x125xi32, #tpu.memory_space<hbm>> -> memref<125xi32, #tpu.memory_space<hbm>>
    tpu.enqueue_dma source(%dma_start3A_65 : memref<125xi32, #tpu.memory_space<hbm>>) target(%arg13 : memref<125xi32, #tpu.memory_space<vmem>>) target_semaphore(%arg24 : memref<!tpu.dma_semaphore, #tpu.memory_space<semaphore_mem>>)
    %add3A_66 = arith.constant 3 : i32
    %add3A_67 = arith.addi %mul3A_12, %add3A_66 : i32
    %dma_start3A_68 = arith.constant 0 : i32
    %dma_start3A_69 = tpu.memref_slice %arg3[%add3A_67, %dma_start3A_68] : memref<5120x125xi32, #tpu.memory_space<hbm>> -> memref<1x125xi32, #tpu.memory_space<hbm>>
    %dma_start3A_70 = tpu.memref_squeeze %dma_start3A_69 : memref<1x125xi32, #tpu.memory_space<hbm>> -> memref<125xi32, #tpu.memory_space<hbm>>
    %dma_start3A_71 = arith.constant 0 : i32
    %dma_start3A_72 = tpu.memref_slice %arg3[%add3A_67, %dma_start3A_71] : memref<5120x125xi32, #tpu.memory_space<hbm>> -> memref<1x125xi32, #tpu.memory_space<hbm>>
    %dma_start3A_73 = tpu.memref_squeeze %dma_start3A_72 : memref<1x125xi32, #tpu.memory_space<hbm>> -> memref<125xi32, #tpu.memory_space<hbm>>
    tpu.enqueue_dma source(%dma_start3A_73 : memref<125xi32, #tpu.memory_space<hbm>>) target(%arg10 : memref<125xi32, #tpu.memory_space<vmem>>) target_semaphore(%arg21 : memref<!tpu.dma_semaphore, #tpu.memory_space<semaphore_mem>>)
    %add3A_74 = arith.constant 2560 : i32
    %add3A_75 = arith.addi %add3A_74, %mul3A_12 : i32
    %add3A_76 = arith.constant 3 : i32
    %add3A_77 = arith.addi %add3A_75, %add3A_76 : i32
    %dma_start3A_78 = arith.constant 0 : i32
    %dma_start3A_79 = tpu.memref_slice %arg3[%add3A_77, %dma_start3A_78] : memref<5120x125xi32, #tpu.memory_space<hbm>> -> memref<1x125xi32, #tpu.memory_space<hbm>>
    %dma_start3A_80 = tpu.memref_squeeze %dma_start3A_79 : memref<1x125xi32, #tpu.memory_space<hbm>> -> memref<125xi32, #tpu.memory_space<hbm>>
    %dma_start3A_81 = arith.constant 0 : i32
    %dma_start3A_82 = tpu.memref_slice %arg3[%add3A_77, %dma_start3A_81] : memref<5120x125xi32, #tpu.memory_space<hbm>> -> memref<1x125xi32, #tpu.memory_space<hbm>>
    %dma_start3A_83 = tpu.memref_squeeze %dma_start3A_82 : memref<1x125xi32, #tpu.memory_space<hbm>> -> memref<125xi32, #tpu.memory_space<hbm>>
    tpu.enqueue_dma source(%dma_start3A_83 : memref<125xi32, #tpu.memory_space<hbm>>) target(%arg14 : memref<125xi32, #tpu.memory_space<vmem>>) target_semaphore(%arg25 : memref<!tpu.dma_semaphore, #tpu.memory_space<semaphore_mem>>)
    %add3A_84 = arith.constant 0 : i32
    %add3A_85 = arith.addi %mul3A_12, %add3A_84 : i32
    %dma_wait3A = arith.constant 0 : i32
    %dma_wait3A_86 = tpu.memref_slice %arg3[%add3A_85, %dma_wait3A] : memref<5120x125xi32, #tpu.memory_space<hbm>> -> memref<1x125xi32, #tpu.memory_space<hbm>>
    %dma_wait3A_87 = tpu.memref_squeeze %dma_wait3A_86 : memref<1x125xi32, #tpu.memory_space<hbm>> -> memref<125xi32, #tpu.memory_space<hbm>>
    %dma_wait3A_88 = arith.constant 0 : i32
    %dma_wait3A_89 = tpu.memref_slice %arg3[%add3A_85, %dma_wait3A_88] : memref<5120x125xi32, #tpu.memory_space<hbm>> -> memref<1x125xi32, #tpu.memory_space<hbm>>
    %dma_wait3A_90 = tpu.memref_squeeze %dma_wait3A_89 : memref<1x125xi32, #tpu.memory_space<hbm>> -> memref<125xi32, #tpu.memory_space<hbm>>
    tpu.wait_dma2 semaphore(%arg18 : memref<!tpu.dma_semaphore, #tpu.memory_space<semaphore_mem>>) src(%dma_wait3A_90 : memref<125xi32, #tpu.memory_space<hbm>>) dst(%arg7 : memref<125xi32, #tpu.memory_space<vmem>>)
    %dma_start3A_91 = arith.constant 0 : i32
    %dma_start3A_92 = arith.constant 0 : i32
    %dma_start3A_93 = tpu.memref_slice %arg2[%dma_start3A_91, %dma_start3A_92] : memref<10000x128xf32, #tpu.memory_space<hbm>> -> memref<10000x128xf32, #tpu.memory_space<hbm>>
    tpu.enqueue_indirect_dma source(%dma_start3A_93 : memref<10000x128xf32, #tpu.memory_space<hbm>>) target(%arg5 : memref<125x128xf32, #tpu.memory_space<vmem>>) offsets(%arg7 : memref<125xi32, #tpu.memory_space<vmem>>) semaphore(%arg16 : memref<!tpu.dma_semaphore, #tpu.memory_space<semaphore_mem>>)
    %scan3A_94 = arith.constant 0 : i32
    %scan3A_95 = arith.constant 20 : i32
    %scan3A_96 = arith.addi %scan3A_94, %scan3A_95 : i32
    %scan3A_97 = arith.constant 1 : i32
    scf.for %scan3A_102 = %scan3A_94 to %scan3A_96 step %scan3A_97  : i32 {
      %mul3A_103 = arith.constant 1 : i32
      %mul3A_104 = arith.muli %scan3A_102, %mul3A_103 : i32
      %add3A_105 = arith.constant 0 : i32
      %add3A_106 = arith.addi %add3A_105, %mul3A_104 : i32
      %mul3A_107 = arith.constant 4 : i32
      %mul3A_108 = arith.muli %add3A_106, %mul3A_107 : i32
      %add3A_109 = arith.constant 0 : i32
      %add3A_110 = arith.addi %mul3A_108, %add3A_109 : i32
      %add3A_111 = arith.constant 1 : i32
      %add3A_112 = arith.addi %add3A_110, %add3A_111 : i32
      %lt3A = arith.constant 80 : i32
      %lt3A_113 = arith.cmpi slt, %add3A_112, %lt3A : i32
      %convert_element_type3A_114 = arith.extui %lt3A_113 : i1 to i32
      %cond3A_115 = arith.constant 0 : i32
      %cond3A_116 = arith.cmpi ne, %convert_element_type3A_114, %cond3A_115 : i32
      scf.if %cond3A_116 {
        %add3A_244 = arith.constant 1 : i32
        %add3A_245 = arith.addi %add3A_110, %add3A_244 : i32
        %add3A_246 = arith.addi %mul3A_12, %add3A_245 : i32
        %dma_wait3A_247 = arith.constant 0 : i32
        %dma_wait3A_248 = tpu.memref_slice %arg3[%add3A_246, %dma_wait3A_247] : memref<5120x125xi32, #tpu.memory_space<hbm>> -> memref<1x125xi32, #tpu.memory_space<hbm>>
        %dma_wait3A_249 = tpu.memref_squeeze %dma_wait3A_248 : memref<1x125xi32, #tpu.memory_space<hbm>> -> memref<125xi32, #tpu.memory_space<hbm>>
        %dma_wait3A_250 = arith.constant 0 : i32
        %dma_wait3A_251 = tpu.memref_slice %arg3[%add3A_246, %dma_wait3A_250] : memref<5120x125xi32, #tpu.memory_space<hbm>> -> memref<1x125xi32, #tpu.memory_space<hbm>>
        %dma_wait3A_252 = tpu.memref_squeeze %dma_wait3A_251 : memref<1x125xi32, #tpu.memory_space<hbm>> -> memref<125xi32, #tpu.memory_space<hbm>>
        tpu.wait_dma2 semaphore(%arg19 : memref<!tpu.dma_semaphore, #tpu.memory_space<semaphore_mem>>) src(%dma_wait3A_252 : memref<125xi32, #tpu.memory_space<hbm>>) dst(%arg8 : memref<125xi32, #tpu.memory_space<vmem>>)
        %dma_start3A_253 = arith.constant 0 : i32
        %dma_start3A_254 = arith.constant 0 : i32
        %dma_start3A_255 = tpu.memref_slice %arg2[%dma_start3A_253, %dma_start3A_254] : memref<10000x128xf32, #tpu.memory_space<hbm>> -> memref<10000x128xf32, #tpu.memory_space<hbm>>
        tpu.enqueue_indirect_dma source(%dma_start3A_255 : memref<10000x128xf32, #tpu.memory_space<hbm>>) target(%arg6 : memref<125x128xf32, #tpu.memory_space<vmem>>) offsets(%arg8 : memref<125xi32, #tpu.memory_space<vmem>>) semaphore(%arg17 : memref<!tpu.dma_semaphore, #tpu.memory_space<semaphore_mem>>)
      } else {
      }
      %add3A_117 = arith.constant 2560 : i32
      %add3A_118 = arith.addi %add3A_117, %mul3A_12 : i32
      %add3A_119 = arith.addi %add3A_118, %add3A_110 : i32
      %dma_wait3A_120 = arith.constant 0 : i32
      %dma_wait3A_121 = tpu.memref_slice %arg3[%add3A_119, %dma_wait3A_120] : memref<5120x125xi32, #tpu.memory_space<hbm>> -> memref<1x125xi32, #tpu.memory_space<hbm>>
      %dma_wait3A_122 = tpu.memref_squeeze %dma_wait3A_121 : memref<1x125xi32, #tpu.memory_space<hbm>> -> memref<125xi32, #tpu.memory_space<hbm>>
      %dma_wait3A_123 = arith.constant 0 : i32
      %dma_wait3A_124 = tpu.memref_slice %arg3[%add3A_119, %dma_wait3A_123] : memref<5120x125xi32, #tpu.memory_space<hbm>> -> memref<1x125xi32, #tpu.memory_space<hbm>>
      %dma_wait3A_125 = tpu.memref_squeeze %dma_wait3A_124 : memref<1x125xi32, #tpu.memory_space<hbm>> -> memref<125xi32, #tpu.memory_space<hbm>>
      tpu.wait_dma2 semaphore(%arg22 : memref<!tpu.dma_semaphore, #tpu.memory_space<semaphore_mem>>) src(%dma_wait3A_125 : memref<125xi32, #tpu.memory_space<hbm>>) dst(%arg11 : memref<125xi32, #tpu.memory_space<vmem>>)
      %dma_wait3A_126 = arith.constant 0 : i32
      %dma_wait3A_127 = arith.constant 0 : i32
      %dma_wait3A_128 = tpu.memref_slice %arg2[%dma_wait3A_126, %dma_wait3A_127] : memref<10000x128xf32, #tpu.memory_space<hbm>> -> memref<10000x128xf32, #tpu.memory_space<hbm>>
      tpu.wait_indirect_dma semaphore(%arg16 : memref<!tpu.dma_semaphore, #tpu.memory_space<semaphore_mem>>) src(%dma_wait3A_128 : memref<10000x128xf32, #tpu.memory_space<hbm>>) dst(%arg5 : memref<125x128xf32, #tpu.memory_space<vmem>>)
      %dma_start3A_129 = arith.constant 0 : i32
      %dma_start3A_130 = arith.constant 0 : i32
      %dma_start3A_131 = tpu.memref_slice %arg15[%dma_start3A_129, %dma_start3A_130] : memref<10000x128xf32, #tpu.memory_space<vmem_shared>> -> memref<10000x128xf32, #tpu.memory_space<vmem_shared>>
      tpu.enqueue_indirect_dma source(%arg5 : memref<125x128xf32, #tpu.memory_space<vmem>>) target(%dma_start3A_131 : memref<10000x128xf32, #tpu.memory_space<vmem_shared>>) offsets(%arg11 : memref<125xi32, #tpu.memory_space<vmem>>) semaphore(%arg26 : memref<!tpu.dma_semaphore, #tpu.memory_space<semaphore_mem>>) {add = true}
      %dma_wait3A_132 = arith.constant 0 : i32
      %dma_wait3A_133 = arith.constant 0 : i32
      %dma_wait3A_134 = tpu.memref_slice %arg15[%dma_wait3A_132, %dma_wait3A_133] : memref<10000x128xf32, #tpu.memory_space<vmem_shared>> -> memref<10000x128xf32, #tpu.memory_space<vmem_shared>>
      tpu.wait_indirect_dma semaphore(%arg26 : memref<!tpu.dma_semaphore, #tpu.memory_space<semaphore_mem>>) src(%arg5 : memref<125x128xf32, #tpu.memory_space<vmem>>) dst(%dma_wait3A_134 : memref<10000x128xf32, #tpu.memory_space<vmem_shared>>)
      %add3A_135 = arith.constant 4 : i32
      %add3A_136 = arith.addi %add3A_110, %add3A_135 : i32
      %lt3A_137 = arith.constant 80 : i32
      %lt3A_138 = arith.cmpi slt, %add3A_136, %lt3A_137 : i32
      %convert_element_type3A_139 = arith.extui %lt3A_138 : i1 to i32
      %cond3A_140 = arith.constant 0 : i32
      %cond3A_141 = arith.cmpi ne, %convert_element_type3A_139, %cond3A_140 : i32
      scf.if %cond3A_141 {
        %add3A_244 = arith.constant 4 : i32
        %add3A_245 = arith.addi %add3A_110, %add3A_244 : i32
        %add3A_246 = arith.addi %mul3A_12, %add3A_245 : i32
        %dma_start3A_247 = arith.constant 0 : i32
        %dma_start3A_248 = tpu.memref_slice %arg3[%add3A_246, %dma_start3A_247] : memref<5120x125xi32, #tpu.memory_space<hbm>> -> memref<1x125xi32, #tpu.memory_space<hbm>>
        %dma_start3A_249 = tpu.memref_squeeze %dma_start3A_248 : memref<1x125xi32, #tpu.memory_space<hbm>> -> memref<125xi32, #tpu.memory_space<hbm>>
        %dma_start3A_250 = arith.constant 0 : i32
        %dma_start3A_251 = tpu.memref_slice %arg3[%add3A_246, %dma_start3A_250] : memref<5120x125xi32, #tpu.memory_space<hbm>> -> memref<1x125xi32, #tpu.memory_space<hbm>>
        %dma_start3A_252 = tpu.memref_squeeze %dma_start3A_251 : memref<1x125xi32, #tpu.memory_space<hbm>> -> memref<125xi32, #tpu.memory_space<hbm>>
        tpu.enqueue_dma source(%dma_start3A_252 : memref<125xi32, #tpu.memory_space<hbm>>) target(%arg7 : memref<125xi32, #tpu.memory_space<vmem>>) target_semaphore(%arg18 : memref<!tpu.dma_semaphore, #tpu.memory_space<semaphore_mem>>)
        %add3A_253 = arith.constant 2560 : i32
        %add3A_254 = arith.addi %add3A_253, %mul3A_12 : i32
        %add3A_255 = arith.addi %add3A_254, %add3A_245 : i32
        %dma_start3A_256 = arith.constant 0 : i32
        %dma_start3A_257 = tpu.memref_slice %arg3[%add3A_255, %dma_start3A_256] : memref<5120x125xi32, #tpu.memory_space<hbm>> -> memref<1x125xi32, #tpu.memory_space<hbm>>
        %dma_start3A_258 = tpu.memref_squeeze %dma_start3A_257 : memref<1x125xi32, #tpu.memory_space<hbm>> -> memref<125xi32, #tpu.memory_space<hbm>>
        %dma_start3A_259 = arith.constant 0 : i32
        %dma_start3A_260 = tpu.memref_slice %arg3[%add3A_255, %dma_start3A_259] : memref<5120x125xi32, #tpu.memory_space<hbm>> -> memref<1x125xi32, #tpu.memory_space<hbm>>
        %dma_start3A_261 = tpu.memref_squeeze %dma_start3A_260 : memref<1x125xi32, #tpu.memory_space<hbm>> -> memref<125xi32, #tpu.memory_space<hbm>>
        tpu.enqueue_dma source(%dma_start3A_261 : memref<125xi32, #tpu.memory_space<hbm>>) target(%arg11 : memref<125xi32, #tpu.memory_space<vmem>>) target_semaphore(%arg22 : memref<!tpu.dma_semaphore, #tpu.memory_space<semaphore_mem>>)
      } else {
      }
      %add3A_142 = arith.constant 1 : i32
      %add3A_143 = arith.addi %mul3A_108, %add3A_142 : i32
      %add3A_144 = arith.constant 1 : i32
      %add3A_145 = arith.addi %add3A_143, %add3A_144 : i32
      %lt3A_146 = arith.constant 80 : i32
      %lt3A_147 = arith.cmpi slt, %add3A_145, %lt3A_146 : i32
      %convert_element_type3A_148 = arith.extui %lt3A_147 : i1 to i32
      %cond3A_149 = arith.constant 0 : i32
      %cond3A_150 = arith.cmpi ne, %convert_element_type3A_148, %cond3A_149 : i32
      scf.if %cond3A_150 {
        %add3A_244 = arith.constant 1 : i32
        %add3A_245 = arith.addi %add3A_143, %add3A_244 : i32
        %add3A_246 = arith.addi %mul3A_12, %add3A_245 : i32
        %dma_wait3A_247 = arith.constant 0 : i32
        %dma_wait3A_248 = tpu.memref_slice %arg3[%add3A_246, %dma_wait3A_247] : memref<5120x125xi32, #tpu.memory_space<hbm>> -> memref<1x125xi32, #tpu.memory_space<hbm>>
        %dma_wait3A_249 = tpu.memref_squeeze %dma_wait3A_248 : memref<1x125xi32, #tpu.memory_space<hbm>> -> memref<125xi32, #tpu.memory_space<hbm>>
        %dma_wait3A_250 = arith.constant 0 : i32
        %dma_wait3A_251 = tpu.memref_slice %arg3[%add3A_246, %dma_wait3A_250] : memref<5120x125xi32, #tpu.memory_space<hbm>> -> memref<1x125xi32, #tpu.memory_space<hbm>>
        %dma_wait3A_252 = tpu.memref_squeeze %dma_wait3A_251 : memref<1x125xi32, #tpu.memory_space<hbm>> -> memref<125xi32, #tpu.memory_space<hbm>>
        tpu.wait_dma2 semaphore(%arg20 : memref<!tpu.dma_semaphore, #tpu.memory_space<semaphore_mem>>) src(%dma_wait3A_252 : memref<125xi32, #tpu.memory_space<hbm>>) dst(%arg9 : memref<125xi32, #tpu.memory_space<vmem>>)
        %dma_start3A_253 = arith.constant 0 : i32
        %dma_start3A_254 = arith.constant 0 : i32
        %dma_start3A_255 = tpu.memref_slice %arg2[%dma_start3A_253, %dma_start3A_254] : memref<10000x128xf32, #tpu.memory_space<hbm>> -> memref<10000x128xf32, #tpu.memory_space<hbm>>
        tpu.enqueue_indirect_dma source(%dma_start3A_255 : memref<10000x128xf32, #tpu.memory_space<hbm>>) target(%arg5 : memref<125x128xf32, #tpu.memory_space<vmem>>) offsets(%arg9 : memref<125xi32, #tpu.memory_space<vmem>>) semaphore(%arg16 : memref<!tpu.dma_semaphore, #tpu.memory_space<semaphore_mem>>)
      } else {
      }
      %add3A_151 = arith.constant 2560 : i32
      %add3A_152 = arith.addi %add3A_151, %mul3A_12 : i32
      %add3A_153 = arith.addi %add3A_152, %add3A_143 : i32
      %dma_wait3A_154 = arith.constant 0 : i32
      %dma_wait3A_155 = tpu.memref_slice %arg3[%add3A_153, %dma_wait3A_154] : memref<5120x125xi32, #tpu.memory_space<hbm>> -> memref<1x125xi32, #tpu.memory_space<hbm>>
      %dma_wait3A_156 = tpu.memref_squeeze %dma_wait3A_155 : memref<1x125xi32, #tpu.memory_space<hbm>> -> memref<125xi32, #tpu.memory_space<hbm>>
      %dma_wait3A_157 = arith.constant 0 : i32
      %dma_wait3A_158 = tpu.memref_slice %arg3[%add3A_153, %dma_wait3A_157] : memref<5120x125xi32, #tpu.memory_space<hbm>> -> memref<1x125xi32, #tpu.memory_space<hbm>>
      %dma_wait3A_159 = tpu.memref_squeeze %dma_wait3A_158 : memref<1x125xi32, #tpu.memory_space<hbm>> -> memref<125xi32, #tpu.memory_space<hbm>>
      tpu.wait_dma2 semaphore(%arg23 : memref<!tpu.dma_semaphore, #tpu.memory_space<semaphore_mem>>) src(%dma_wait3A_159 : memref<125xi32, #tpu.memory_space<hbm>>) dst(%arg12 : memref<125xi32, #tpu.memory_space<vmem>>)
      %dma_wait3A_160 = arith.constant 0 : i32
      %dma_wait3A_161 = arith.constant 0 : i32
      %dma_wait3A_162 = tpu.memref_slice %arg2[%dma_wait3A_160, %dma_wait3A_161] : memref<10000x128xf32, #tpu.memory_space<hbm>> -> memref<10000x128xf32, #tpu.memory_space<hbm>>
      tpu.wait_indirect_dma semaphore(%arg17 : memref<!tpu.dma_semaphore, #tpu.memory_space<semaphore_mem>>) src(%dma_wait3A_162 : memref<10000x128xf32, #tpu.memory_space<hbm>>) dst(%arg6 : memref<125x128xf32, #tpu.memory_space<vmem>>)
      %dma_start3A_163 = arith.constant 0 : i32
      %dma_start3A_164 = arith.constant 0 : i32
      %dma_start3A_165 = tpu.memref_slice %arg15[%dma_start3A_163, %dma_start3A_164] : memref<10000x128xf32, #tpu.memory_space<vmem_shared>> -> memref<10000x128xf32, #tpu.memory_space<vmem_shared>>
      tpu.enqueue_indirect_dma source(%arg6 : memref<125x128xf32, #tpu.memory_space<vmem>>) target(%dma_start3A_165 : memref<10000x128xf32, #tpu.memory_space<vmem_shared>>) offsets(%arg12 : memref<125xi32, #tpu.memory_space<vmem>>) semaphore(%arg26 : memref<!tpu.dma_semaphore, #tpu.memory_space<semaphore_mem>>) {add = true}
      %dma_wait3A_166 = arith.constant 0 : i32
      %dma_wait3A_167 = arith.constant 0 : i32
      %dma_wait3A_168 = tpu.memref_slice %arg15[%dma_wait3A_166, %dma_wait3A_167] : memref<10000x128xf32, #tpu.memory_space<vmem_shared>> -> memref<10000x128xf32, #tpu.memory_space<vmem_shared>>
      tpu.wait_indirect_dma semaphore(%arg26 : memref<!tpu.dma_semaphore, #tpu.memory_space<semaphore_mem>>) src(%arg6 : memref<125x128xf32, #tpu.memory_space<vmem>>) dst(%dma_wait3A_168 : memref<10000x128xf32, #tpu.memory_space<vmem_shared>>)
      %add3A_169 = arith.constant 4 : i32
      %add3A_170 = arith.addi %add3A_143, %add3A_169 : i32
      %lt3A_171 = arith.constant 80 : i32
      %lt3A_172 = arith.cmpi slt, %add3A_170, %lt3A_171 : i32
      %convert_element_type3A_173 = arith.extui %lt3A_172 : i1 to i32
      %cond3A_174 = arith.constant 0 : i32
      %cond3A_175 = arith.cmpi ne, %convert_element_type3A_173, %cond3A_174 : i32
      scf.if %cond3A_175 {
        %add3A_244 = arith.constant 4 : i32
        %add3A_245 = arith.addi %add3A_143, %add3A_244 : i32
        %add3A_246 = arith.addi %mul3A_12, %add3A_245 : i32
        %dma_start3A_247 = arith.constant 0 : i32
        %dma_start3A_248 = tpu.memref_slice %arg3[%add3A_246, %dma_start3A_247] : memref<5120x125xi32, #tpu.memory_space<hbm>> -> memref<1x125xi32, #tpu.memory_space<hbm>>
        %dma_start3A_249 = tpu.memref_squeeze %dma_start3A_248 : memref<1x125xi32, #tpu.memory_space<hbm>> -> memref<125xi32, #tpu.memory_space<hbm>>
        %dma_start3A_250 = arith.constant 0 : i32
        %dma_start3A_251 = tpu.memref_slice %arg3[%add3A_246, %dma_start3A_250] : memref<5120x125xi32, #tpu.memory_space<hbm>> -> memref<1x125xi32, #tpu.memory_space<hbm>>
        %dma_start3A_252 = tpu.memref_squeeze %dma_start3A_251 : memref<1x125xi32, #tpu.memory_space<hbm>> -> memref<125xi32, #tpu.memory_space<hbm>>
        tpu.enqueue_dma source(%dma_start3A_252 : memref<125xi32, #tpu.memory_space<hbm>>) target(%arg8 : memref<125xi32, #tpu.memory_space<vmem>>) target_semaphore(%arg19 : memref<!tpu.dma_semaphore, #tpu.memory_space<semaphore_mem>>)
        %add3A_253 = arith.constant 2560 : i32
        %add3A_254 = arith.addi %add3A_253, %mul3A_12 : i32
        %add3A_255 = arith.addi %add3A_254, %add3A_245 : i32
        %dma_start3A_256 = arith.constant 0 : i32
        %dma_start3A_257 = tpu.memref_slice %arg3[%add3A_255, %dma_start3A_256] : memref<5120x125xi32, #tpu.memory_space<hbm>> -> memref<1x125xi32, #tpu.memory_space<hbm>>
        %dma_start3A_258 = tpu.memref_squeeze %dma_start3A_257 : memref<1x125xi32, #tpu.memory_space<hbm>> -> memref<125xi32, #tpu.memory_space<hbm>>
        %dma_start3A_259 = arith.constant 0 : i32
        %dma_start3A_260 = tpu.memref_slice %arg3[%add3A_255, %dma_start3A_259] : memref<5120x125xi32, #tpu.memory_space<hbm>> -> memref<1x125xi32, #tpu.memory_space<hbm>>
        %dma_start3A_261 = tpu.memref_squeeze %dma_start3A_260 : memref<1x125xi32, #tpu.memory_space<hbm>> -> memref<125xi32, #tpu.memory_space<hbm>>
        tpu.enqueue_dma source(%dma_start3A_261 : memref<125xi32, #tpu.memory_space<hbm>>) target(%arg12 : memref<125xi32, #tpu.memory_space<vmem>>) target_semaphore(%arg23 : memref<!tpu.dma_semaphore, #tpu.memory_space<semaphore_mem>>)
      } else {
      }
      %add3A_176 = arith.constant 2 : i32
      %add3A_177 = arith.addi %mul3A_108, %add3A_176 : i32
      %add3A_178 = arith.constant 1 : i32
      %add3A_179 = arith.addi %add3A_177, %add3A_178 : i32
      %lt3A_180 = arith.constant 80 : i32
      %lt3A_181 = arith.cmpi slt, %add3A_179, %lt3A_180 : i32
      %convert_element_type3A_182 = arith.extui %lt3A_181 : i1 to i32
      %cond3A_183 = arith.constant 0 : i32
      %cond3A_184 = arith.cmpi ne, %convert_element_type3A_182, %cond3A_183 : i32
      scf.if %cond3A_184 {
        %add3A_244 = arith.constant 1 : i32
        %add3A_245 = arith.addi %add3A_177, %add3A_244 : i32
        %add3A_246 = arith.addi %mul3A_12, %add3A_245 : i32
        %dma_wait3A_247 = arith.constant 0 : i32
        %dma_wait3A_248 = tpu.memref_slice %arg3[%add3A_246, %dma_wait3A_247] : memref<5120x125xi32, #tpu.memory_space<hbm>> -> memref<1x125xi32, #tpu.memory_space<hbm>>
        %dma_wait3A_249 = tpu.memref_squeeze %dma_wait3A_248 : memref<1x125xi32, #tpu.memory_space<hbm>> -> memref<125xi32, #tpu.memory_space<hbm>>
        %dma_wait3A_250 = arith.constant 0 : i32
        %dma_wait3A_251 = tpu.memref_slice %arg3[%add3A_246, %dma_wait3A_250] : memref<5120x125xi32, #tpu.memory_space<hbm>> -> memref<1x125xi32, #tpu.memory_space<hbm>>
        %dma_wait3A_252 = tpu.memref_squeeze %dma_wait3A_251 : memref<1x125xi32, #tpu.memory_space<hbm>> -> memref<125xi32, #tpu.memory_space<hbm>>
        tpu.wait_dma2 semaphore(%arg21 : memref<!tpu.dma_semaphore, #tpu.memory_space<semaphore_mem>>) src(%dma_wait3A_252 : memref<125xi32, #tpu.memory_space<hbm>>) dst(%arg10 : memref<125xi32, #tpu.memory_space<vmem>>)
        %dma_start3A_253 = arith.constant 0 : i32
        %dma_start3A_254 = arith.constant 0 : i32
        %dma_start3A_255 = tpu.memref_slice %arg2[%dma_start3A_253, %dma_start3A_254] : memref<10000x128xf32, #tpu.memory_space<hbm>> -> memref<10000x128xf32, #tpu.memory_space<hbm>>
        tpu.enqueue_indirect_dma source(%dma_start3A_255 : memref<10000x128xf32, #tpu.memory_space<hbm>>) target(%arg6 : memref<125x128xf32, #tpu.memory_space<vmem>>) offsets(%arg10 : memref<125xi32, #tpu.memory_space<vmem>>) semaphore(%arg17 : memref<!tpu.dma_semaphore, #tpu.memory_space<semaphore_mem>>)
      } else {
      }
      %add3A_185 = arith.constant 2560 : i32
      %add3A_186 = arith.addi %add3A_185, %mul3A_12 : i32
      %add3A_187 = arith.addi %add3A_186, %add3A_177 : i32
      %dma_wait3A_188 = arith.constant 0 : i32
      %dma_wait3A_189 = tpu.memref_slice %arg3[%add3A_187, %dma_wait3A_188] : memref<5120x125xi32, #tpu.memory_space<hbm>> -> memref<1x125xi32, #tpu.memory_space<hbm>>
      %dma_wait3A_190 = tpu.memref_squeeze %dma_wait3A_189 : memref<1x125xi32, #tpu.memory_space<hbm>> -> memref<125xi32, #tpu.memory_space<hbm>>
      %dma_wait3A_191 = arith.constant 0 : i32
      %dma_wait3A_192 = tpu.memref_slice %arg3[%add3A_187, %dma_wait3A_191] : memref<5120x125xi32, #tpu.memory_space<hbm>> -> memref<1x125xi32, #tpu.memory_space<hbm>>
      %dma_wait3A_193 = tpu.memref_squeeze %dma_wait3A_192 : memref<1x125xi32, #tpu.memory_space<hbm>> -> memref<125xi32, #tpu.memory_space<hbm>>
      tpu.wait_dma2 semaphore(%arg24 : memref<!tpu.dma_semaphore, #tpu.memory_space<semaphore_mem>>) src(%dma_wait3A_193 : memref<125xi32, #tpu.memory_space<hbm>>) dst(%arg13 : memref<125xi32, #tpu.memory_space<vmem>>)
      %dma_wait3A_194 = arith.constant 0 : i32
      %dma_wait3A_195 = arith.constant 0 : i32
      %dma_wait3A_196 = tpu.memref_slice %arg2[%dma_wait3A_194, %dma_wait3A_195] : memref<10000x128xf32, #tpu.memory_space<hbm>> -> memref<10000x128xf32, #tpu.memory_space<hbm>>
      tpu.wait_indirect_dma semaphore(%arg16 : memref<!tpu.dma_semaphore, #tpu.memory_space<semaphore_mem>>) src(%dma_wait3A_196 : memref<10000x128xf32, #tpu.memory_space<hbm>>) dst(%arg5 : memref<125x128xf32, #tpu.memory_space<vmem>>)
      %dma_start3A_197 = arith.constant 0 : i32
      %dma_start3A_198 = arith.constant 0 : i32
      %dma_start3A_199 = tpu.memref_slice %arg15[%dma_start3A_197, %dma_start3A_198] : memref<10000x128xf32, #tpu.memory_space<vmem_shared>> -> memref<10000x128xf32, #tpu.memory_space<vmem_shared>>
      tpu.enqueue_indirect_dma source(%arg5 : memref<125x128xf32, #tpu.memory_space<vmem>>) target(%dma_start3A_199 : memref<10000x128xf32, #tpu.memory_space<vmem_shared>>) offsets(%arg13 : memref<125xi32, #tpu.memory_space<vmem>>) semaphore(%arg26 : memref<!tpu.dma_semaphore, #tpu.memory_space<semaphore_mem>>) {add = true}
      %dma_wait3A_200 = arith.constant 0 : i32
      %dma_wait3A_201 = arith.constant 0 : i32
      %dma_wait3A_202 = tpu.memref_slice %arg15[%dma_wait3A_200, %dma_wait3A_201] : memref<10000x128xf32, #tpu.memory_space<vmem_shared>> -> memref<10000x128xf32, #tpu.memory_space<vmem_shared>>
      tpu.wait_indirect_dma semaphore(%arg26 : memref<!tpu.dma_semaphore, #tpu.memory_space<semaphore_mem>>) src(%arg5 : memref<125x128xf32, #tpu.memory_space<vmem>>) dst(%dma_wait3A_202 : memref<10000x128xf32, #tpu.memory_space<vmem_shared>>)
      %add3A_203 = arith.constant 4 : i32
      %add3A_204 = arith.addi %add3A_177, %add3A_203 : i32
      %lt3A_205 = arith.constant 80 : i32
      %lt3A_206 = arith.cmpi slt, %add3A_204, %lt3A_205 : i32
      %convert_element_type3A_207 = arith.extui %lt3A_206 : i1 to i32
      %cond3A_208 = arith.constant 0 : i32
      %cond3A_209 = arith.cmpi ne, %convert_element_type3A_207, %cond3A_208 : i32
      scf.if %cond3A_209 {
        %add3A_244 = arith.constant 4 : i32
        %add3A_245 = arith.addi %add3A_177, %add3A_244 : i32
        %add3A_246 = arith.addi %mul3A_12, %add3A_245 : i32
        %dma_start3A_247 = arith.constant 0 : i32
        %dma_start3A_248 = tpu.memref_slice %arg3[%add3A_246, %dma_start3A_247] : memref<5120x125xi32, #tpu.memory_space<hbm>> -> memref<1x125xi32, #tpu.memory_space<hbm>>
        %dma_start3A_249 = tpu.memref_squeeze %dma_start3A_248 : memref<1x125xi32, #tpu.memory_space<hbm>> -> memref<125xi32, #tpu.memory_space<hbm>>
        %dma_start3A_250 = arith.constant 0 : i32
        %dma_start3A_251 = tpu.memref_slice %arg3[%add3A_246, %dma_start3A_250] : memref<5120x125xi32, #tpu.memory_space<hbm>> -> memref<1x125xi32, #tpu.memory_space<hbm>>
        %dma_start3A_252 = tpu.memref_squeeze %dma_start3A_251 : memref<1x125xi32, #tpu.memory_space<hbm>> -> memref<125xi32, #tpu.memory_space<hbm>>
        tpu.enqueue_dma source(%dma_start3A_252 : memref<125xi32, #tpu.memory_space<hbm>>) target(%arg9 : memref<125xi32, #tpu.memory_space<vmem>>) target_semaphore(%arg20 : memref<!tpu.dma_semaphore, #tpu.memory_space<semaphore_mem>>)
        %add3A_253 = arith.constant 2560 : i32
        %add3A_254 = arith.addi %add3A_253, %mul3A_12 : i32
        %add3A_255 = arith.addi %add3A_254, %add3A_245 : i32
        %dma_start3A_256 = arith.constant 0 : i32
        %dma_start3A_257 = tpu.memref_slice %arg3[%add3A_255, %dma_start3A_256] : memref<5120x125xi32, #tpu.memory_space<hbm>> -> memref<1x125xi32, #tpu.memory_space<hbm>>
        %dma_start3A_258 = tpu.memref_squeeze %dma_start3A_257 : memref<1x125xi32, #tpu.memory_space<hbm>> -> memref<125xi32, #tpu.memory_space<hbm>>
        %dma_start3A_259 = arith.constant 0 : i32
        %dma_start3A_260 = tpu.memref_slice %arg3[%add3A_255, %dma_start3A_259] : memref<5120x125xi32, #tpu.memory_space<hbm>> -> memref<1x125xi32, #tpu.memory_space<hbm>>
        %dma_start3A_261 = tpu.memref_squeeze %dma_start3A_260 : memref<1x125xi32, #tpu.memory_space<hbm>> -> memref<125xi32, #tpu.memory_space<hbm>>
        tpu.enqueue_dma source(%dma_start3A_261 : memref<125xi32, #tpu.memory_space<hbm>>) target(%arg13 : memref<125xi32, #tpu.memory_space<vmem>>) target_semaphore(%arg24 : memref<!tpu.dma_semaphore, #tpu.memory_space<semaphore_mem>>)
      } else {
      }
      %add3A_210 = arith.constant 3 : i32
      %add3A_211 = arith.addi %mul3A_108, %add3A_210 : i32
      %add3A_212 = arith.constant 1 : i32
      %add3A_213 = arith.addi %add3A_211, %add3A_212 : i32
      %lt3A_214 = arith.constant 80 : i32
      %lt3A_215 = arith.cmpi slt, %add3A_213, %lt3A_214 : i32
      %convert_element_type3A_216 = arith.extui %lt3A_215 : i1 to i32
      %cond3A_217 = arith.constant 0 : i32
      %cond3A_218 = arith.cmpi ne, %convert_element_type3A_216, %cond3A_217 : i32
      scf.if %cond3A_218 {
        %add3A_244 = arith.constant 1 : i32
        %add3A_245 = arith.addi %add3A_211, %add3A_244 : i32
        %add3A_246 = arith.addi %mul3A_12, %add3A_245 : i32
        %dma_wait3A_247 = arith.constant 0 : i32
        %dma_wait3A_248 = tpu.memref_slice %arg3[%add3A_246, %dma_wait3A_247] : memref<5120x125xi32, #tpu.memory_space<hbm>> -> memref<1x125xi32, #tpu.memory_space<hbm>>
        %dma_wait3A_249 = tpu.memref_squeeze %dma_wait3A_248 : memref<1x125xi32, #tpu.memory_space<hbm>> -> memref<125xi32, #tpu.memory_space<hbm>>
        %dma_wait3A_250 = arith.constant 0 : i32
        %dma_wait3A_251 = tpu.memref_slice %arg3[%add3A_246, %dma_wait3A_250] : memref<5120x125xi32, #tpu.memory_space<hbm>> -> memref<1x125xi32, #tpu.memory_space<hbm>>
        %dma_wait3A_252 = tpu.memref_squeeze %dma_wait3A_251 : memref<1x125xi32, #tpu.memory_space<hbm>> -> memref<125xi32, #tpu.memory_space<hbm>>
        tpu.wait_dma2 semaphore(%arg18 : memref<!tpu.dma_semaphore, #tpu.memory_space<semaphore_mem>>) src(%dma_wait3A_252 : memref<125xi32, #tpu.memory_space<hbm>>) dst(%arg7 : memref<125xi32, #tpu.memory_space<vmem>>)
        %dma_start3A_253 = arith.constant 0 : i32
        %dma_start3A_254 = arith.constant 0 : i32
        %dma_start3A_255 = tpu.memref_slice %arg2[%dma_start3A_253, %dma_start3A_254] : memref<10000x128xf32, #tpu.memory_space<hbm>> -> memref<10000x128xf32, #tpu.memory_space<hbm>>
        tpu.enqueue_indirect_dma source(%dma_start3A_255 : memref<10000x128xf32, #tpu.memory_space<hbm>>) target(%arg5 : memref<125x128xf32, #tpu.memory_space<vmem>>) offsets(%arg7 : memref<125xi32, #tpu.memory_space<vmem>>) semaphore(%arg16 : memref<!tpu.dma_semaphore, #tpu.memory_space<semaphore_mem>>)
      } else {
      }
      %add3A_219 = arith.constant 2560 : i32
      %add3A_220 = arith.addi %add3A_219, %mul3A_12 : i32
      %add3A_221 = arith.addi %add3A_220, %add3A_211 : i32
      %dma_wait3A_222 = arith.constant 0 : i32
      %dma_wait3A_223 = tpu.memref_slice %arg3[%add3A_221, %dma_wait3A_222] : memref<5120x125xi32, #tpu.memory_space<hbm>> -> memref<1x125xi32, #tpu.memory_space<hbm>>
      %dma_wait3A_224 = tpu.memref_squeeze %dma_wait3A_223 : memref<1x125xi32, #tpu.memory_space<hbm>> -> memref<125xi32, #tpu.memory_space<hbm>>
      %dma_wait3A_225 = arith.constant 0 : i32
      %dma_wait3A_226 = tpu.memref_slice %arg3[%add3A_221, %dma_wait3A_225] : memref<5120x125xi32, #tpu.memory_space<hbm>> -> memref<1x125xi32, #tpu.memory_space<hbm>>
      %dma_wait3A_227 = tpu.memref_squeeze %dma_wait3A_226 : memref<1x125xi32, #tpu.memory_space<hbm>> -> memref<125xi32, #tpu.memory_space<hbm>>
      tpu.wait_dma2 semaphore(%arg25 : memref<!tpu.dma_semaphore, #tpu.memory_space<semaphore_mem>>) src(%dma_wait3A_227 : memref<125xi32, #tpu.memory_space<hbm>>) dst(%arg14 : memref<125xi32, #tpu.memory_space<vmem>>)
      %dma_wait3A_228 = arith.constant 0 : i32
      %dma_wait3A_229 = arith.constant 0 : i32
      %dma_wait3A_230 = tpu.memref_slice %arg2[%dma_wait3A_228, %dma_wait3A_229] : memref<10000x128xf32, #tpu.memory_space<hbm>> -> memref<10000x128xf32, #tpu.memory_space<hbm>>
      tpu.wait_indirect_dma semaphore(%arg17 : memref<!tpu.dma_semaphore, #tpu.memory_space<semaphore_mem>>) src(%dma_wait3A_230 : memref<10000x128xf32, #tpu.memory_space<hbm>>) dst(%arg6 : memref<125x128xf32, #tpu.memory_space<vmem>>)
      %dma_start3A_231 = arith.constant 0 : i32
      %dma_start3A_232 = arith.constant 0 : i32
      %dma_start3A_233 = tpu.memref_slice %arg15[%dma_start3A_231, %dma_start3A_232] : memref<10000x128xf32, #tpu.memory_space<vmem_shared>> -> memref<10000x128xf32, #tpu.memory_space<vmem_shared>>
      tpu.enqueue_indirect_dma source(%arg6 : memref<125x128xf32, #tpu.memory_space<vmem>>) target(%dma_start3A_233 : memref<10000x128xf32, #tpu.memory_space<vmem_shared>>) offsets(%arg14 : memref<125xi32, #tpu.memory_space<vmem>>) semaphore(%arg26 : memref<!tpu.dma_semaphore, #tpu.memory_space<semaphore_mem>>) {add = true}
      %dma_wait3A_234 = arith.constant 0 : i32
      %dma_wait3A_235 = arith.constant 0 : i32
      %dma_wait3A_236 = tpu.memref_slice %arg15[%dma_wait3A_234, %dma_wait3A_235] : memref<10000x128xf32, #tpu.memory_space<vmem_shared>> -> memref<10000x128xf32, #tpu.memory_space<vmem_shared>>
      tpu.wait_indirect_dma semaphore(%arg26 : memref<!tpu.dma_semaphore, #tpu.memory_space<semaphore_mem>>) src(%arg6 : memref<125x128xf32, #tpu.memory_space<vmem>>) dst(%dma_wait3A_236 : memref<10000x128xf32, #tpu.memory_space<vmem_shared>>)
      %add3A_237 = arith.constant 4 : i32
      %add3A_238 = arith.addi %add3A_211, %add3A_237 : i32
      %lt3A_239 = arith.constant 80 : i32
      %lt3A_240 = arith.cmpi slt, %add3A_238, %lt3A_239 : i32
      %convert_element_type3A_241 = arith.extui %lt3A_240 : i1 to i32
      %cond3A_242 = arith.constant 0 : i32
      %cond3A_243 = arith.cmpi ne, %convert_element_type3A_241, %cond3A_242 : i32
      scf.if %cond3A_243 {
        %add3A_244 = arith.constant 4 : i32
        %add3A_245 = arith.addi %add3A_211, %add3A_244 : i32
        %add3A_246 = arith.addi %mul3A_12, %add3A_245 : i32
        %dma_start3A_247 = arith.constant 0 : i32
        %dma_start3A_248 = tpu.memref_slice %arg3[%add3A_246, %dma_start3A_247] : memref<5120x125xi32, #tpu.memory_space<hbm>> -> memref<1x125xi32, #tpu.memory_space<hbm>>
        %dma_start3A_249 = tpu.memref_squeeze %dma_start3A_248 : memref<1x125xi32, #tpu.memory_space<hbm>> -> memref<125xi32, #tpu.memory_space<hbm>>
        %dma_start3A_250 = arith.constant 0 : i32
        %dma_start3A_251 = tpu.memref_slice %arg3[%add3A_246, %dma_start3A_250] : memref<5120x125xi32, #tpu.memory_space<hbm>> -> memref<1x125xi32, #tpu.memory_space<hbm>>
        %dma_start3A_252 = tpu.memref_squeeze %dma_start3A_251 : memref<1x125xi32, #tpu.memory_space<hbm>> -> memref<125xi32, #tpu.memory_space<hbm>>
        tpu.enqueue_dma source(%dma_start3A_252 : memref<125xi32, #tpu.memory_space<hbm>>) target(%arg10 : memref<125xi32, #tpu.memory_space<vmem>>) target_semaphore(%arg21 : memref<!tpu.dma_semaphore, #tpu.memory_space<semaphore_mem>>)
        %add3A_253 = arith.constant 2560 : i32
        %add3A_254 = arith.addi %add3A_253, %mul3A_12 : i32
        %add3A_255 = arith.addi %add3A_254, %add3A_245 : i32
        %dma_start3A_256 = arith.constant 0 : i32
        %dma_start3A_257 = tpu.memref_slice %arg3[%add3A_255, %dma_start3A_256] : memref<5120x125xi32, #tpu.memory_space<hbm>> -> memref<1x125xi32, #tpu.memory_space<hbm>>
        %dma_start3A_258 = tpu.memref_squeeze %dma_start3A_257 : memref<1x125xi32, #tpu.memory_space<hbm>> -> memref<125xi32, #tpu.memory_space<hbm>>
        %dma_start3A_259 = arith.constant 0 : i32
        %dma_start3A_260 = tpu.memref_slice %arg3[%add3A_255, %dma_start3A_259] : memref<5120x125xi32, #tpu.memory_space<hbm>> -> memref<1x125xi32, #tpu.memory_space<hbm>>
        %dma_start3A_261 = tpu.memref_squeeze %dma_start3A_260 : memref<1x125xi32, #tpu.memory_space<hbm>> -> memref<125xi32, #tpu.memory_space<hbm>>
        tpu.enqueue_dma source(%dma_start3A_261 : memref<125xi32, #tpu.memory_space<hbm>>) target(%arg14 : memref<125xi32, #tpu.memory_space<vmem>>) target_semaphore(%arg25 : memref<!tpu.dma_semaphore, #tpu.memory_space<semaphore_mem>>)
      } else {
      }
    }
    %scan3A_98 = arith.constant 20 : i32
    %barrier3A_99 = arith.constant 0 : index
    tpu.barrier barrier_id(%barrier3A_99)
    %eq3A = arith.constant 0 : i32
    %eq3A_100 = arith.cmpi eq, %arg1, %eq3A : i32
    %convert_element_type3A = arith.extui %eq3A_100 : i1 to i32
    %cond3A = arith.constant 0 : i32
    %cond3A_101 = arith.cmpi ne, %convert_element_type3A, %cond3A : i32
    scf.if %cond3A_101 {
      "tpu.region"() ({
        %run_scoped3A = tpu.sem_alloc : memref<!tpu.dma_semaphore, #tpu.memory_space<semaphore_mem>>
        %dma_start3A_102 = arith.constant 0 : i32
        %dma_start3A_103 = arith.constant 0 : i32
        %dma_start3A_104 = tpu.memref_slice %arg4[%arg0, %dma_start3A_102, %dma_start3A_103] : memref<2x10000x128xf32, #tpu.memory_space<hbm>> -> memref<1x10000x128xf32, #tpu.memory_space<hbm>>
        %dma_start3A_105 = tpu.memref_squeeze %dma_start3A_104 : memref<1x10000x128xf32, #tpu.memory_space<hbm>> -> memref<10000x128xf32, #tpu.memory_space<hbm>>
        tpu.enqueue_dma source(%arg15 : memref<10000x128xf32, #tpu.memory_space<vmem_shared>>) target(%dma_start3A_105 : memref<10000x128xf32, #tpu.memory_space<hbm>>) target_semaphore(%run_scoped3A : memref<!tpu.dma_semaphore, #tpu.memory_space<semaphore_mem>>)
        %dma_wait3A_106 = arith.constant 0 : i32
        %dma_wait3A_107 = arith.constant 0 : i32
        %dma_wait3A_108 = tpu.memref_slice %arg4[%arg0, %dma_wait3A_106, %dma_wait3A_107] : memref<2x10000x128xf32, #tpu.memory_space<hbm>> -> memref<1x10000x128xf32, #tpu.memory_space<hbm>>
        %dma_wait3A_109 = tpu.memref_squeeze %dma_wait3A_108 : memref<1x10000x128xf32, #tpu.memory_space<hbm>> -> memref<10000x128xf32, #tpu.memory_space<hbm>>
        tpu.wait_dma2 semaphore(%run_scoped3A : memref<!tpu.dma_semaphore, #tpu.memory_space<semaphore_mem>>) src(%arg15 : memref<10000x128xf32, #tpu.memory_space<vmem_shared>>) dst(%dma_wait3A_109 : memref<10000x128xf32, #tpu.memory_space<hbm>>)
        tpu.yield
      }) : () -> ()
    } else {
    }
    return
  }
}

module attributes {stable_mosaic.version = 14 : i64} {
  func.func @_layer_tc_body(%arg0: i32, %arg1: memref<2000x1xf32, #tpu.memory_space<vmem>>, %arg2: memref<2x2000x128xf32, #tpu.memory_space<vmem>>, %arg3: memref<2000x128xf32, #tpu.memory_space<vmem>>, %arg4: memref<128x128xf32, #tpu.memory_space<vmem>>, %arg5: memref<1x128xf32, #tpu.memory_space<vmem>>, %arg6: memref<128x128xf32, #tpu.memory_space<vmem>>, %arg7: memref<2000x128xf32, #tpu.memory_space<vmem>>) attributes {dimension_semantics = [#tpu.dimension_semantics<arbitrary>], iteration_bounds = array<i64: 5>, scalar_prefetch = 0 : i64, scratch_operands = 0 : i64, tpu.core_type = #tpu.core_type<tc>, window_params = [{transform_indices = @transform_0, window_bounds = array<i64: 2000, 1>}, {transform_indices = @transform_1, window_bounds = array<i64: 2, 2000, 128>}, {transform_indices = @transform_2, window_bounds = array<i64: 2000, 128>}, {pipeline_mode = #tpu.pipeline_mode<synchronous>, transform_indices = @transform_3, window_bounds = array<i64: 128, 128>}, {pipeline_mode = #tpu.pipeline_mode<synchronous>, transform_indices = @transform_4, window_bounds = array<i64: 1, 128>}, {pipeline_mode = #tpu.pipeline_mode<synchronous>, transform_indices = @transform_5, window_bounds = array<i64: 128, 128>}, {transform_indices = @transform_6, window_bounds = array<i64: 2000, 128>}]} {
    %get3A = arith.constant 0 : index
    %get3A_0 = arith.constant 0 : index
    %get3A_1 = arith.constant 0 : index
    %get3A_2 = vector.load %arg2[%get3A, %get3A_0, %get3A_1] : memref<2x2000x128xf32, #tpu.memory_space<vmem>>, vector<1x2000x128xf32>
    %get3A_3 = vector.shape_cast %get3A_2 : vector<1x2000x128xf32> to vector<2000x128xf32>
    %get3A_4 = arith.constant 1 : index
    %get3A_5 = arith.constant 0 : index
    %get3A_6 = arith.constant 0 : index
    %get3A_7 = vector.load %arg2[%get3A_4, %get3A_5, %get3A_6] : memref<2x2000x128xf32, #tpu.memory_space<vmem>>, vector<1x2000x128xf32>
    %get3A_8 = vector.shape_cast %get3A_7 : vector<1x2000x128xf32> to vector<2000x128xf32>
    %add3A = arith.addf %get3A_3, %get3A_8 : vector<2000x128xf32>
    %get3A_9 = arith.constant 0 : index
    %get3A_10 = arith.constant 0 : index
    %get3A_11 = vector.load %arg1[%get3A_9, %get3A_10] : memref<2000x1xf32, #tpu.memory_space<vmem>>, vector<2000x1xf32>
    %div3A = vector.broadcast %get3A_11 : vector<2000x1xf32> to vector<2000x128xf32>
    %div3A_12 = arith.divf %add3A, %div3A : vector<2000x128xf32>
    %get3A_13 = arith.constant 0 : index
    %get3A_14 = arith.constant 0 : index
    %get3A_15 = vector.load %arg4[%get3A_13, %get3A_14] : memref<128x128xf32, #tpu.memory_space<vmem>>, vector<128x128xf32>
    %dot_general3A = arith.constant dense<0.000000e+00> : vector<2000x128xf32>
    %dot_general3A_16 = tpu.matmul %div3A_12, %get3A_15, %dot_general3A {dimension_numbers = #tpu.dot_dimension_numbers<[1], [0], [0], [1], [0, 0, 1, 1], [], []>, transpose_lhs_hint = false} : vector<2000x128xf32>, vector<128x128xf32>, vector<2000x128xf32> -> vector<2000x128xf32>
    %get3A_17 = arith.constant 0 : index
    %get3A_18 = arith.constant 0 : index
    %get3A_19 = vector.load %arg5[%get3A_17, %get3A_18] : memref<1x128xf32, #tpu.memory_space<vmem>>, vector<1x128xf32>
    %add3A_20 = vector.broadcast %get3A_19 : vector<1x128xf32> to vector<2000x128xf32>
    %add3A_21 = arith.addf %dot_general3A_16, %add3A_20 : vector<2000x128xf32>
    %get3A_22 = arith.constant 0 : index
    %get3A_23 = arith.constant 0 : index
    %get3A_24 = vector.load %arg3[%get3A_22, %get3A_23] : memref<2000x128xf32, #tpu.memory_space<vmem>>, vector<2000x128xf32>
    %get3A_25 = arith.constant 0 : index
    %get3A_26 = arith.constant 0 : index
    %get3A_27 = vector.load %arg6[%get3A_25, %get3A_26] : memref<128x128xf32, #tpu.memory_space<vmem>>, vector<128x128xf32>
    %dot_general3A_28 = arith.constant dense<0.000000e+00> : vector<2000x128xf32>
    %dot_general3A_29 = tpu.matmul %get3A_24, %get3A_27, %dot_general3A_28 {dimension_numbers = #tpu.dot_dimension_numbers<[1], [0], [0], [1], [0, 0, 1, 1], [], []>, transpose_lhs_hint = false} : vector<2000x128xf32>, vector<128x128xf32>, vector<2000x128xf32> -> vector<2000x128xf32>
    %add3A_30 = arith.addf %add3A_21, %dot_general3A_29 : vector<2000x128xf32>
    %max3A = arith.constant 0.000000e+00 : f32
    %max3A_31 = vector.broadcast %max3A : f32 to vector<2000x128xf32>
    %max3A_32 = arith.maximumf %add3A_30, %max3A_31 : vector<2000x128xf32>
    %swap3A = arith.constant 0 : index
    %swap3A_33 = arith.constant 0 : index
    %swap3A_34 = vector.load %arg7[%swap3A, %swap3A_33] : memref<2000x128xf32, #tpu.memory_space<vmem>>, vector<2000x128xf32>
    tpu.vector_store %arg7[%swap3A, %swap3A_33], %max3A_32 {strides = array<i32>} : memref<2000x128xf32, #tpu.memory_space<vmem>>, vector<2000x128xf32>,
    return
  }
  func.func @transform_0(%arg0: i32) -> (i32, i32) {
    %c0_i32 = arith.constant 0 : i32
    %c0_i32_0 = arith.constant 0 : i32
    return %arg0, %c0_i32 : i32, i32
  }
  func.func @transform_1(%arg0: i32) -> (i32, i32, i32) {
    %c0_i32 = arith.constant 0 : i32
    %c0_i32_0 = arith.constant 0 : i32
    %c0_i32_1 = arith.constant 0 : i32
    return %c0_i32, %arg0, %c0_i32_0 : i32, i32, i32
  }
  func.func @transform_2(%arg0: i32) -> (i32, i32) {
    %c0_i32 = arith.constant 0 : i32
    %c0_i32_0 = arith.constant 0 : i32
    return %arg0, %c0_i32 : i32, i32
  }
  func.func @transform_3(%arg0: i32) -> (i32, i32) {
    %c0_i32 = arith.constant 0 : i32
    %c0_i32_0 = arith.constant 0 : i32
    %c0_i32_1 = arith.constant 0 : i32
    return %c0_i32, %c0_i32_0 : i32, i32
  }
  func.func @transform_4(%arg0: i32) -> (i32, i32) {
    %c0_i32 = arith.constant 0 : i32
    %c0_i32_0 = arith.constant 0 : i32
    %c0_i32_1 = arith.constant 0 : i32
    return %c0_i32, %c0_i32_0 : i32, i32
  }
  func.func @transform_5(%arg0: i32) -> (i32, i32) {
    %c0_i32 = arith.constant 0 : i32
    %c0_i32_0 = arith.constant 0 : i32
    %c0_i32_1 = arith.constant 0 : i32
    return %c0_i32, %c0_i32_0 : i32, i32
  }
  func.func @transform_6(%arg0: i32) -> (i32, i32) {
    %c0_i32 = arith.constant 0 : i32
    %c0_i32_0 = arith.constant 0 : i32
    return %arg0, %c0_i32 : i32, i32
  }
}

module attributes {stable_mosaic.version = 14 : i64} {
  func.func @_cnt_reduce_body(%arg0: memref<32x10000xf32, #tpu.memory_space<vmem>>, %arg1: memref<10000x1xf32, #tpu.memory_space<vmem>>) attributes {dimension_semantics = [], scalar_prefetch = 0 : i64, scratch_operands = 0 : i64, tpu.core_type = #tpu.core_type<tc>} {
    %broadcast_in_dim3A = arith.constant 1.000000e+00 : f32
    %broadcast_in_dim3A_0 = vector.broadcast %broadcast_in_dim3A : f32 to vector<32x1xf32>
    %get3A = arith.constant 0 : index
    %get3A_1 = arith.constant 0 : index
    %get3A_2 = vector.load %arg0[%get3A, %get3A_1] : memref<32x10000xf32, #tpu.memory_space<vmem>>, vector<32x10000xf32>
    %dot_general3A = arith.constant dense<0.000000e+00> : vector<10000x1xf32>
    %dot_general3A_3 = tpu.matmul %get3A_2, %broadcast_in_dim3A_0, %dot_general3A {dimension_numbers = #tpu.dot_dimension_numbers<[0], [0], [1], [1], [0, 1, 1, 1], [], []>, transpose_lhs_hint = false} : vector<32x10000xf32>, vector<32x1xf32>, vector<10000x1xf32> -> vector<10000x1xf32>
    %max3A = arith.constant 1.000000e+00 : f32
    %max3A_4 = vector.broadcast %max3A : f32 to vector<10000x1xf32>
    %max3A_5 = arith.maximumf %dot_general3A_3, %max3A_4 : vector<10000x1xf32>
    %swap3A = arith.constant 0 : index
    %swap3A_6 = arith.constant 0 : index
    %swap3A_7 = vector.load %arg1[%swap3A, %swap3A_6] : memref<10000x1xf32, #tpu.memory_space<vmem>>, vector<10000x1xf32>
    tpu.vector_store %arg1[%swap3A, %swap3A_6], %max3A_5 {strides = array<i32>} : memref<10000x1xf32, #tpu.memory_space<vmem>>, vector<10000x1xf32>,
    return
  }
}

module attributes {stable_mosaic.version = 14 : i64} {
  func.func @_final_tc_body(%arg0: i32, %arg1: memref<2000x1xf32, #tpu.memory_space<vmem>>, %arg2: memref<2x2000x128xf32, #tpu.memory_space<vmem>>, %arg3: memref<2000x128xf32, #tpu.memory_space<vmem>>, %arg4: memref<128x128xf32, #tpu.memory_space<vmem>>, %arg5: memref<1x128xf32, #tpu.memory_space<vmem>>, %arg6: memref<128x128xf32, #tpu.memory_space<vmem>>, %arg7: memref<128x2xf32, #tpu.memory_space<vmem>>, %arg8: memref<128x2xf32, #tpu.memory_space<vmem>>, %arg9: memref<1x2xf32, #tpu.memory_space<vmem>>, %arg10: memref<2000x4xf32, #tpu.memory_space<vmem>>) attributes {dimension_semantics = [#tpu.dimension_semantics<arbitrary>], iteration_bounds = array<i64: 5>, scalar_prefetch = 0 : i64, scratch_operands = 0 : i64, tpu.core_type = #tpu.core_type<tc>, window_params = [{transform_indices = @transform_0, window_bounds = array<i64: 2000, 1>}, {transform_indices = @transform_1, window_bounds = array<i64: 2, 2000, 128>}, {transform_indices = @transform_2, window_bounds = array<i64: 2000, 128>}, {pipeline_mode = #tpu.pipeline_mode<synchronous>, transform_indices = @transform_3, window_bounds = array<i64: 128, 128>}, {pipeline_mode = #tpu.pipeline_mode<synchronous>, transform_indices = @transform_4, window_bounds = array<i64: 1, 128>}, {pipeline_mode = #tpu.pipeline_mode<synchronous>, transform_indices = @transform_5, window_bounds = array<i64: 128, 128>}, {pipeline_mode = #tpu.pipeline_mode<synchronous>, transform_indices = @transform_6, window_bounds = array<i64: 128, 2>}, {pipeline_mode = #tpu.pipeline_mode<synchronous>, transform_indices = @transform_7, window_bounds = array<i64: 128, 2>}, {pipeline_mode = #tpu.pipeline_mode<synchronous>, transform_indices = @transform_8, window_bounds = array<i64: 1, 2>}, {transform_indices = @transform_9, window_bounds = array<i64: 2000, 4>}]} {
    %get3A = arith.constant 0 : index
    %get3A_0 = arith.constant 0 : index
    %get3A_1 = arith.constant 0 : index
    %get3A_2 = vector.load %arg2[%get3A, %get3A_0, %get3A_1] : memref<2x2000x128xf32, #tpu.memory_space<vmem>>, vector<1x2000x128xf32>
    %get3A_3 = vector.shape_cast %get3A_2 : vector<1x2000x128xf32> to vector<2000x128xf32>
    %get3A_4 = arith.constant 1 : index
    %get3A_5 = arith.constant 0 : index
    %get3A_6 = arith.constant 0 : index
    %get3A_7 = vector.load %arg2[%get3A_4, %get3A_5, %get3A_6] : memref<2x2000x128xf32, #tpu.memory_space<vmem>>, vector<1x2000x128xf32>
    %get3A_8 = vector.shape_cast %get3A_7 : vector<1x2000x128xf32> to vector<2000x128xf32>
    %add3A = arith.addf %get3A_3, %get3A_8 : vector<2000x128xf32>
    %get3A_9 = arith.constant 0 : index
    %get3A_10 = arith.constant 0 : index
    %get3A_11 = vector.load %arg1[%get3A_9, %get3A_10] : memref<2000x1xf32, #tpu.memory_space<vmem>>, vector<2000x1xf32>
    %div3A = vector.broadcast %get3A_11 : vector<2000x1xf32> to vector<2000x128xf32>
    %div3A_12 = arith.divf %add3A, %div3A : vector<2000x128xf32>
    %get3A_13 = arith.constant 0 : index
    %get3A_14 = arith.constant 0 : index
    %get3A_15 = vector.load %arg4[%get3A_13, %get3A_14] : memref<128x128xf32, #tpu.memory_space<vmem>>, vector<128x128xf32>
    %dot_general3A = arith.constant dense<0.000000e+00> : vector<2000x128xf32>
    %dot_general3A_16 = tpu.matmul %div3A_12, %get3A_15, %dot_general3A {dimension_numbers = #tpu.dot_dimension_numbers<[1], [0], [0], [1], [0, 0, 1, 1], [], []>, transpose_lhs_hint = false} : vector<2000x128xf32>, vector<128x128xf32>, vector<2000x128xf32> -> vector<2000x128xf32>
    %get3A_17 = arith.constant 0 : index
    %get3A_18 = arith.constant 0 : index
    %get3A_19 = vector.load %arg5[%get3A_17, %get3A_18] : memref<1x128xf32, #tpu.memory_space<vmem>>, vector<1x128xf32>
    %add3A_20 = vector.broadcast %get3A_19 : vector<1x128xf32> to vector<2000x128xf32>
    %add3A_21 = arith.addf %dot_general3A_16, %add3A_20 : vector<2000x128xf32>
    %get3A_22 = arith.constant 0 : index
    %get3A_23 = arith.constant 0 : index
    %get3A_24 = vector.load %arg3[%get3A_22, %get3A_23] : memref<2000x128xf32, #tpu.memory_space<vmem>>, vector<2000x128xf32>
    %get3A_25 = arith.constant 0 : index
    %get3A_26 = arith.constant 0 : index
    %get3A_27 = vector.load %arg6[%get3A_25, %get3A_26] : memref<128x128xf32, #tpu.memory_space<vmem>>, vector<128x128xf32>
    %dot_general3A_28 = arith.constant dense<0.000000e+00> : vector<2000x128xf32>
    %dot_general3A_29 = tpu.matmul %get3A_24, %get3A_27, %dot_general3A_28 {dimension_numbers = #tpu.dot_dimension_numbers<[1], [0], [0], [1], [0, 0, 1, 1], [], []>, transpose_lhs_hint = false} : vector<2000x128xf32>, vector<128x128xf32>, vector<2000x128xf32> -> vector<2000x128xf32>
    %add3A_30 = arith.addf %add3A_21, %dot_general3A_29 : vector<2000x128xf32>
    %max3A = arith.constant 0.000000e+00 : f32
    %max3A_31 = vector.broadcast %max3A : f32 to vector<2000x128xf32>
    %max3A_32 = arith.maximumf %add3A_30, %max3A_31 : vector<2000x128xf32>
    %get3A_33 = arith.constant 0 : index
    %get3A_34 = arith.constant 0 : index
    %get3A_35 = vector.load %arg7[%get3A_33, %get3A_34] : memref<128x2xf32, #tpu.memory_space<vmem>>, vector<128x2xf32>
    %dot_general3A_36 = arith.constant dense<0.000000e+00> : vector<2000x2xf32>
    %dot_general3A_37 = tpu.matmul %max3A_32, %get3A_35, %dot_general3A_36 {dimension_numbers = #tpu.dot_dimension_numbers<[1], [0], [0], [1], [0, 0, 1, 1], [], []>, transpose_lhs_hint = false} : vector<2000x128xf32>, vector<128x2xf32>, vector<2000x2xf32> -> vector<2000x2xf32>
    %get3A_38 = arith.constant 0 : index
    %get3A_39 = arith.constant 0 : index
    %get3A_40 = vector.load %arg9[%get3A_38, %get3A_39] : memref<1x2xf32, #tpu.memory_space<vmem>>, vector<1x2xf32>
    %add3A_41 = vector.broadcast %get3A_40 : vector<1x2xf32> to vector<2000x2xf32>
    %add3A_42 = arith.addf %dot_general3A_37, %add3A_41 : vector<2000x2xf32>
    %get3A_43 = arith.constant 0 : index
    %get3A_44 = arith.constant 0 : index
    %get3A_45 = vector.load %arg8[%get3A_43, %get3A_44] : memref<128x2xf32, #tpu.memory_space<vmem>>, vector<128x2xf32>
    %dot_general3A_46 = arith.constant dense<0.000000e+00> : vector<2000x2xf32>
    %dot_general3A_47 = tpu.matmul %max3A_32, %get3A_45, %dot_general3A_46 {dimension_numbers = #tpu.dot_dimension_numbers<[1], [0], [0], [1], [0, 0, 1, 1], [], []>, transpose_lhs_hint = false} : vector<2000x128xf32>, vector<128x2xf32>, vector<2000x2xf32> -> vector<2000x2xf32>
    %concatenate3A = tpu.concatenate %add3A_42, %dot_general3A_47 in 1 : vector<2000x2xf32>, vector<2000x2xf32> -> vector<2000x4xf32>
    %swap3A = arith.constant 0 : index
    %swap3A_48 = arith.constant 0 : index
    %swap3A_49 = vector.load %arg10[%swap3A, %swap3A_48] : memref<2000x4xf32, #tpu.memory_space<vmem>>, vector<2000x4xf32>
    tpu.vector_store %arg10[%swap3A, %swap3A_48], %concatenate3A {strides = array<i32>} : memref<2000x4xf32, #tpu.memory_space<vmem>>, vector<2000x4xf32>,
    return
  }
  func.func @transform_0(%arg0: i32) -> (i32, i32) {
    %c0_i32 = arith.constant 0 : i32
    %c0_i32_0 = arith.constant 0 : i32
    return %arg0, %c0_i32 : i32, i32
  }
  func.func @transform_1(%arg0: i32) -> (i32, i32, i32) {
    %c0_i32 = arith.constant 0 : i32
    %c0_i32_0 = arith.constant 0 : i32
    %c0_i32_1 = arith.constant 0 : i32
    return %c0_i32, %arg0, %c0_i32_0 : i32, i32, i32
  }
  func.func @transform_2(%arg0: i32) -> (i32, i32) {
    %c0_i32 = arith.constant 0 : i32
    %c0_i32_0 = arith.constant 0 : i32
    return %arg0, %c0_i32 : i32, i32
  }
  func.func @transform_3(%arg0: i32) -> (i32, i32) {
    %c0_i32 = arith.constant 0 : i32
    %c0_i32_0 = arith.constant 0 : i32
    %c0_i32_1 = arith.constant 0 : i32
    return %c0_i32, %c0_i32_0 : i32, i32
  }
  func.func @transform_4(%arg0: i32) -> (i32, i32) {
    %c0_i32 = arith.constant 0 : i32
    %c0_i32_0 = arith.constant 0 : i32
    %c0_i32_1 = arith.constant 0 : i32
    return %c0_i32, %c0_i32_0 : i32, i32
  }
  func.func @transform_5(%arg0: i32) -> (i32, i32) {
    %c0_i32 = arith.constant 0 : i32
    %c0_i32_0 = arith.constant 0 : i32
    %c0_i32_1 = arith.constant 0 : i32
    return %c0_i32, %c0_i32_0 : i32, i32
  }
  func.func @transform_6(%arg0: i32) -> (i32, i32) {
    %c0_i32 = arith.constant 0 : i32
    %c0_i32_0 = arith.constant 0 : i32
    %c0_i32_1 = arith.constant 0 : i32
    return %c0_i32, %c0_i32_0 : i32, i32
  }
  func.func @transform_7(%arg0: i32) -> (i32, i32) {
    %c0_i32 = arith.constant 0 : i32
    %c0_i32_0 = arith.constant 0 : i32
    %c0_i32_1 = arith.constant 0 : i32
    return %c0_i32, %c0_i32_0 : i32, i32
  }
  func.func @transform_8(%arg0: i32) -> (i32, i32) {
    %c0_i32 = arith.constant 0 : i32
    %c0_i32_0 = arith.constant 0 : i32
    %c0_i32_1 = arith.constant 0 : i32
    return %c0_i32, %c0_i32_0 : i32, i32
  }
  func.func @transform_9(%arg0: i32) -> (i32, i32) {
    %c0_i32 = arith.constant 0 : i32
    %c0_i32_0 = arith.constant 0 : i32
    return %arg0, %c0_i32 : i32, i32
  }
}

module attributes {stable_mosaic.version = 14 : i64} {
  func.func @_lsm_body(%arg0: memref<2500x128xf32, #tpu.memory_space<vmem>>, %arg1: memref<2500x128xf32, #tpu.memory_space<vmem>>, %arg2: memref<2500x128xf32, #tpu.memory_space<vmem>>, %arg3: memref<2500x128xf32, #tpu.memory_space<vmem>>) attributes {dimension_semantics = [], scalar_prefetch = 0 : i64, scratch_operands = 0 : i64, tpu.core_type = #tpu.core_type<tc>} {
    %get3A = arith.constant 0 : index
    %get3A_0 = arith.constant 0 : index
    %get3A_1 = vector.load %arg0[%get3A, %get3A_0] : memref<2500x128xf32, #tpu.memory_space<vmem>>, vector<2500x128xf32>
    %get3A_2 = arith.constant 0 : index
    %get3A_3 = arith.constant 0 : index
    %get3A_4 = vector.load %arg1[%get3A_2, %get3A_3] : memref<2500x128xf32, #tpu.memory_space<vmem>>, vector<2500x128xf32>
    %max3A = arith.maximumf %get3A_1, %get3A_4 : vector<2500x128xf32>
    %sub3A = arith.subf %get3A_1, %max3A : vector<2500x128xf32>
    %exp3A = math.exp %sub3A : vector<2500x128xf32>
    %sub3A_5 = arith.subf %get3A_4, %max3A : vector<2500x128xf32>
    %exp3A_6 = math.exp %sub3A_5 : vector<2500x128xf32>
    %add3A = arith.addf %exp3A, %exp3A_6 : vector<2500x128xf32>
    %log3A = math.log %add3A : vector<2500x128xf32>
    %add3A_7 = arith.addf %max3A, %log3A : vector<2500x128xf32>
    %sub3A_8 = arith.subf %get3A_1, %add3A_7 : vector<2500x128xf32>
    %swap3A = arith.constant 0 : index
    %swap3A_9 = arith.constant 0 : index
    %swap3A_10 = vector.load %arg2[%swap3A, %swap3A_9] : memref<2500x128xf32, #tpu.memory_space<vmem>>, vector<2500x128xf32>
    tpu.vector_store %arg2[%swap3A, %swap3A_9], %sub3A_8 {strides = array<i32>} : memref<2500x128xf32, #tpu.memory_space<vmem>>, vector<2500x128xf32>,
    %sub3A_11 = arith.subf %get3A_4, %add3A_7 : vector<2500x128xf32>
    %swap3A_12 = arith.constant 0 : index
    %swap3A_13 = arith.constant 0 : index
    %swap3A_14 = vector.load %arg3[%swap3A_12, %swap3A_13] : memref<2500x128xf32, #tpu.memory_space<vmem>>, vector<2500x128xf32>
    tpu.vector_store %arg3[%swap3A_12, %swap3A_13], %sub3A_11 {strides = array<i32>} : memref<2500x128xf32, #tpu.memory_space<vmem>>, vector<2500x128xf32>,
    return
  }
}

</mosaic_0001>

<sc_bundles>
// kernel: kernel.12.cloned.1.call-start
scs
__scs_entry_jumppad:
0x0: {  	(pc) =	sbr.rel $0x88, $3  }
0x1: {  	(tag) =	ssettag $0x0;
	lr =	simm.s32 $0x1  }
0x2: {  	[smem:$0x3F97] =	sst lr;
	_ =	strace $0xD0000000  }
0x3: {  	_ = 	snop  }
0x4: {  	_ = 	snop  }
0x5: {  	_ = 	snop  }
0x6: {  	_ = 	snop  }
0x7: {  	_ = 	snop  }
__scs_overlays_trampoline_lowered:
0x8: {  	[smem:$0x3FA6] =	sst s0  }
0x9: {  	[smem:$0x3FA7] =	sst s1  }
0xa: {  	[smem:$0x3FA8] =	sst s2  }
0xb: {  	[smem:$0x3FA9] =	sst s3  }
0xc: {  	[smem:$0x3FAA] =	sst s4  }
0xd: {  	[smem:$0x3FAB] =	sst s5  }
0xe: {  	[smem:$0x3FAC] =	sst s6  }
0xf: {  	[smem:$0x3FAD] =	sst s7  }
0x10: {  	[smem:$0x3FAE] =	sst s8  }
0x11: {  	[smem:$0x3FAF] =	sst s9;
	s0 =	simm.s32 @!p0 $0x0  }
0x12: {  	s1 =	sld [smem:$0x3F95];
	s0 =	simm.s32 @p0 $0x1  }
0x13: {  	[smem:$0x3FB0] =	sst s0;
	s0 =	simm.s32 @!p1 $0x0  }
0x14: {  	s2 =	sld [smem:$0x3F94];
	s0 =	simm.s32 @p1 $0x1  }
0x15: {  	[smem:$0x3FB1] =	sst s0;
	s0 =	simm.s32 @!p2 $0x0  }
0x16: {  	s3 =	sld [smem:$0x3FDB];
	s0 =	simm.s32 @p2 $0x1  }
0x17: {  	s4 =	simm.s32 $0x1BF5;
	[smem:$0x3FB3] =	sst s0  }
0x18: {  	s0 =	sld [smem:$0x3F96];
	_ =	swait.ge [sflag:s4], $0x0  }
0x19: {  	s7 =	sld [smem:$0x3F97]  }
0x1a: {  	s8 =	sadd.s32 $0xFFFFE003, lr  }
0x1b: {  	s9 =	sadd.s32 $0xFFFFFEF7, lr;
	s5 =	simm.s32 $0xFFFFFFFF;
	p2 =	slt.u32 s8, $0xFFFFF086  }
0x1c: {  	p1 =	slt.u32 s9, $0xF7A;
	s5 =	simm.s32 @!p2 $0x0  }
0x1d: {  	s5 =	simm.s32 @p1 $0x1;
	p0 =	seq.s32 s7, s2  }
0x1e: {  	s7 =	smul.u32 @!p0 $0xF7A, s2;
	p2 =	seq.s32 @!p0 s5, $0x0  }
0x1f: {  	s9 =	smul.u32 $0xF7A, s1;
	s8 =	simm.s32 @!p0 $0x1BF5;
	p2 =	por !p2, p0  }
0x20: {  	[sflag:s8] =	ssyncset.s32 @!p0 $0xFFFFF086;
	s6 =	sadd.s32 @!p0 s3, s7;
	s7 =	simm.s32 @!p0 $0x108  }
0x21: {  	s3 =	sadd.s32 s3, s9;
	s6 =	sadd.s32 @!p0 $0x88, s6;
	s7 =	simm.s32 @p2 $0x1082  }
0x22: {  	[simem:s7], [sflag:s8] =	dma.local @!p0 [hbm:s6], $0xF7A  }
0x23: {  	s9 =	sor.u32 $0xD0000000, s2;
	s6 =	simm.s32 $0x108;
	_ =	swait.ge @!p0 [sflag:s8], $0x0  }
0x24: {  	s3 =	sadd.s32 $0x88, s3;
	s6 =	simm.s32 @!p1 $0x1082;
	[sflag:s4] =	ssyncset.s32 $0xFFFFF086  }
0x25: {  	[simem:s6], [sflag:s4] =	dma.local [hbm:s3], $0xF7A  }
0x26: {  	[smem:$0x3F97] =	sst s1;
	(tag) =	ssettag s2;
	_ =	strace s9  }
0x27: {  	s1 =	sld [smem:$0x3FA7]  }
0x28: {  	s2 =	sld [smem:$0x3FA8]  }
0x29: {  	s4 =	sld [smem:$0x3FAA]  }
0x2a: {  	p0 =	seq.s32 s5, $0x0;
	s5 =	sld [smem:$0x3FAB]  }
0x2b: {  	s6 =	sld [smem:$0x3FAC]  }
0x2c: {  	s7 =	sld [smem:$0x3FAD]  }
0x2d: {  	s3 =	simm.s32 $0x108;
	s8 =	sld [smem:$0x3FAE]  }
0x2e: {  	s3 =	simm.s32 @!p0 $0x1082;
	s9 =	sld [smem:$0x3FAF]  }
0x2f: {  	lr =	sadd.s32 s0, s3;
	s0 =	sld [smem:$0x3FA6]  }
0x30: {  	s3 =	sld [smem:$0x3FA9]  }
0x31: {  	[smem:$0x3FB2] =	sst s10  }
0x32: {  	s10 =	sld [smem:$0x3FB0];
	_ =	sdelay $0x3  }
0x33: {  	p0 =	seq.s32 s10, $0x1;
	s10 =	sld [smem:$0x3FB2];
	_ =	sdelay $0x3  }
0x34: {  	[smem:$0x3FB2] =	sst s10  }
0x35: {  	s10 =	sld [smem:$0x3FB1];
	_ =	sdelay $0x3  }
0x36: {  	p1 =	seq.s32 s10, $0x1;
	s10 =	sld [smem:$0x3FB2];
	_ =	sdelay $0x3  }
0x37: {  	[smem:$0x3FB2] =	sst s10  }
0x38: {  	s10 =	sld [smem:$0x3FB3]  }
0x39: {  	_ = 	snop;
	(pc) =	sbr.ind lr, $3  }
0x3a: {  	_ = 	snop  }
0x3b: {  	_ = 	snop  }
0x3c: {  	p2 =	seq.s32 s10, $0x1;
	s10 =	sld [smem:$0x3FB2]  }
0x3d: {  	_ =	shalt  }
0x3e: {  	_ =	shalt  }
0x3f: {  	_ =	shalt  }
0x40: {  	_ =	shalt  }
0x41: {  	_ =	shalt  }
0x42: {  	_ =	shalt  }
0x43: {  	_ =	shalt  }
0x44: {  	_ =	shalt  }
0x45: {  	_ =	shalt  }
0x46: {  	_ =	shalt  }
0x47: {  	_ =	shalt  }
0x48: {  	_ =	shalt  }
0x49: {  	_ =	shalt  }
0x4a: {  	_ =	shalt  }
0x4b: {  	_ =	shalt  }
0x4c: {  	_ =	shalt  }
0x4d: {  	_ =	shalt  }
0x4e: {  	_ =	shalt  }
0x4f: {  	_ =	shalt  }
0x50: {  	_ =	shalt  }
0x51: {  	_ =	shalt  }
0x52: {  	_ =	shalt  }
0x53: {  	_ =	shalt  }
0x54: {  	_ =	shalt  }
0x55: {  	_ =	shalt  }
0x56: {  	_ =	shalt  }
0x57: {  	_ =	shalt  }
0x58: {  	_ =	shalt  }
0x59: {  	_ =	shalt  }
0x5a: {  	_ =	shalt  }
0x5b: {  	_ =	shalt  }
0x5c: {  	_ =	shalt  }
0x5d: {  	_ =	shalt  }
0x5e: {  	_ =	shalt  }
0x5f: {  	_ =	shalt  }
0x60: {  	_ =	shalt  }
0x61: {  	_ =	shalt  }
0x62: {  	_ =	shalt  }
0x63: {  	_ =	shalt  }
0x64: {  	_ =	shalt  }
0x65: {  	_ =	shalt  }
0x66: {  	_ =	shalt  }
0x67: {  	_ =	shalt  }
0x68: {  	_ =	shalt  }
0x69: {  	_ =	shalt  }
0x6a: {  	_ =	shalt  }
0x6b: {  	_ =	shalt  }
0x6c: {  	_ =	shalt  }
0x6d: {  	_ =	shalt  }
0x6e: {  	_ =	shalt  }
0x6f: {  	_ =	shalt  }
0x70: {  	_ =	shalt  }
0x71: {  	_ =	shalt  }
0x72: {  	_ =	shalt  }
0x73: {  	_ =	shalt  }
0x74: {  	_ =	shalt  }
0x75: {  	_ =	shalt  }
0x76: {  	_ =	shalt  }
0x77: {  	_ =	shalt  }
0x78: {  	_ =	shalt  }
0x79: {  	_ =	shalt  }
0x7a: {  	_ =	shalt  }
0x7b: {  	_ =	shalt  }
0x7c: {  	_ =	shalt  }
0x7d: {  	_ =	shalt  }
0x7e: {  	_ =	shalt  }
0x7f: {  	_ =	shalt  }
0x80: {  	_ =	shalt  }
0x81: {  	_ =	shalt  }
0x82: {  	_ =	shalt  }
0x83: {  	_ =	shalt  }
0x84: {  	_ =	shalt  }
0x85: {  	_ =	shalt  }
0x86: {  	_ =	shalt  }
0x87: {  	_ =	shalt  }
.Lfunc_end0:
.L_simem_size_0:
called_computation.1_lowered:
.L_overlay_start_0:
0x88: {  	s2 =	sld [smem:$0x3FD9]  }
0x89: {  	s3 =	sld [smem:$0x3FFE];
	_ =	sdelay $0x1  }
0x8a: {  	s1 =	srdreg.scid  }
0x8b: {  	s0 =	sand.u32 $0x1, s1  }
0x8c: {  	s16 =	sshll.u32 s0, $0xA;
	s2 =	sadd.s32 s3, s2  }
0x8d: {  	s2 =	sadd.s32 s2, s16  }
0x8e: {  	[smem:$0x3FBE] =	sst s2  }
0x8f: {  	_ = 	snop  }
0x90: {  	(tm) =	ssettm $0x1  }
0x91: {  	s17 =	sld [smem:$0x3FFB];
	_ =	sdelay $0x3  }
0x92: {  	_ =	strace s17  }
0x93: {  	s2 =	sld [smem:$0x3FFC];
	_ =	sdelay $0x3  }
0x94: {  	_ =	strace s2  }
0x95: {  	s2 =	sld [smem:$0x3FFD];
	_ =	sdelay $0x3  }
0x96: {  	_ =	strace s2  }
0x97: {  	_ =	strace $0x8FFFFFFF  }
0x98: {  	s18 =	sld [smem:$0x3FDB];
	_ =	sdelay $0x1  }
0x99: {  	s19 =	simm.s32 $_scs_section_size  }
0x9a: {  	s4 =	simm.s32 $_size__tile_overlayer_lowered;
	s5 =	simm.s32 $_tile_overlayer_lowered  }
0x9b: {  	s22 =	simm.s32 $0x1BFF;
	s21 =	sshll.u32 s5, $0x1;
	s2 =	sadd.s32 s19, s18  }
0x9c: {  	s6 =	simm.s32 $0x0;
	s20 =	sshll.u32 s4, $0x1;
	s4 =	sadd.s32 s21, s2  }
0x9d: {  	[timem:s6], [sflag:s22] =	dma.local [hbm:s4], s20  }
0x9e: {  	_ =	swait.ge [sflag:s22], s20  }
0x9f: {  	s3 =	ssub.s32 $0x0, s20;
	[sflag:s22] =	ssyncset.done $0x0  }
0xa0: {  	[sflag:s22] =	ssyncadd.s32 s3;
	_ =	sdelay $0x1  }
0xa1: {  	s23 =	simm.s32 $0x1B8B  }
0xa2: {  	_ =	swait.ge [sflag:s23], $0x1  }
0xa3: {  	[sflag:s23] =	ssyncset.done $0x0  }
0xa4: {  	s25 =	simm.s32 $0x1B8E;
	s24 =	sld [smem:$0x3FFE];
	[sflag:s23] =	ssyncadd.s32 $0xFFFFFFFF  }
0xa5: {  	s26 =	simm.s32 $execute0_lowered;
	[smem:$0x3FD2] =	sst s25  }
0xa6: {  	s4 =	sshll.u32 s26, $0x1;
	_ =	strace $0x80000049;
	[dreg:$0x1] =	wrdreg $0xFFFFFFFF  }
0xa7: {  	s28 =	simm.s32 $_size_execute0_lowered;
	s2 =	sadd.s32 s2, s4;
	[dreg:$0x0] =	wrdreg $0x0  }
0xa8: {  	s4 =	sshll.u32 s28, $0x1;
	[dreg:$0x2] =	wrdreg s2  }
0xa9: {  	[dreg:$0x3] =	wrdreg s4  }
0xaa: {  	[dreg:$0x4] =	wrdreg $0xC0  }
0xab: {  	_ =	task [dreg:s6], $0x5FFFF  }
0xac: {  	[dreg:$0x1] =	wrdreg $0xFFFFFFFF  }
0xad: {  	[dreg:$0x0] =	wrdreg $0x60  }
0xae: {  	[dreg:$0x2] =	wrdreg s24  }
0xaf: {  	[dreg:$0x3] =	wrdreg $0x84000  }
0xb0: {  	[dreg:$0x4] =	wrdreg $0x9  }
0xb1: {  	_ =	task.clear_ibuf [dreg:s6], $0x5FFFF;
	_ =	strace $0x90000049  }
0xb2: {  	s29 =	simm.s32 $0x9;
	_ =	strace $0x8000004B  }
0xb3: {  	_ =	swait.ge [sflag:s29], $0x1  }
0xb4: {  	[sflag:s29] =	ssyncadd.s32 $0xFFFFFFFF  }
0xb5: {  	_ =	strace $0x9000004B  }
0xb6: {  	_ =	sfence  }
0xb7: {  	s30 =	sld [smem:$0x0];
	_ =	sdelay $0x2  }
0xb8: {  	s31 =	sshll.u32 s1, $0xD;
	s1 =	sshrl.u32 s1, $0x2  }
0xb9: {  	s3 =	sand.u32 $0x4000, s31;
	s1 =	sadd.s32 s1, s30  }
0xba: {  	s0 =	sor.u32 s3, s0;
	s1 =	sshll.u32 s1, $0x11  }
0xbb: {  	s0 =	sor.u32 s1, s0  }
0xbc: {  	s0 =	sadd.s32 $0x8F2B, s0  }
0xbd: {  	[sflag:s0] =	ssyncadd.remote.s32 $0x1  }
0xbe: {  	_ =	sfence.sel $0xFFFF  }
0xbf: {  	[dreg:$0x0] =	wrdreg $0xFFFFFFFF;
	(pc) =	sbr.abs _section_cstart, $3  }
0xc0: {  	[dreg:$0x1] =	wrdreg $0xFFFFFFFF  }
0xc1: {  	_ =	task.clear_ibuf [dreg:s6], $0x2FFFF;
	_ =	strace $0x9FFFFFFF  }
0xc2: {  	(tm) =	ssettm $0x7FFFFFFF  }
0xc3: {  	_ =	shalt  }
tec
execute0_lowered:
.L_overlay_start_1:
0x0: {  	(tag) =	ssettag $0x1  }
0x1: {  	s0 =	rddreg [dreg:$0x0]  }
0x2: {  	s1 =	rddreg [dreg:$0x1]  }
0x3: {  	s2 =	srdreg.scid;
	s5 =	stileid.u32  }
0x4: {  	s28 =	simm.s32 $0x8300;
	s29 =	simm.s32 $0x8180;
	s30 =	simm.s32 $0x8380  }
0x5: {  	s31 =	simm.s32 $0x3;
	s6 =	sand.u32 $0x1, s2;
	s15 =	smul.u32 $0x4E200, s5  }
0x6: {  	s3 =	sshll.u32 s5, $0x1;
	s2 =	simm.s32 $0x0;
	s20 =	smul.u32 $0xA00, s5  }
0x7: {  	p0 =	sne.s32 s5, $0x0;
	s7 =	smul.u32 $0x27100, s6;
	s4 =	sor.u32 s6, s3  }
0x8: {  	[smem:$0x7FF] =	sst s2;
	s3 =	sadd.s32 $0x17E00, s0;
	s21 =	smul.u32 $0x500, s6  }
0x9: {  	s25 =	ssub.s32 $0x2, s6;
	s6 =	simm.s32 $0x4;
	s8 =	smul.u32 $0x500, s4  }
0xa: {  	_ =	strace $0x8000004A;
	s9 =	smul.u32 $0x2800, s4;
	s4 =	sadd.s32 $0x3E00, s0  }
0xb: {  	s10 =	sshrl.u32 s25, $0x1;
	s19 =	sshrl.u32 s15, $0x2;
	s15 =	simm.s32 $0x6  }
0xc: {  	s0 =	sadd.s32 s7, s0;
	s7 =	ssub.s32 s25, s10;
	s11 =	sadd.s32 s4, s8  }
0xd: {  	s20 =	sadd.s32 s21, s20;
	s0 =	sadd.s32 $0x3F000, s0;
	[dreg:$0x3] =	wrdreg s11  }
0xe: {  	s10 =	simm.s32 $0xB;
	s22 =	smax.u32 s7, $0x1;
	[dreg:$0xb] =	wrdreg s0  }
0xf: {  	s26 =	sshrl.u32 s9, $0x3;
	s12 =	sadd.s32 $0xA000, s11;
	[dreg:$0xd] =	wrdreg s22  }
0x10: {  	s7 =	simm.s32 $0x4000;
	s13 =	sadd.s32 $0x10, s11;
	[dreg:$0x4] =	wrdreg s12  }
0x11: {  	s9 =	simm.s32 $0x1;
	s16 =	sadd.s32 $0x20, s11;
	[dreg:$0x5] =	wrdreg s13  }
0x12: {  	s8 =	sadd.s32 s4, s26;
	s18 =	sadd.s32 $0x30, s11;
	[dreg:$0x7] =	wrdreg s16  }
0x13: {  	s0 =	simm.s32 $0x7D;
	s14 =	sadd.s32 $0xA010, s8;
	[dreg:$0x9] =	wrdreg s18  }
0x14: {  	s11 =	simm.s32 $0x5;
	s17 =	sadd.s32 $0xA020, s8;
	[dreg:$0x6] =	wrdreg s14  }
0x15: {  	s8 =	sadd.s32 $0xA030, s8;
	s12 =	simm.s32 $0x8;
	[dreg:$0x8] =	wrdreg s17  }
0x16: {  	s13 =	simm.s32 $0x2;
	[dreg:$0xa] =	wrdreg s8;
	s8 =	sadd.s32 s19, s1  }
0x17: {  	s16 =	simm.s32 $0x9;
	s23 =	sadd.s32 $0x3E80, s8;
	[dreg:$0xc] =	wrdreg s8  }
.Ltmp0:
0x18: {  	s24 =	sadd.s32 $0x7D00, s8;
	[dreg:$0xe] =	wrdreg s23;
	(pc) =	sbr.rel .LBB2_1-.Ltmp0, $4  }
0x19: {  	s18 =	simm.s32 $0x0;
	s25 =	sadd.s32 $0xBB80, s8;
	[dreg:$0xf] =	wrdreg s24  }
0x1a: {  	s17 =	simm.s32 $0xA;
	s26 =	sadd.s32 $0xFA00, s8;
	[dreg:$0x10] =	wrdreg s25  }
0x1b: {  	s8 =	simm.s32 $0x7;
	[dreg:$0x11] =	wrdreg s26;
	s24 =	simm.s32 $0x8080  }
0x1c: {  	v0 =	vimm.f32 $0.0e+00;
	s25 =	simm.s32 $0x8280;
	s26 =	simm.s32 $0x8100;
	s23 =	simm.s32 $0x8000  }
.LBB2_6:
0x1d: {  	_ =	swait.ge [sflag:s17], $0x80  }
0x1e: {  	[sflag:s17] =	ssyncset.done $0x0  }
0x1f: {  	[sflag:s17] =	ssyncadd.s32 $0xFFFFFF80  }
0x20: {  	_ =	swait.ge [sflag:s13], $0x3E80  }
0x21: {  	[sflag:s13] =	ssyncset.done $0x0  }
0x22: {  	[sflag:s13] =	ssyncadd.s32 $0xFFFFC180  }
0x23: {  	[spmem:s1] =	stream.indirect.scatter.add.f32 [tilespmem:s7], [sflag:$0xB], $0x80, s30, s0, $0xb8;
	[tilespmem:$0x1BC80] =	vst v63  }
0x24: {  	_ =	swait.ge [sflag:s10], $0x3E80  }
0x25: {  	[sflag:s10] =	ssyncset.done $0x0  }
0x26: {  	[sflag:s10] =	ssyncadd.s32 $0xFFFFC180  }
0x27: {  	[bflag:$0x0] =	sbarrier.arrive $0xFFFF  }
0x28: {  	s5 =	sshrl.u32 @!p0 s1, $0x3;
	s14 =	simm.s32 @!p0 $0x1C0C;
	s18 =	rddreg [dreg:$0xb]  }
0x29: {  	[hbm:s18], [sflag:s14] =	dma.local @!p0 [spmem:s5], $0x27100  }
0x2a: {  	s5 =	simm.s32 @!p0 $0xC  }
0x2b: {  	_ =	swait.ge @!p0 [sflag:s5], $0x27100  }
0x2c: {  	s21 =	rddreg [dreg:$0x12]  }
0x2d: {  	s22 =	rddreg [dreg:$0xd];
	s18 =	sadd.s32 $0x1, s21  }
0x2e: {  	p1 =	sne.s32 s18, s22  }
.Ltmp1:
0x2f: {  	_ = 	snop;
	(pc) =	sbr.rel @!p1 .LBB2_7-.Ltmp1, $3  }
0x30: {  	_ =	sdelay $0x1  }
0x31: {  	[sflag:s5] =	ssyncset.done @!p0 $0x0  }
0x32: {  	[sflag:s5] =	ssyncadd.s32 @!p0 $0xFFFD8F00  }
.LBB2_1:
0x33: {  	s5 =	sand.u32 $0xFE00, s2  }
0x34: {  	[dreg:$0x12] =	wrdreg s18;
	s14 =	sand.u32 $0x70, s2;
	s5 =	sshrl.u32 s5, $0x2  }
0x35: {  	s19 =	simm.s32 $0x40;
	s14 =	sor.u32 s14, s5;
	s5 =	simm.s32 $0x0  }
.LBB2_2:
0x36: {  	p1 =	sne.s32 s19, $0xF9C0  }
0x37: {  	[tilespmem:s14+$0x0] =	vst v0;
	s5 =	sadd.s32 $0x10, s5;
	s14 =	smov.u32 s19;
	s19 =	sadd.s32 $0x40, s19  }
.Ltmp2:
0x38: {  	(pc) =	sbr.rel @p1 .LBB2_2-.Ltmp2, $4  }
0x39: {  	_ = 	snop  }
0x3a: {  	s14 =	sand.u32 $0xFE00, s14  }
0x3b: {  	s21 =	sand.u32 $0x70, s5;
	s14 =	sshrl.u32 s14, $0x2  }
0x3c: {  	s14 =	sor.u32 s21, s14  }
0x3d: {  	[tilespmem:s14+$0x0] =	vst v0;
	s19 =	simm.s32 $0x0;
	s5 =	rddreg [dreg:$0xc];
	s14 =	simm.s32 $0xC  }
0x3e: {  	[spmem:s5] =	stream.linear.scatter [tilespmem:s19], [sflag:$0xC], $0x3E80, $0x38;
	[tilespmem:$0x1BC80] =	vst v63  }
0x3f: {  	_ =	swait.ge [sflag:s14], $0x3E80  }
0x40: {  	[sflag:s14] =	ssyncset.done $0x0  }
0x41: {  	s18 =	rddreg [dreg:$0xe];
	[sflag:s14] =	ssyncadd.s32 $0xFFFFC180  }
0x42: {  	[spmem:s18] =	stream.linear.scatter [tilespmem:s19], [sflag:$0xC], $0x3E80, $0x38;
	[tilespmem:$0x1BC80] =	vst v63  }
0x43: {  	_ =	swait.ge [sflag:s14], $0x3E80  }
0x44: {  	[sflag:s14] =	ssyncset.done $0x0  }
0x45: {  	s21 =	rddreg [dreg:$0xf];
	[sflag:s14] =	ssyncadd.s32 $0xFFFFC180  }
0x46: {  	[spmem:s21] =	stream.linear.scatter [tilespmem:s19], [sflag:$0xC], $0x3E80, $0x38;
	[tilespmem:$0x1BC80] =	vst v63  }
0x47: {  	_ =	swait.ge [sflag:s14], $0x3E80  }
0x48: {  	[sflag:s14] =	ssyncset.done $0x0  }
0x49: {  	s22 =	rddreg [dreg:$0x10];
	[sflag:s14] =	ssyncadd.s32 $0xFFFFC180  }
0x4a: {  	[spmem:s22] =	stream.linear.scatter [tilespmem:s19], [sflag:$0xC], $0x3E80, $0x38;
	[tilespmem:$0x1BC80] =	vst v63  }
0x4b: {  	_ =	swait.ge [sflag:s14], $0x3E80  }
0x4c: {  	[sflag:s14] =	ssyncset.done $0x0  }
0x4d: {  	s18 =	rddreg [dreg:$0x11];
	[sflag:s14] =	ssyncadd.s32 $0xFFFFC180  }
0x4e: {  	[spmem:s18] =	stream.linear.scatter [tilespmem:s19], [sflag:$0xC], $0x3E80, $0x38;
	[tilespmem:$0x1BC80] =	vst v63  }
0x4f: {  	_ =	swait.ge [sflag:s14], $0x3E80  }
0x50: {  	[sflag:s14] =	ssyncset.done $0x0  }
0x51: {  	[sflag:s14] =	ssyncadd.s32 $0xFFFFC180  }
0x52: {  	[bflag:$0x0] =	sbarrier.arrive $0xFFFF  }
0x53: {  	s14 =	simm.s32 $0x8000;
	s21 =	rddreg [dreg:$0x3]  }
0x54: {  	[tilespmem:s14], [sflag:$0x3] =	stream.linear.gather [hbm4b:s21+s19], $0x80, $0x38;
	[tilespmem:$0x1BC80] =	vst v63  }
0x55: {  	s18 =	simm.s32 $0x8200;
	s22 =	rddreg [dreg:$0x4]  }
0x56: {  	[tilespmem:s18], [sflag:$0x7] =	stream.linear.gather [hbm4b:s22+s19], $0x80, $0x38;
	[tilespmem:$0x1BC80] =	vst v63  }
0x57: {  	s18 =	rddreg [dreg:$0x5]  }
0x58: {  	[tilespmem:s24], [sflag:$0x4] =	stream.linear.gather [hbm4b:s18+s19], $0x80, $0x38;
	[tilespmem:$0x1BC80] =	vst v63  }
0x59: {  	s21 =	rddreg [dreg:$0x6]  }
0x5a: {  	[tilespmem:s25], [sflag:$0x8] =	stream.linear.gather [hbm4b:s21+s19], $0x80, $0x38;
	[tilespmem:$0x1BC80] =	vst v63  }
0x5b: {  	s22 =	rddreg [dreg:$0x7]  }
0x5c: {  	[tilespmem:s26], [sflag:$0x5] =	stream.linear.gather [hbm4b:s22+s19], $0x80, $0x38;
	[tilespmem:$0x1BC80] =	vst v63  }
0x5d: {  	s18 =	rddreg [dreg:$0x8]  }
0x5e: {  	[tilespmem:s28], [sflag:$0x9] =	stream.linear.gather [hbm4b:s18+s19], $0x80, $0x38;
	[tilespmem:$0x1BC80] =	vst v63  }
0x5f: {  	s21 =	rddreg [dreg:$0x9]  }
0x60: {  	[tilespmem:s29], [sflag:$0x6] =	stream.linear.gather [hbm4b:s21+s19], $0x80, $0x38;
	[tilespmem:$0x1BC80] =	vst v63  }
0x61: {  	s22 =	rddreg [dreg:$0xa]  }
0x62: {  	[tilespmem:s30], [sflag:$0xA] =	stream.linear.gather [hbm4b:s22+s19], $0x80, $0x38;
	[tilespmem:$0x1BC80] =	vst v63  }
0x63: {  	_ =	swait.ge [sflag:s31], $0x80  }
0x64: {  	[sflag:s31] =	ssyncset.done $0x0  }
0x65: {  	[sflag:s31] =	ssyncadd.s32 $0xFFFFFF80  }
0x66: {  	[tilespmem:s19], [sflag:$0x1] =	stream.indirect.gather [hbm4b:s3+s0], $0x80, s14, s0, $0xb8;
	[tilespmem:$0x1BC80] =	vst v63  }
.LBB2_4:
0x67: {  	_ =	swait.ge [sflag:s6], $0x80  }
0x68: {  	[sflag:s6] =	ssyncset.done $0x0  }
0x69: {  	[sflag:s6] =	ssyncadd.s32 $0xFFFFFF80  }
0x6a: {  	[tilespmem:s7], [sflag:$0x2] =	stream.indirect.gather [hbm4b:s3+s0], $0x80, s24, s0, $0xb8;
	[tilespmem:$0x1BC80] =	vst v63  }
0x6b: {  	_ =	swait.ge [sflag:s8], $0x80  }
0x6c: {  	[sflag:s8] =	ssyncset.done $0x0  }
0x6d: {  	[sflag:s8] =	ssyncadd.s32 $0xFFFFFF80  }
0x6e: {  	_ =	swait.ge [sflag:s9], $0x3E80  }
0x6f: {  	[sflag:s9] =	ssyncset.done $0x0  }
0x70: {  	s5 =	simm.s32 $0x8200;
	p1 =	seq.s32 s19, $0x4C0;
	[sflag:s9] =	ssyncadd.s32 $0xFFFFC180  }
0x71: {  	[spmem:s1] =	stream.indirect.scatter.add.f32 [tilespmem:s2], [sflag:$0xB], $0x80, s5, s0, $0xb8;
	[tilespmem:$0x1BC80] =	vst v63  }
0x72: {  	s14 =	sxor.u32 @!p1 $0xFFFFFFFF, s19;
	s18 =	simm.s32 @!p1 $0x0;
	s5 =	sadd.s32 @!p1 s19, s20  }
0x73: {  	s14 =	sand.u32 @!p1 $0x40, s14;
	_ =	swait.ge [sflag:s10], $0x3E80;
	s21 =	sadd.s32 @!p1 $0x40, s5  }
0x74: {  	s14 =	sadd.s32 @!p1 s4, s14;
	[sflag:s10] =	ssyncset.done $0x0;
	s21 =	sand.u32 @!p1 $0xFFFFF80, s21  }
0x75: {  	s22 =	simm.s32 @!p1 $0x8000;
	[sflag:s10] =	ssyncadd.s32 $0xFFFFC180;
	s21 =	sadd.s32 @!p1 s21, s14  }
0x76: {  	[tilespmem:s22], [sflag:$0x3] =	stream.linear.gather @!p1 [hbm4b:s21+s18], $0x80, $0x38;
	[tilespmem:$0x1BC80] =	vst v63  }
0x77: {  	s21 =	sadd.s32 @!p1 $0xA040, s5  }
0x78: {  	s21 =	sand.u32 @!p1 $0xFFFFF80, s21  }
0x79: {  	s14 =	sadd.s32 @!p1 s21, s14;
	s21 =	simm.s32 @!p1 $0x8200  }
0x7a: {  	[tilespmem:s21], [sflag:$0x7] =	stream.linear.gather @!p1 [hbm4b:s14+s18], $0x80, $0x38;
	[tilespmem:$0x1BC80] =	vst v63  }
0x7b: {  	_ =	swait.ge [sflag:s11], $0x80  }
0x7c: {  	[sflag:s11] =	ssyncset.done $0x0  }
0x7d: {  	[sflag:s11] =	ssyncadd.s32 $0xFFFFFF80  }
0x7e: {  	[tilespmem:s2], [sflag:$0x1] =	stream.indirect.gather [hbm4b:s3+s0], $0x80, s26, s0, $0xb8;
	[tilespmem:$0x1BC80] =	vst v63  }
0x7f: {  	_ =	swait.ge [sflag:s12], $0x80  }
0x80: {  	[sflag:s12] =	ssyncset.done $0x0  }
0x81: {  	[sflag:s12] =	ssyncadd.s32 $0xFFFFFF80  }
0x82: {  	_ =	swait.ge [sflag:s13], $0x3E80  }
0x83: {  	s22 =	simm.s32 @!p1 $0x8080;
	[sflag:s13] =	ssyncset.done $0x0  }
0x84: {  	s14 =	sadd.s32 @!p1 $0x50, s19;
	s21 =	sadd.s32 @!p1 $0x50, s5;
	[sflag:s13] =	ssyncadd.s32 $0xFFFFC180  }
0x85: {  	[spmem:s1] =	stream.indirect.scatter.add.f32 [tilespmem:s7], [sflag:$0xB], $0x80, s25, s0, $0xb8;
	[tilespmem:$0x1BC80] =	vst v63  }
0x86: {  	s5 =	sadd.s32 @!p1 $0xA050, s5;
	s14 =	sand.u32 @!p1 $0x50, s14;
	_ =	swait.ge [sflag:s10], $0x3E80  }
0x87: {  	s21 =	sand.u32 @!p1 $0xFFFFF80, s21;
	s14 =	sadd.s32 @!p1 s4, s14;
	[sflag:s10] =	ssyncset.done $0x0  }
0x88: {  	s5 =	sand.u32 @!p1 $0xFFFFF80, s5;
	s21 =	sadd.s32 @!p1 s21, s14;
	[sflag:s10] =	ssyncadd.s32 $0xFFFFC180  }
0x89: {  	[tilespmem:s22], [sflag:$0x4] =	stream.linear.gather @!p1 [hbm4b:s21+s18], $0x80, $0x38;
	[tilespmem:$0x1BC80] =	vst v63  }
0x8a: {  	s5 =	sadd.s32 @!p1 s5, s14;
	s14 =	simm.s32 @!p1 $0x8280  }
0x8b: {  	[tilespmem:s14], [sflag:$0x8] =	stream.linear.gather @!p1 [hbm4b:s5+s18], $0x80, $0x38;
	[tilespmem:$0x1BC80] =	vst v63  }
0x8c: {  	_ =	swait.ge [sflag:s15], $0x80  }
0x8d: {  	[sflag:s15] =	ssyncset.done $0x0  }
0x8e: {  	[sflag:s15] =	ssyncadd.s32 $0xFFFFFF80  }
0x8f: {  	[tilespmem:s7], [sflag:$0x2] =	stream.indirect.gather [hbm4b:s3+s0], $0x80, s29, s0, $0xb8;
	[tilespmem:$0x1BC80] =	vst v63  }
0x90: {  	_ =	swait.ge [sflag:s16], $0x80  }
0x91: {  	[sflag:s16] =	ssyncset.done $0x0  }
0x92: {  	[sflag:s16] =	ssyncadd.s32 $0xFFFFFF80  }
0x93: {  	_ =	swait.ge [sflag:s9], $0x3E80  }
0x94: {  	[sflag:s9] =	ssyncset.done $0x0  }
.Ltmp3:
0x95: {  	[sflag:s9] =	ssyncadd.s32 $0xFFFFC180;
	(pc) =	sbr.rel @p1 .LBB2_6-.Ltmp3, $4  }
0x96: {  	[spmem:s1] =	stream.indirect.scatter.add.f32 [tilespmem:s2], [sflag:$0xB], $0x80, s28, s0, $0xb8;
	[tilespmem:$0x1BC80] =	vst v63  }
0x97: {  	_ =	swait.ge [sflag:s10], $0x3E80  }
0x98: {  	[sflag:s10] =	ssyncset.done $0x0  }
0x99: {  	[sflag:s10] =	ssyncadd.s32 $0xFFFFC180  }
0x9a: {  	s5 =	sadd.s32 s19, s20;
	s14 =	sadd.s32 $0x60, s19  }
0x9b: {  	s18 =	sadd.s32 $0x60, s5;
	s14 =	sand.u32 $0x60, s14  }
0x9c: {  	s18 =	sand.u32 $0xFFFFF80, s18;
	s14 =	sadd.s32 s4, s14  }
0x9d: {  	s22 =	sadd.s32 $0xA060, s5;
	s18 =	sadd.s32 s18, s14  }
0x9e: {  	[tilespmem:s26], [sflag:$0x5] =	stream.linear.gather [hbm4b:s18+s2], $0x80, $0x38;
	[tilespmem:$0x1BC80] =	vst v63  }
0x9f: {  	s18 =	sand.u32 $0xFFFFF80, s22  }
0xa0: {  	s14 =	sadd.s32 s18, s14  }
0xa1: {  	[tilespmem:s28], [sflag:$0x9] =	stream.linear.gather [hbm4b:s14+s2], $0x80, $0x38;
	[tilespmem:$0x1BC80] =	vst v63  }
0xa2: {  	_ =	swait.ge [sflag:s31], $0x80  }
0xa3: {  	[sflag:s31] =	ssyncset.done $0x0  }
0xa4: {  	[sflag:s31] =	ssyncadd.s32 $0xFFFFFF80  }
0xa5: {  	[tilespmem:s2], [sflag:$0x1] =	stream.indirect.gather [hbm4b:s3+s0], $0x80, s23, s0, $0xb8;
	[tilespmem:$0x1BC80] =	vst v63  }
0xa6: {  	_ =	swait.ge [sflag:s17], $0x80  }
0xa7: {  	[sflag:s17] =	ssyncset.done $0x0  }
0xa8: {  	[sflag:s17] =	ssyncadd.s32 $0xFFFFFF80  }
0xa9: {  	_ =	swait.ge [sflag:s13], $0x3E80  }
0xaa: {  	s21 =	sadd.s32 $0x70, s19;
	[sflag:s13] =	ssyncset.done $0x0  }
0xab: {  	s22 =	sadd.s32 $0x70, s5;
	s5 =	sadd.s32 $0xA070, s5;
	[sflag:s13] =	ssyncadd.s32 $0xFFFFC180  }
0xac: {  	[spmem:s1] =	stream.indirect.scatter.add.f32 [tilespmem:s7], [sflag:$0xB], $0x80, s30, s0, $0xb8;
	[tilespmem:$0x1BC80] =	vst v63  }
0xad: {  	s18 =	sand.u32 $0xFFFFF80, s22;
	s14 =	sand.u32 $0x70, s21;
	_ =	swait.ge [sflag:s10], $0x3E80  }
.Ltmp4:
0xae: {  	s14 =	sadd.s32 s4, s14;
	[sflag:s10] =	ssyncset.done $0x0;
	(pc) =	sbr.rel .LBB2_4-.Ltmp4, $4  }
0xaf: {  	s5 =	sand.u32 $0xFFFFF80, s5;
	s18 =	sadd.s32 s18, s14;
	[sflag:s10] =	ssyncadd.s32 $0xFFFFC180  }
0xb0: {  	[tilespmem:s29], [sflag:$0x6] =	stream.linear.gather [hbm4b:s18+s2], $0x80, $0x38;
	[tilespmem:$0x1BC80] =	vst v63  }
0xb1: {  	s19 =	sadd.s32 $0x40, s19;
	s5 =	sadd.s32 s5, s14  }
0xb2: {  	[tilespmem:s30], [sflag:$0xA] =	stream.linear.gather [hbm4b:s5+s2], $0x80, $0x38;
	[tilespmem:$0x1BC80] =	vst v63  }
.LBB2_7:
0xb3: {  	_ =	sfence.sel $0x180000  }
0xb4: {  	[bflag:$0x0] =	sbarrier.arrive $0xFFFF  }
0xb5: {  	_ =	strace $0x9000004A  }
0xb6: {  	[bflag:$0x2] =	sbarrier.arrive $0xFFFF  }
0xb7: {  	s0 =	rddreg [dreg:$0x2]  }
0xb8: {  	s0 =	sadd.s32 @!p0 $0x100000, s0  }
0xb9: {  	[sflag:s0] =	ssyncadd.tile.s32 @!p0 $0x1;
	_ =	shalt  }
.Lfunc_end2:
_tile_overlayer_lowered:
.L_overlay_start_2:
0xba: {  	(tag) =	ssettag $0x2  }
0xbb: {  	s0 =	rddreg [dreg:$0x0];
	s2 =	stileid.u32  }
0xbc: {  	s1 =	rddreg [dreg:$0x1];
	p0 =	sne.s32 s2, $0x0  }
0xbd: {  	s3 =	rddreg [dreg:$0x2];
	[bflag:$0x3] =	sbarrier.arrive $0xFFFF;
	s2 =	simm.s32 @!p0 $0x1C0C  }
0xbe: {  	[timem:s3], [sflag:s2] =	dma.local @!p0 [hbm:s0], s1  }
0xbf: {  	s0 =	simm.s32 @!p0 $0xC  }
0xc0: {  	_ =	swait.ge @!p0 [sflag:s0], s1  }
0xc1: {  	s1 =	ssub.s32 @!p0 $0x0, s1;
	[sflag:s0] =	ssyncset.done @!p0 $0x0  }
0xc2: {  	[sflag:s0] =	ssyncadd.s32 @!p0 s1  }
0xc3: {  	[bflag:$0x3] =	sbarrier.arrive $0xFFFF  }
0xc4: {  	_ =	shalt  }

// kernel: kernel.15.cloned.1.call-start
scs
__scs_entry_jumppad:
0x0: {  	(pc) =	sbr.rel $0x88, $3  }
0x1: {  	(tag) =	ssettag $0x0;
	lr =	simm.s32 $0x1  }
0x2: {  	[smem:$0x3F97] =	sst lr;
	_ =	strace $0xD0000000  }
0x3: {  	_ = 	snop  }
0x4: {  	_ = 	snop  }
0x5: {  	_ = 	snop  }
0x6: {  	_ = 	snop  }
0x7: {  	_ = 	snop  }
__scs_overlays_trampoline_lowered:
0x8: {  	[smem:$0x3FA6] =	sst s0  }
0x9: {  	[smem:$0x3FA7] =	sst s1  }
0xa: {  	[smem:$0x3FA8] =	sst s2  }
0xb: {  	[smem:$0x3FA9] =	sst s3  }
0xc: {  	[smem:$0x3FAA] =	sst s4  }
0xd: {  	[smem:$0x3FAB] =	sst s5  }
0xe: {  	[smem:$0x3FAC] =	sst s6  }
0xf: {  	[smem:$0x3FAD] =	sst s7  }
0x10: {  	[smem:$0x3FAE] =	sst s8  }
0x11: {  	[smem:$0x3FAF] =	sst s9;
	s0 =	simm.s32 @!p0 $0x0  }
0x12: {  	s1 =	sld [smem:$0x3F95];
	s0 =	simm.s32 @p0 $0x1  }
0x13: {  	[smem:$0x3FB0] =	sst s0;
	s0 =	simm.s32 @!p1 $0x0  }
0x14: {  	s2 =	sld [smem:$0x3F94];
	s0 =	simm.s32 @p1 $0x1  }
0x15: {  	[smem:$0x3FB1] =	sst s0;
	s0 =	simm.s32 @!p2 $0x0  }
0x16: {  	s3 =	sld [smem:$0x3FDB];
	s0 =	simm.s32 @p2 $0x1  }
0x17: {  	s4 =	simm.s32 $0x1BF5;
	[smem:$0x3FB3] =	sst s0  }
0x18: {  	s0 =	sld [smem:$0x3F96];
	_ =	swait.ge [sflag:s4], $0x0  }
0x19: {  	s7 =	sld [smem:$0x3F97]  }
0x1a: {  	s8 =	sadd.s32 $0xFFFFE003, lr  }
0x1b: {  	s9 =	sadd.s32 $0xFFFFFEF7, lr;
	s5 =	simm.s32 $0xFFFFFFFF;
	p2 =	slt.u32 s8, $0xFFFFF086  }
0x1c: {  	p1 =	slt.u32 s9, $0xF7A;
	s5 =	simm.s32 @!p2 $0x0  }
0x1d: {  	s5 =	simm.s32 @p1 $0x1;
	p0 =	seq.s32 s7, s2  }
0x1e: {  	s7 =	smul.u32 @!p0 $0xF7A, s2;
	p2 =	seq.s32 @!p0 s5, $0x0  }
0x1f: {  	s9 =	smul.u32 $0xF7A, s1;
	s8 =	simm.s32 @!p0 $0x1BF5;
	p2 =	por !p2, p0  }
0x20: {  	[sflag:s8] =	ssyncset.s32 @!p0 $0xFFFFF086;
	s6 =	sadd.s32 @!p0 s3, s7;
	s7 =	simm.s32 @!p0 $0x108  }
0x21: {  	s3 =	sadd.s32 s3, s9;
	s6 =	sadd.s32 @!p0 $0x88, s6;
	s7 =	simm.s32 @p2 $0x1082  }
0x22: {  	[simem:s7], [sflag:s8] =	dma.local @!p0 [hbm:s6], $0xF7A  }
0x23: {  	s9 =	sor.u32 $0xD0000000, s2;
	s6 =	simm.s32 $0x108;
	_ =	swait.ge @!p0 [sflag:s8], $0x0  }
0x24: {  	s3 =	sadd.s32 $0x88, s3;
	s6 =	simm.s32 @!p1 $0x1082;
	[sflag:s4] =	ssyncset.s32 $0xFFFFF086  }
0x25: {  	[simem:s6], [sflag:s4] =	dma.local [hbm:s3], $0xF7A  }
0x26: {  	[smem:$0x3F97] =	sst s1;
	(tag) =	ssettag s2;
	_ =	strace s9  }
0x27: {  	s1 =	sld [smem:$0x3FA7]  }
0x28: {  	s2 =	sld [smem:$0x3FA8]  }
0x29: {  	s4 =	sld [smem:$0x3FAA]  }
0x2a: {  	p0 =	seq.s32 s5, $0x0;
	s5 =	sld [smem:$0x3FAB]  }
0x2b: {  	s6 =	sld [smem:$0x3FAC]  }
0x2c: {  	s7 =	sld [smem:$0x3FAD]  }
0x2d: {  	s3 =	simm.s32 $0x108;
	s8 =	sld [smem:$0x3FAE]  }
0x2e: {  	s3 =	simm.s32 @!p0 $0x1082;
	s9 =	sld [smem:$0x3FAF]  }
0x2f: {  	lr =	sadd.s32 s0, s3;
	s0 =	sld [smem:$0x3FA6]  }
0x30: {  	s3 =	sld [smem:$0x3FA9]  }
0x31: {  	[smem:$0x3FB2] =	sst s10  }
0x32: {  	s10 =	sld [smem:$0x3FB0];
	_ =	sdelay $0x3  }
0x33: {  	p0 =	seq.s32 s10, $0x1;
	s10 =	sld [smem:$0x3FB2];
	_ =	sdelay $0x3  }
0x34: {  	[smem:$0x3FB2] =	sst s10  }
0x35: {  	s10 =	sld [smem:$0x3FB1];
	_ =	sdelay $0x3  }
0x36: {  	p1 =	seq.s32 s10, $0x1;
	s10 =	sld [smem:$0x3FB2];
	_ =	sdelay $0x3  }
0x37: {  	[smem:$0x3FB2] =	sst s10  }
0x38: {  	s10 =	sld [smem:$0x3FB3]  }
0x39: {  	_ = 	snop;
	(pc) =	sbr.ind lr, $3  }
0x3a: {  	_ = 	snop  }
0x3b: {  	_ = 	snop  }
0x3c: {  	p2 =	seq.s32 s10, $0x1;
	s10 =	sld [smem:$0x3FB2]  }
0x3d: {  	_ =	shalt  }
0x3e: {  	_ =	shalt  }
0x3f: {  	_ =	shalt  }
0x40: {  	_ =	shalt  }
0x41: {  	_ =	shalt  }
0x42: {  	_ =	shalt  }
0x43: {  	_ =	shalt  }
0x44: {  	_ =	shalt  }
0x45: {  	_ =	shalt  }
0x46: {  	_ =	shalt  }
0x47: {  	_ =	shalt  }
0x48: {  	_ =	shalt  }
0x49: {  	_ =	shalt  }
0x4a: {  	_ =	shalt  }
0x4b: {  	_ =	shalt  }
0x4c: {  	_ =	shalt  }
0x4d: {  	_ =	shalt  }
0x4e: {  	_ =	shalt  }
0x4f: {  	_ =	shalt  }
0x50: {  	_ =	shalt  }
0x51: {  	_ =	shalt  }
0x52: {  	_ =	shalt  }
0x53: {  	_ =	shalt  }
0x54: {  	_ =	shalt  }
0x55: {  	_ =	shalt  }
0x56: {  	_ =	shalt  }
0x57: {  	_ =	shalt  }
0x58: {  	_ =	shalt  }
0x59: {  	_ =	shalt  }
0x5a: {  	_ =	shalt  }
0x5b: {  	_ =	shalt  }
0x5c: {  	_ =	shalt  }
0x5d: {  	_ =	shalt  }
0x5e: {  	_ =	shalt  }
0x5f: {  	_ =	shalt  }
0x60: {  	_ =	shalt  }
0x61: {  	_ =	shalt  }
0x62: {  	_ =	shalt  }
0x63: {  	_ =	shalt  }
0x64: {  	_ =	shalt  }
0x65: {  	_ =	shalt  }
0x66: {  	_ =	shalt  }
0x67: {  	_ =	shalt  }
0x68: {  	_ =	shalt  }
0x69: {  	_ =	shalt  }
0x6a: {  	_ =	shalt  }
0x6b: {  	_ =	shalt  }
0x6c: {  	_ =	shalt  }
0x6d: {  	_ =	shalt  }
0x6e: {  	_ =	shalt  }
0x6f: {  	_ =	shalt  }
0x70: {  	_ =	shalt  }
0x71: {  	_ =	shalt  }
0x72: {  	_ =	shalt  }
0x73: {  	_ =	shalt  }
0x74: {  	_ =	shalt  }
0x75: {  	_ =	shalt  }
0x76: {  	_ =	shalt  }
0x77: {  	_ =	shalt  }
0x78: {  	_ =	shalt  }
0x79: {  	_ =	shalt  }
0x7a: {  	_ =	shalt  }
0x7b: {  	_ =	shalt  }
0x7c: {  	_ =	shalt  }
0x7d: {  	_ =	shalt  }
0x7e: {  	_ =	shalt  }
0x7f: {  	_ =	shalt  }
0x80: {  	_ =	shalt  }
0x81: {  	_ =	shalt  }
0x82: {  	_ =	shalt  }
0x83: {  	_ =	shalt  }
0x84: {  	_ =	shalt  }
0x85: {  	_ =	shalt  }
0x86: {  	_ =	shalt  }
0x87: {  	_ =	shalt  }
.Lfunc_end0:
.L_simem_size_0:
called_computation.2_lowered:
.L_overlay_start_0:
0x88: {  	s2 =	sld [smem:$0x3FD9]  }
0x89: {  	s3 =	sld [smem:$0x3FFE];
	_ =	sdelay $0x1  }
0x8a: {  	s1 =	srdreg.scid  }
0x8b: {  	s0 =	sand.u32 $0x1, s1  }
0x8c: {  	s17 =	sshll.u32 s0, $0xA;
	s2 =	sadd.s32 s3, s2  }
0x8d: {  	s2 =	sadd.s32 s2, s17  }
0x8e: {  	[smem:$0x3FBE] =	sst s2  }
0x8f: {  	_ = 	snop  }
0x90: {  	s2 =	sld [smem:$0x3FD0];
	(tm) =	ssettm $0x1  }
0x91: {  	s18 =	sld [smem:$0x3FFB];
	_ =	sdelay $0x3  }
0x92: {  	_ =	strace s18  }
0x93: {  	s3 =	sld [smem:$0x3FFC];
	_ =	sdelay $0x3  }
0x94: {  	_ =	strace s3  }
0x95: {  	s3 =	sld [smem:$0x3FFD];
	_ =	sdelay $0x3  }
0x96: {  	_ =	strace s3  }
0x97: {  	_ =	strace $0x8FFFFFFF  }
0x98: {  	s19 =	sld [smem:$0x3FDB];
	_ =	sdelay $0x1  }
0x99: {  	s4 =	simm.s32 $_scs_section_size  }
0x9a: {  	s5 =	simm.s32 $_size__tile_overlayer_lowered;
	s6 =	simm.s32 $_tile_overlayer_lowered  }
0x9b: {  	s22 =	simm.s32 $0x1BFF;
	s21 =	sshll.u32 s6, $0x1;
	s3 =	sadd.s32 s4, s19  }
0x9c: {  	s7 =	simm.s32 $0x0;
	s20 =	sshll.u32 s5, $0x1;
	s5 =	sadd.s32 s21, s3  }
0x9d: {  	[timem:s7], [sflag:s22] =	dma.local [hbm:s5], s20  }
0x9e: {  	_ =	swait.ge [sflag:s22], s20  }
0x9f: {  	s4 =	ssub.s32 $0x0, s20;
	[sflag:s22] =	ssyncset.done $0x0  }
0xa0: {  	[sflag:s22] =	ssyncadd.s32 s4;
	_ =	sdelay $0x1  }
0xa1: {  	s23 =	simm.s32 $0x1B8B  }
0xa2: {  	_ =	swait.ge [sflag:s23], $0x1  }
0xa3: {  	[sflag:s23] =	ssyncset.done $0x0  }
0xa4: {  	s25 =	simm.s32 $0x1B8E;
	s24 =	sld [smem:$0x3FFE];
	[sflag:s23] =	ssyncadd.s32 $0xFFFFFFFF  }
0xa5: {  	s26 =	simm.s32 $execute0_lowered;
	[smem:$0x3FD2] =	sst s25  }
0xa6: {  	s5 =	sshll.u32 s26, $0x1;
	_ =	strace $0x8000004C;
	[dreg:$0x1] =	wrdreg $0xFFFFFFFF  }
0xa7: {  	s28 =	simm.s32 $_size_execute0_lowered;
	s3 =	sadd.s32 s3, s5;
	[dreg:$0x0] =	wrdreg $0x0  }
0xa8: {  	s5 =	sshll.u32 s28, $0x1;
	[dreg:$0x2] =	wrdreg s3  }
0xa9: {  	[dreg:$0x3] =	wrdreg s5  }
0xaa: {  	[dreg:$0x4] =	wrdreg $0xC0  }
0xab: {  	_ =	task [dreg:s7], $0x5FFFF  }
0xac: {  	[dreg:$0x1] =	wrdreg $0xFFFFFFFF  }
0xad: {  	[dreg:$0x0] =	wrdreg $0x60  }
0xae: {  	[dreg:$0x2] =	wrdreg s24  }
0xaf: {  	[dreg:$0x3] =	wrdreg s2  }
0xb0: {  	[dreg:$0x4] =	wrdreg $0x9  }
0xb1: {  	_ =	task.clear_ibuf [dreg:s7], $0x5FFFF;
	_ =	strace $0x9000004C  }
0xb2: {  	s29 =	simm.s32 $0x9;
	_ =	strace $0x8000004E  }
0xb3: {  	_ =	swait.ge [sflag:s29], $0x1  }
0xb4: {  	[sflag:s29] =	ssyncadd.s32 $0xFFFFFFFF  }
0xb5: {  	_ =	strace $0x9000004E  }
0xb6: {  	_ =	sfence  }
0xb7: {  	s30 =	sld [smem:$0x0];
	_ =	sdelay $0x2  }
0xb8: {  	s31 =	sshll.u32 s1, $0xD;
	s1 =	sshrl.u32 s1, $0x2  }
0xb9: {  	s3 =	sand.u32 $0x4000, s31;
	s1 =	sadd.s32 s1, s30  }
0xba: {  	s0 =	sor.u32 s3, s0;
	s1 =	sshll.u32 s1, $0x11  }
0xbb: {  	s0 =	sor.u32 s1, s0  }
0xbc: {  	s0 =	sadd.s32 $0x8F2B, s0  }
0xbd: {  	[sflag:s0] =	ssyncadd.remote.s32 $0x1  }
0xbe: {  	_ =	sfence.sel $0xFFFF  }
0xbf: {  	[dreg:$0x0] =	wrdreg $0xFFFFFFFF;
	(pc) =	sbr.abs _section_cstart, $3  }
0xc0: {  	[dreg:$0x1] =	wrdreg $0xFFFFFFFF  }
0xc1: {  	_ =	task.clear_ibuf [dreg:s7], $0x2FFFF;
	_ =	strace $0x9FFFFFFF  }
0xc2: {  	(tm) =	ssettm $0x7FFFFFFF  }
0xc3: {  	_ =	shalt  }
tec
execute0_lowered:
.L_overlay_start_1:
0x0: {  	(tag) =	ssettag $0x1  }
0x1: {  	s4 =	rddreg [dreg:$0x0]  }
0x2: {  	s1 =	srdreg.scid;
	s0 =	stileid.u32  }
0x3: {  	s6 =	rddreg [dreg:$0x1];
	s2 =	simm.s32 $0x0;
	s12 =	simm.s32 $0xC400  }
0x4: {  	s13 =	simm.s32 $0x1;
	s14 =	simm.s32 $0x2;
	s15 =	simm.s32 $0x3  }
0x5: {  	s16 =	simm.s32 $0xEB80;
	s17 =	simm.s32 $0x4;
	s18 =	simm.s32 $0x11300  }
0x6: {  	s19 =	simm.s32 $0x0;
	s5 =	sand.u32 $0x1, s1;
	s1 =	rddreg [dreg:$0x2]  }
0x7: {  	s3 =	sshll.u32 s0, $0x1;
	[smem:$0x7FF] =	sst s2;
	s8 =	sshrl.u32 s0, $0x2  }
0x8: {  	s10 =	sadd.s32 $0x8D200, s4;
	s3 =	sor.u32 s5, s3;
	s8 =	smul.u32 $0x13C00, s8  }
0x9: {  	_ =	strace $0x8000004D;
	s7 =	smul.u32 $0x4E2, s3;
	s9 =	sshll.u32 s3, $0x7  }
0xa: {  	s29 =	ssub.s32 $0x2, s5;
	s3 =	sadd.s32 $0x3E00, s4;
	s9 =	sand.u32 $0x380, s9  }
0xb: {  	s31 =	sshrl.u32 s29, $0x1;
	s11 =	sadd.s32 s7, s4;
	s30 =	sor.u32 s8, s9  }
0xc: {  	s8 =	ssub.s32 s29, s31;
	s6 =	sadd.s32 s6, s7;
	s9 =	sshrl.u32 s30, $0x3  }
0xd: {  	s5 =	sadd.s32 $0x4F000, s30;
	s7 =	sadd.s32 $0x5200, s11;
	s8 =	smax.u32 s8, $0x1  }
0xe: {  	s11 =	simm.s32 $0x9C80;
	s4 =	sadd.s32 s10, s9;
	s5 =	sshrl.u32 s5, $0x3  }
0xf: {  	s9 =	simm.s32 $0x80;
	s5 =	sadd.s32 s10, s5;
	s10 =	simm.s32 $0x400  }
.LBB2_1:
0x10: {  	[tilespmem:s2], [sflag:$0x1] =	stream.linear.gather [hbm4b:s3+s2], $0x9C80, $0x38;
	[tilespmem:$0x13A80] =	vst v63  }
0x11: {  	_ = 	snop  }
0x12: {  	[tilespmem:s11], [sflag:$0x2] =	stream.strided.gather [hbm4b:s4+s9], $0x2780, s10, s9, $0x38;
	[tilespmem:$0x13A80] =	vst v63  }
0x13: {  	_ = 	snop  }
0x14: {  	[tilespmem:s12], [sflag:$0x3] =	stream.strided.gather [hbm4b:s5+s9], $0x2780, s10, s9, $0x38;
	[tilespmem:$0x13A80] =	vst v63  }
0x15: {  	_ =	swait.ge [sflag:s13], $0x9C80  }
0x16: {  	[sflag:s13] =	ssyncset.done $0x0  }
0x17: {  	[sflag:s13] =	ssyncadd.s32 $0xFFFF6380  }
0x18: {  	_ =	swait.ge [sflag:s14], $0x2780  }
0x19: {  	[sflag:s14] =	ssyncset.done $0x0  }
0x1a: {  	[sflag:s14] =	ssyncadd.s32 $0xFFFFD880  }
0x1b: {  	_ =	swait.ge [sflag:s15], $0x2780  }
0x1c: {  	[sflag:s15] =	ssyncset.done $0x0  }
0x1d: {  	s21 =	simm.s32 $0x0;
	[sflag:s15] =	ssyncadd.s32 $0xFFFFD880  }
0x1e: {  	v0 =	vld [tilespmem:s21+$0x9C80]  }
0x1f: {  	v1 =	vld [tilespmem:s21+$0xC400];
	_ =	sdelay $0x3  }
0x20: {  	v2 =	vshll.u32 v0, $0x2  }
0x21: {  	v0 =	vshll.u32 v1, $0x2;
	v1 =	vor.u32 $0x1, v2  }
0x22: {  	s20 =	simm.s32 $0x10;
	v4 =	vor.u32 $0x2, v0  }
0x23: {  	v3 =	vld [tilespmem:s20+$0x9C80];
	v6 =	vor.u32 $0x3, v0  }
0x24: {  	v0 =	vld [tilespmem:s20+$0xC400]  }
0x25: {  	v2 =	vld.idx.msk [tilespmem:v2+s2+$0x0], $0xffff  }
0x26: {  	v1 =	vld.idx.msk [tilespmem:v1+s2+$0x0], $0xffff  }
0x27: {  	v5 =	vld.idx.msk [tilespmem:v4+s2+$0x0], $0xffff  }
0x28: {  	s22 =	simm.s32 $0x80;
	v4 =	vld.idx.msk [tilespmem:v6+s2+$0x0], $0xffff  }
.LBB2_2:
0x29: {  	p0 =	sne.s32 s22, $0x9C00;
	s23 =	smov.u32 s22;
	s22 =	sadd.s32 $0x40, s22  }
0x2a: {  	v6 =	vshll.u32 v3, $0x2;
	v0 =	vshll.u32 v0, $0x2  }
0x2b: {  	v7 =	vor.u32 $0x2, v0;
	v8 =	vor.u32 $0x3, v0  }
0x2c: {  	v9 =	vor.u32 $0x1, v6;
	v2 =	vadd.f32 v5, v2  }
0x2d: {  	s23 =	sshra.s32 s23, $0x2;
	v1 =	vadd.f32 v4, v1  }
0x2e: {  	v0 =	vld [tilespmem:s23+$0xC400];
	[tilespmem:s21+$0xEB80] =	vst v2  }
.Ltmp0:
0x2f: {  	v3 =	vld [tilespmem:s23+$0x9C80];
	[tilespmem:s21+$0x11300] =	vst v1;
	s21 =	smov.u32 s20;
	s20 =	smov.u32 s23;
	(pc) =	sbr.rel @p0 .LBB2_2-.Ltmp0, $4  }
0x30: {  	v2 =	vld.idx.msk [tilespmem:v6+s2+$0x0], $0xffff  }
0x31: {  	v1 =	vld.idx.msk [tilespmem:v9+s2+$0x0], $0xffff  }
0x32: {  	v5 =	vld.idx.msk [tilespmem:v7+s2+$0x0], $0xffff  }
0x33: {  	v4 =	vld.idx.msk [tilespmem:v8+s2+$0x0], $0xffff  }
0x34: {  	_ =	sdelay $0x1  }
0x35: {  	v3 =	vshll.u32 v3, $0x2  }
0x36: {  	v0 =	vshll.u32 v0, $0x2;
	v6 =	vor.u32 $0x1, v3;
	v2 =	vadd.f32 v5, v2  }
0x37: {  	v62 =	vor.u32 $0x2, v0;
	v1 =	vadd.f32 v4, v1  }
0x38: {  	v0 =	vor.u32 $0x3, v0;
	[tilespmem:s21+$0xEB80] =	vst v2  }
0x39: {  	[tilespmem:s21+$0x11300] =	vst v1  }
0x3a: {  	v1 =	vld.idx.msk [tilespmem:v3+s2+$0x0], $0xffff  }
0x3b: {  	v2 =	vld.idx.msk [tilespmem:v6+s2+$0x0], $0xffff  }
0x3c: {  	v63 =	vld.idx.msk [tilespmem:v62+s2+$0x0], $0xffff  }
0x3d: {  	v0 =	vld.idx.msk [tilespmem:v0+s2+$0x0], $0xffff;
	_ =	sdelay $0x3  }
0x3e: {  	v1 =	vadd.f32 v63, v1  }
0x3f: {  	v0 =	vadd.f32 v0, v2  }
0x40: {  	[tilespmem:s20+$0xEB80] =	vst v1  }
0x41: {  	[tilespmem:s20+$0x11300] =	vst v0  }
0x42: {  	[hbm4b:s6+s2] =	stream.linear.scatter [tilespmem:s16], [sflag:$0x4], $0x2710, $0x38;
	[tilespmem:$0x13A80] =	vst v63  }
0x43: {  	s19 =	sadd.s32 $0x1, s19;
	_ =	swait.ge [sflag:s17], $0x2710  }
0x44: {  	p0 =	sne.s32 s19, s8;
	[sflag:s17] =	ssyncset.done $0x0  }
.Ltmp1:
0x45: {  	[sflag:s17] =	ssyncadd.s32 $0xFFFFD8F0;
	(pc) =	sbr.rel @p0 .LBB2_1-.Ltmp1, $4  }
0x46: {  	[hbm4b:s7+s2] =	stream.linear.scatter [tilespmem:s18], [sflag:$0x4], $0x2710, $0x38;
	[tilespmem:$0x13A80] =	vst v63  }
0x47: {  	_ =	swait.ge [sflag:s17], $0x2710  }
0x48: {  	[sflag:s17] =	ssyncset.done $0x0  }
0x49: {  	[sflag:s17] =	ssyncadd.s32 $0xFFFFD8F0  }
0x4a: {  	_ =	sfence.sel $0x180000  }
0x4b: {  	[bflag:$0x0] =	sbarrier.arrive $0xFFFF  }
0x4c: {  	p0 =	sne.s32 s0, $0x0;
	_ =	strace $0x9000004D  }
0x4d: {  	s0 =	sadd.s32 @!p0 $0x100000, s1;
	[bflag:$0x2] =	sbarrier.arrive $0xFFFF  }
0x4e: {  	[sflag:s0] =	ssyncadd.tile.s32 @!p0 $0x1;
	_ =	shalt  }
.Lfunc_end2:
_tile_overlayer_lowered:
.L_overlay_start_2:
0x4f: {  	(tag) =	ssettag $0x2  }
0x50: {  	s0 =	rddreg [dreg:$0x0];
	s2 =	stileid.u32  }
0x51: {  	s1 =	rddreg [dreg:$0x1];
	p0 =	sne.s32 s2, $0x0  }
0x52: {  	s3 =	rddreg [dreg:$0x2];
	[bflag:$0x3] =	sbarrier.arrive $0xFFFF;
	s2 =	simm.s32 @!p0 $0x1C04  }
0x53: {  	[timem:s3], [sflag:s2] =	dma.local @!p0 [hbm:s0], s1  }
0x54: {  	s0 =	simm.s32 @!p0 $0x4  }
0x55: {  	_ =	swait.ge @!p0 [sflag:s0], s1  }
0x56: {  	s1 =	ssub.s32 @!p0 $0x0, s1;
	[sflag:s0] =	ssyncset.done @!p0 $0x0  }
0x57: {  	[sflag:s0] =	ssyncadd.s32 @!p0 s1  }
0x58: {  	[bflag:$0x3] =	sbarrier.arrive $0xFFFF  }
0x59: {  	_ =	shalt  }

// kernel: kernel.9.cloned.1.call-start
scs
__scs_entry_jumppad:
0x0: {  	(pc) =	sbr.rel $0x88, $3  }
0x1: {  	(tag) =	ssettag $0x0;
	lr =	simm.s32 $0x1  }
0x2: {  	[smem:$0x3F97] =	sst lr;
	_ =	strace $0xD0000000  }
0x3: {  	_ = 	snop  }
0x4: {  	_ = 	snop  }
0x5: {  	_ = 	snop  }
0x6: {  	_ = 	snop  }
0x7: {  	_ = 	snop  }
__scs_overlays_trampoline_lowered:
0x8: {  	[smem:$0x3FA6] =	sst s0  }
0x9: {  	[smem:$0x3FA7] =	sst s1  }
0xa: {  	[smem:$0x3FA8] =	sst s2  }
0xb: {  	[smem:$0x3FA9] =	sst s3  }
0xc: {  	[smem:$0x3FAA] =	sst s4  }
0xd: {  	[smem:$0x3FAB] =	sst s5  }
0xe: {  	[smem:$0x3FAC] =	sst s6  }
0xf: {  	[smem:$0x3FAD] =	sst s7  }
0x10: {  	[smem:$0x3FAE] =	sst s8  }
0x11: {  	[smem:$0x3FAF] =	sst s9;
	s0 =	simm.s32 @!p0 $0x0  }
0x12: {  	s1 =	sld [smem:$0x3F95];
	s0 =	simm.s32 @p0 $0x1  }
0x13: {  	[smem:$0x3FB0] =	sst s0;
	s0 =	simm.s32 @!p1 $0x0  }
0x14: {  	s2 =	sld [smem:$0x3F94];
	s0 =	simm.s32 @p1 $0x1  }
0x15: {  	[smem:$0x3FB1] =	sst s0;
	s0 =	simm.s32 @!p2 $0x0  }
0x16: {  	s3 =	sld [smem:$0x3FDB];
	s0 =	simm.s32 @p2 $0x1  }
0x17: {  	s4 =	simm.s32 $0x1BF5;
	[smem:$0x3FB3] =	sst s0  }
0x18: {  	s0 =	sld [smem:$0x3F96];
	_ =	swait.ge [sflag:s4], $0x0  }
0x19: {  	s7 =	sld [smem:$0x3F97]  }
0x1a: {  	s8 =	sadd.s32 $0xFFFFE003, lr  }
0x1b: {  	s9 =	sadd.s32 $0xFFFFFEF7, lr;
	s5 =	simm.s32 $0xFFFFFFFF;
	p2 =	slt.u32 s8, $0xFFFFF086  }
0x1c: {  	p1 =	slt.u32 s9, $0xF7A;
	s5 =	simm.s32 @!p2 $0x0  }
0x1d: {  	s5 =	simm.s32 @p1 $0x1;
	p0 =	seq.s32 s7, s2  }
0x1e: {  	s7 =	smul.u32 @!p0 $0xF7A, s2;
	p2 =	seq.s32 @!p0 s5, $0x0  }
0x1f: {  	s9 =	smul.u32 $0xF7A, s1;
	s8 =	simm.s32 @!p0 $0x1BF5;
	p2 =	por !p2, p0  }
0x20: {  	[sflag:s8] =	ssyncset.s32 @!p0 $0xFFFFF086;
	s6 =	sadd.s32 @!p0 s3, s7;
	s7 =	simm.s32 @!p0 $0x108  }
0x21: {  	s3 =	sadd.s32 s3, s9;
	s6 =	sadd.s32 @!p0 $0x88, s6;
	s7 =	simm.s32 @p2 $0x1082  }
0x22: {  	[simem:s7], [sflag:s8] =	dma.local @!p0 [hbm:s6], $0xF7A  }
0x23: {  	s9 =	sor.u32 $0xD0000000, s2;
	s6 =	simm.s32 $0x108;
	_ =	swait.ge @!p0 [sflag:s8], $0x0  }
0x24: {  	s3 =	sadd.s32 $0x88, s3;
	s6 =	simm.s32 @!p1 $0x1082;
	[sflag:s4] =	ssyncset.s32 $0xFFFFF086  }
0x25: {  	[simem:s6], [sflag:s4] =	dma.local [hbm:s3], $0xF7A  }
0x26: {  	[smem:$0x3F97] =	sst s1;
	(tag) =	ssettag s2;
	_ =	strace s9  }
0x27: {  	s1 =	sld [smem:$0x3FA7]  }
0x28: {  	s2 =	sld [smem:$0x3FA8]  }
0x29: {  	s4 =	sld [smem:$0x3FAA]  }
0x2a: {  	p0 =	seq.s32 s5, $0x0;
	s5 =	sld [smem:$0x3FAB]  }
0x2b: {  	s6 =	sld [smem:$0x3FAC]  }
0x2c: {  	s7 =	sld [smem:$0x3FAD]  }
0x2d: {  	s3 =	simm.s32 $0x108;
	s8 =	sld [smem:$0x3FAE]  }
0x2e: {  	s3 =	simm.s32 @!p0 $0x1082;
	s9 =	sld [smem:$0x3FAF]  }
0x2f: {  	lr =	sadd.s32 s0, s3;
	s0 =	sld [smem:$0x3FA6]  }
0x30: {  	s3 =	sld [smem:$0x3FA9]  }
0x31: {  	[smem:$0x3FB2] =	sst s10  }
0x32: {  	s10 =	sld [smem:$0x3FB0];
	_ =	sdelay $0x3  }
0x33: {  	p0 =	seq.s32 s10, $0x1;
	s10 =	sld [smem:$0x3FB2];
	_ =	sdelay $0x3  }
0x34: {  	[smem:$0x3FB2] =	sst s10  }
0x35: {  	s10 =	sld [smem:$0x3FB1];
	_ =	sdelay $0x3  }
0x36: {  	p1 =	seq.s32 s10, $0x1;
	s10 =	sld [smem:$0x3FB2];
	_ =	sdelay $0x3  }
0x37: {  	[smem:$0x3FB2] =	sst s10  }
0x38: {  	s10 =	sld [smem:$0x3FB3]  }
0x39: {  	_ = 	snop;
	(pc) =	sbr.ind lr, $3  }
0x3a: {  	_ = 	snop  }
0x3b: {  	_ = 	snop  }
0x3c: {  	p2 =	seq.s32 s10, $0x1;
	s10 =	sld [smem:$0x3FB2]  }
0x3d: {  	_ =	shalt  }
0x3e: {  	_ =	shalt  }
0x3f: {  	_ =	shalt  }
0x40: {  	_ =	shalt  }
0x41: {  	_ =	shalt  }
0x42: {  	_ =	shalt  }
0x43: {  	_ =	shalt  }
0x44: {  	_ =	shalt  }
0x45: {  	_ =	shalt  }
0x46: {  	_ =	shalt  }
0x47: {  	_ =	shalt  }
0x48: {  	_ =	shalt  }
0x49: {  	_ =	shalt  }
0x4a: {  	_ =	shalt  }
0x4b: {  	_ =	shalt  }
0x4c: {  	_ =	shalt  }
0x4d: {  	_ =	shalt  }
0x4e: {  	_ =	shalt  }
0x4f: {  	_ =	shalt  }
0x50: {  	_ =	shalt  }
0x51: {  	_ =	shalt  }
0x52: {  	_ =	shalt  }
0x53: {  	_ =	shalt  }
0x54: {  	_ =	shalt  }
0x55: {  	_ =	shalt  }
0x56: {  	_ =	shalt  }
0x57: {  	_ =	shalt  }
0x58: {  	_ =	shalt  }
0x59: {  	_ =	shalt  }
0x5a: {  	_ =	shalt  }
0x5b: {  	_ =	shalt  }
0x5c: {  	_ =	shalt  }
0x5d: {  	_ =	shalt  }
0x5e: {  	_ =	shalt  }
0x5f: {  	_ =	shalt  }
0x60: {  	_ =	shalt  }
0x61: {  	_ =	shalt  }
0x62: {  	_ =	shalt  }
0x63: {  	_ =	shalt  }
0x64: {  	_ =	shalt  }
0x65: {  	_ =	shalt  }
0x66: {  	_ =	shalt  }
0x67: {  	_ =	shalt  }
0x68: {  	_ =	shalt  }
0x69: {  	_ =	shalt  }
0x6a: {  	_ =	shalt  }
0x6b: {  	_ =	shalt  }
0x6c: {  	_ =	shalt  }
0x6d: {  	_ =	shalt  }
0x6e: {  	_ =	shalt  }
0x6f: {  	_ =	shalt  }
0x70: {  	_ =	shalt  }
0x71: {  	_ =	shalt  }
0x72: {  	_ =	shalt  }
0x73: {  	_ =	shalt  }
0x74: {  	_ =	shalt  }
0x75: {  	_ =	shalt  }
0x76: {  	_ =	shalt  }
0x77: {  	_ =	shalt  }
0x78: {  	_ =	shalt  }
0x79: {  	_ =	shalt  }
0x7a: {  	_ =	shalt  }
0x7b: {  	_ =	shalt  }
0x7c: {  	_ =	shalt  }
0x7d: {  	_ =	shalt  }
0x7e: {  	_ =	shalt  }
0x7f: {  	_ =	shalt  }
0x80: {  	_ =	shalt  }
0x81: {  	_ =	shalt  }
0x82: {  	_ =	shalt  }
0x83: {  	_ =	shalt  }
0x84: {  	_ =	shalt  }
0x85: {  	_ =	shalt  }
0x86: {  	_ =	shalt  }
0x87: {  	_ =	shalt  }
.Lfunc_end0:
.L_simem_size_0:
called_computation_lowered:
.L_overlay_start_0:
0x88: {  	s2 =	sld [smem:$0x3FD9]  }
0x89: {  	s3 =	sld [smem:$0x3FFE];
	_ =	sdelay $0x1  }
0x8a: {  	s1 =	srdreg.scid  }
0x8b: {  	s0 =	sand.u32 $0x1, s1  }
0x8c: {  	s17 =	sshll.u32 s0, $0xA;
	s2 =	sadd.s32 s3, s2  }
0x8d: {  	s2 =	sadd.s32 s2, s17  }
0x8e: {  	[smem:$0x3FBE] =	sst s2  }
0x8f: {  	_ = 	snop  }
0x90: {  	s2 =	sld [smem:$0x3FC9]  }
0x91: {  	s18 =	sld [smem:$0x3FD0];
	(tm) =	ssettm $0x1  }
0x92: {  	s4 =	sld [smem:$0x3FFB];
	_ =	sdelay $0x3  }
0x93: {  	_ =	strace s4  }
0x94: {  	s4 =	sld [smem:$0x3FFC];
	_ =	sdelay $0x3  }
0x95: {  	_ =	strace s4  }
0x96: {  	s4 =	sld [smem:$0x3FFD];
	_ =	sdelay $0x3  }
0x97: {  	_ =	strace s4  }
0x98: {  	_ =	strace $0x8FFFFFFF  }
0x99: {  	s19 =	sld [smem:$0x3FDB];
	_ =	sdelay $0x1  }
0x9a: {  	s5 =	simm.s32 $_scs_section_size  }
0x9b: {  	s6 =	simm.s32 $_size__tile_overlayer_lowered;
	s7 =	simm.s32 $_tile_overlayer_lowered  }
0x9c: {  	s22 =	simm.s32 $0x1BFF;
	s21 =	sshll.u32 s7, $0x1;
	s4 =	sadd.s32 s5, s19  }
0x9d: {  	s8 =	simm.s32 $0x0;
	s20 =	sshll.u32 s6, $0x1;
	s6 =	sadd.s32 s21, s4  }
0x9e: {  	[timem:s8], [sflag:s22] =	dma.local [hbm:s6], s20  }
0x9f: {  	_ =	swait.ge [sflag:s22], s20  }
0xa0: {  	s5 =	ssub.s32 $0x0, s20;
	[sflag:s22] =	ssyncset.done $0x0  }
0xa1: {  	[sflag:s22] =	ssyncadd.s32 s5;
	_ =	sdelay $0x1  }
0xa2: {  	s23 =	simm.s32 $0x1B8B  }
0xa3: {  	_ =	swait.ge [sflag:s23], $0x1  }
0xa4: {  	[sflag:s23] =	ssyncset.done $0x0  }
0xa5: {  	s25 =	simm.s32 $0x1B8E;
	s24 =	sld [smem:$0x3FFE];
	[sflag:s23] =	ssyncadd.s32 $0xFFFFFFFF  }
0xa6: {  	s26 =	simm.s32 $execute0_lowered;
	[smem:$0x3FD2] =	sst s25  }
0xa7: {  	s6 =	sshll.u32 s26, $0x1;
	_ =	strace $0x80000046;
	[dreg:$0x1] =	wrdreg $0xFFFFFFFF  }
0xa8: {  	s28 =	simm.s32 $_size_execute0_lowered;
	s4 =	sadd.s32 s4, s6;
	[dreg:$0x0] =	wrdreg $0x0  }
0xa9: {  	s6 =	sshll.u32 s28, $0x1;
	[dreg:$0x2] =	wrdreg s4  }
0xaa: {  	[dreg:$0x3] =	wrdreg s6  }
0xab: {  	[dreg:$0x4] =	wrdreg $0xC0  }
0xac: {  	_ =	task [dreg:s8], $0x5FFFF  }
0xad: {  	[dreg:$0x1] =	wrdreg $0xFFFFFFFF  }
0xae: {  	[dreg:$0x0] =	wrdreg $0x60  }
0xaf: {  	[dreg:$0x2] =	wrdreg s2  }
0xb0: {  	[dreg:$0x3] =	wrdreg s24  }
0xb1: {  	[dreg:$0x4] =	wrdreg s18  }
0xb2: {  	[dreg:$0x5] =	wrdreg $0xAB800  }
0xb3: {  	[dreg:$0x6] =	wrdreg $0x9  }
0xb4: {  	_ =	task.clear_ibuf [dreg:s8], $0x7FFFF;
	_ =	strace $0x90000046  }
0xb5: {  	s29 =	simm.s32 $0x9;
	_ =	strace $0x80000048  }
0xb6: {  	_ =	swait.ge [sflag:s29], $0x1  }
0xb7: {  	[sflag:s29] =	ssyncadd.s32 $0xFFFFFFFF  }
0xb8: {  	_ =	strace $0x90000048  }
0xb9: {  	_ =	sfence  }
0xba: {  	s30 =	sld [smem:$0x0];
	_ =	sdelay $0x2  }
0xbb: {  	s31 =	sshll.u32 s1, $0xD;
	s1 =	sshrl.u32 s1, $0x2  }
0xbc: {  	s3 =	sand.u32 $0x4000, s31;
	s1 =	sadd.s32 s1, s30  }
0xbd: {  	s0 =	sor.u32 s3, s0;
	s1 =	sshll.u32 s1, $0x11  }
0xbe: {  	s0 =	sor.u32 s1, s0  }
0xbf: {  	s0 =	sadd.s32 $0x8F2B, s0  }
0xc0: {  	[sflag:s0] =	ssyncadd.remote.s32 $0x1  }
0xc1: {  	_ =	sfence.sel $0xFFFF  }
0xc2: {  	[dreg:$0x0] =	wrdreg $0xFFFFFFFF;
	(pc) =	sbr.abs _section_cstart, $3  }
0xc3: {  	[dreg:$0x1] =	wrdreg $0xFFFFFFFF  }
0xc4: {  	_ =	task.clear_ibuf [dreg:s8], $0x2FFFF;
	_ =	strace $0x9FFFFFFF  }
0xc5: {  	(tm) =	ssettm $0x7FFFFFFF  }
tec
execute0_lowered:
.L_overlay_start_1:
0x0: {  	(tag) =	ssettag $0x1  }
0x1: {  	s1 =	rddreg [dreg:$0x0]  }
0x2: {  	s0 =	rddreg [dreg:$0x1]  }
0x3: {  	s5 =	rddreg [dreg:$0x2]  }
0x4: {  	s2 =	rddreg [dreg:$0x3]  }
0x5: {  	s4 =	srdreg.scid;
	s6 =	stileid.u32;
	s3 =	simm.s32 $0x0  }
0x6: {  	s28 =	simm.s32 $0x8100;
	s29 =	simm.s32 $0x8300;
	s30 =	simm.s32 $0x8180  }
0x7: {  	s31 =	simm.s32 $0x8380;
	s7 =	sand.u32 $0x1, s4;
	s23 =	sshll.u32 s6, $0x1  }
0x8: {  	[smem:$0x7FF] =	sst s3;
	s4 =	sadd.s32 $0x3E00, s0;
	s18 =	smul.u32 $0x4E200, s6  }
0x9: {  	s14 =	sshrl.u32 s6, $0x2;
	s21 =	smul.u32 $0xA00, s6;
	p0 =	sne.s32 s6, $0x0  }
0xa: {  	s6 =	simm.s32 $0x7D;
	s8 =	sor.u32 s7, s23;
	s10 =	smul.u32 $0x27100, s7  }
0xb: {  	_ =	strace $0x80000047;
	s11 =	ssub.s32 $0x2, s7;
	s22 =	smul.u32 $0x500, s7  }
0xc: {  	s7 =	simm.s32 $0x4;
	s9 =	smul.u32 $0x500, s8;
	s12 =	sshrl.u32 s11, $0x1  }
0xd: {  	s24 =	smul.u32 $0x2800, s8;
	s8 =	sshll.u32 s8, $0x7;
	s20 =	sshrl.u32 s18, $0x2  }
0xe: {  	s18 =	simm.s32 $0xA;
	s0 =	sadd.s32 s10, s0;
	s25 =	ssub.s32 s11, s12  }
0xf: {  	s11 =	smul.u32 $0x13C00, s14;
	s8 =	sand.u32 $0x380, s8;
	s21 =	sadd.s32 s22, s21  }
0x10: {  	s10 =	simm.s32 $0x1;
	s14 =	simm.s32 $0x8;
	s13 =	sadd.s32 s4, s9  }
0x11: {  	s9 =	sshrl.u32 s24, $0x3;
	s0 =	sadd.s32 $0x17E00, s0;
	[dreg:$0x5] =	wrdreg s13  }
0x12: {  	s23 =	smax.u32 s25, $0x1;
	s26 =	sadd.s32 $0xA000, s13;
	[dreg:$0xe] =	wrdreg s0  }
0x13: {  	s12 =	sadd.s32 $0x10, s13;
	s9 =	sadd.s32 s4, s9;
	[dreg:$0x10] =	wrdreg s23  }
0x14: {  	s16 =	sadd.s32 $0x20, s13;
	s8 =	sor.u32 s11, s8;
	[dreg:$0x6] =	wrdreg s26  }
0x15: {  	s19 =	sadd.s32 $0x30, s13;
	s11 =	simm.s32 $0x8400;
	[dreg:$0x7] =	wrdreg s12  }
0x16: {  	s13 =	simm.s32 $0x5;
	s23 =	simm.s32 $0x9;
	[dreg:$0x9] =	wrdreg s16  }
0x17: {  	s15 =	sadd.s32 $0xA010, s9;
	s17 =	sadd.s32 $0xA020, s9;
	[dreg:$0xb] =	wrdreg s19  }
0x18: {  	s9 =	sadd.s32 $0xA030, s9;
	s8 =	sshrl.u32 s8, $0x3;
	[dreg:$0x8] =	wrdreg s15  }
0x19: {  	s19 =	simm.s32 $0xC;
	s12 =	simm.s32 $0xB;
	[dreg:$0xa] =	wrdreg s17  }
0x1a: {  	s16 =	simm.s32 $0x2;
	[dreg:$0xc] =	wrdreg s9;
	s5 =	sadd.s32 s5, s8  }
0x1b: {  	s8 =	simm.s32 $0x4000;
	[dreg:$0xd] =	wrdreg s5;
	s5 =	sadd.s32 s20, s2  }
.Ltmp0:
0x1c: {  	s24 =	sadd.s32 $0x3E80, s5;
	[dreg:$0xf] =	wrdreg s5;
	(pc) =	sbr.rel .LBB2_1-.Ltmp0, $4  }
0x1d: {  	s9 =	simm.s32 $0x7;
	s25 =	sadd.s32 $0x7D00, s5;
	[dreg:$0x11] =	wrdreg s24  }
0x1e: {  	s17 =	simm.s32 $0x6;
	s26 =	sadd.s32 $0xBB80, s5;
	[dreg:$0x12] =	wrdreg s25  }
0x1f: {  	s15 =	simm.s32 $0x0;
	s5 =	sadd.s32 $0xFA00, s5;
	[dreg:$0x13] =	wrdreg s26  }
0x20: {  	v0 =	vimm.f32 $0.0e+00;
	v1 =	vimm.f32 $1.000000000e+00;
	vm0 =	vcmask $0x3F0C;
	[dreg:$0x14] =	wrdreg s5;
	s25 =	simm.s32 $0x8080;
	s26 =	simm.s32 $0x8280  }
.LBB2_8:
0x21: {  	s0 =	rddreg [dreg:$0xd]  }
0x22: {  	s5 =	simm.s32 $0x80;
	s15 =	simm.s32 $0x400;
	s19 =	simm.s32 $0xC  }
0x23: {  	[hbm4b:s0+s5] =	stream.strided.scatter [tilespmem:s11], [sflag:$0xC], $0x2780, s15, s5, $0x38;
	[tilespmem:$0x1E400] =	vst v63  }
0x24: {  	_ =	swait.ge [sflag:s19], $0x2780  }
0x25: {  	[sflag:s19] =	ssyncset.done $0x0  }
0x26: {  	[sflag:s19] =	ssyncadd.s32 $0xFFFFD880  }
0x27: {  	[bflag:$0x0] =	sbarrier.arrive $0xFFFF  }
0x28: {  	s0 =	sshrl.u32 @!p0 s2, $0x3;
	s5 =	simm.s32 @!p0 $0x1C0C;
	s15 =	rddreg [dreg:$0xe]  }
0x29: {  	[hbm:s15], [sflag:s5] =	dma.local @!p0 [spmem:s0], $0x27100  }
0x2a: {  	s0 =	simm.s32 @!p0 $0xC  }
0x2b: {  	_ =	swait.ge @!p0 [sflag:s0], $0x27100  }
0x2c: {  	s22 =	rddreg [dreg:$0x15]  }
0x2d: {  	s24 =	rddreg [dreg:$0x10];
	s15 =	sadd.s32 $0x1, s22  }
0x2e: {  	p1 =	sne.s32 s15, s24  }
.Ltmp1:
0x2f: {  	_ = 	snop;
	(pc) =	sbr.rel @!p1 .LBB2_9-.Ltmp1, $3  }
0x30: {  	_ =	sdelay $0x1  }
0x31: {  	[sflag:s0] =	ssyncset.done @!p0 $0x0  }
0x32: {  	[sflag:s0] =	ssyncadd.s32 @!p0 $0xFFFD8F00  }
.LBB2_1:
0x33: {  	s0 =	sand.u32 $0xFE00, s3  }
0x34: {  	[dreg:$0x15] =	wrdreg s15;
	s5 =	sand.u32 $0x70, s3;
	s24 =	sshrl.u32 s0, $0x2  }
0x35: {  	s0 =	simm.s32 $0x40;
	s15 =	sor.u32 s5, s24;
	s5 =	simm.s32 $0x0  }
.LBB2_2:
0x36: {  	p1 =	sne.s32 s0, $0xF9C0  }
0x37: {  	[tilespmem:s15+$0x0] =	vst v0;
	s5 =	sadd.s32 $0x10, s5;
	s15 =	smov.u32 s0;
	s0 =	sadd.s32 $0x40, s0  }
.Ltmp2:
0x38: {  	(pc) =	sbr.rel @p1 .LBB2_2-.Ltmp2, $4  }
0x39: {  	_ = 	snop  }
0x3a: {  	s15 =	sand.u32 $0xFE00, s15  }
0x3b: {  	s20 =	sand.u32 $0x70, s5;
	s15 =	sshrl.u32 s15, $0x2  }
0x3c: {  	s15 =	sor.u32 s20, s15  }
0x3d: {  	[tilespmem:s15+$0x0] =	vst v0;
	s0 =	simm.s32 $0x0;
	s5 =	rddreg [dreg:$0xf]  }
0x3e: {  	[spmem:s5] =	stream.linear.scatter [tilespmem:s0], [sflag:$0xC], $0x3E80, $0x38;
	[tilespmem:$0x1E400] =	vst v63  }
0x3f: {  	_ =	swait.ge [sflag:s19], $0x3E80  }
0x40: {  	[sflag:s19] =	ssyncset.done $0x0  }
0x41: {  	s15 =	rddreg [dreg:$0x11];
	[sflag:s19] =	ssyncadd.s32 $0xFFFFC180  }
0x42: {  	[spmem:s15] =	stream.linear.scatter [tilespmem:s0], [sflag:$0xC], $0x3E80, $0x38;
	[tilespmem:$0x1E400] =	vst v63  }
0x43: {  	_ =	swait.ge [sflag:s19], $0x3E80  }
0x44: {  	[sflag:s19] =	ssyncset.done $0x0  }
0x45: {  	s20 =	rddreg [dreg:$0x12];
	[sflag:s19] =	ssyncadd.s32 $0xFFFFC180  }
0x46: {  	[spmem:s20] =	stream.linear.scatter [tilespmem:s0], [sflag:$0xC], $0x3E80, $0x38;
	[tilespmem:$0x1E400] =	vst v63  }
0x47: {  	_ =	swait.ge [sflag:s19], $0x3E80  }
0x48: {  	[sflag:s19] =	ssyncset.done $0x0  }
0x49: {  	s22 =	rddreg [dreg:$0x13];
	[sflag:s19] =	ssyncadd.s32 $0xFFFFC180  }
0x4a: {  	[spmem:s22] =	stream.linear.scatter [tilespmem:s0], [sflag:$0xC], $0x3E80, $0x38;
	[tilespmem:$0x1E400] =	vst v63  }
0x4b: {  	_ =	swait.ge [sflag:s19], $0x3E80  }
0x4c: {  	[sflag:s19] =	ssyncset.done $0x0  }
0x4d: {  	s24 =	rddreg [dreg:$0x14];
	[sflag:s19] =	ssyncadd.s32 $0xFFFFC180  }
0x4e: {  	[spmem:s24] =	stream.linear.scatter [tilespmem:s0], [sflag:$0xC], $0x3E80, $0x38;
	[tilespmem:$0x1E400] =	vst v63  }
0x4f: {  	_ =	swait.ge [sflag:s19], $0x3E80  }
0x50: {  	[sflag:s19] =	ssyncset.done $0x0  }
0x51: {  	s5 =	simm.s32 $0x0;
	s0 =	simm.s32 $0x40;
	[sflag:s19] =	ssyncadd.s32 $0xFFFFC180  }
.LBB2_4:
0x52: {  	p1 =	sne.s32 s0, $0x9C00;
	[tilespmem:s5+$0x8400] =	vst v0;
	s5 =	smov.u32 s0;
	s0 =	sadd.s32 $0x40, s0  }
.Ltmp3:
0x53: {  	(pc) =	sbr.rel @p1 .LBB2_4-.Ltmp3, $2  }
0x54: {  	_ =	sdelay $0x2  }
0x55: {  	s5 =	sshra.s32 s5, $0x2  }
0x56: {  	[tilespmem:s5+$0x8400] =	vst v0  }
0x57: {  	[bflag:$0x0] =	sbarrier.arrive $0xFFFF  }
0x58: {  	s20 =	simm.s32 $0x0;
	s5 =	simm.s32 $0x8000;
	s0 =	rddreg [dreg:$0x5]  }
0x59: {  	[tilespmem:s5], [sflag:$0x3] =	stream.linear.gather [hbm4b:s0+s20], $0x80, $0x38;
	[tilespmem:$0x1E400] =	vst v63  }
0x5a: {  	s15 =	simm.s32 $0x8200;
	s24 =	rddreg [dreg:$0x6]  }
0x5b: {  	[tilespmem:s15], [sflag:$0x7] =	stream.linear.gather [hbm4b:s24+s20], $0x80, $0x38;
	[tilespmem:$0x1E400] =	vst v63  }
0x5c: {  	s19 =	rddreg [dreg:$0x7]  }
0x5d: {  	[tilespmem:s25], [sflag:$0x4] =	stream.linear.gather [hbm4b:s19+s20], $0x80, $0x38;
	[tilespmem:$0x1E400] =	vst v63  }
0x5e: {  	s22 =	rddreg [dreg:$0x8]  }
0x5f: {  	[tilespmem:s26], [sflag:$0x8] =	stream.linear.gather [hbm4b:s22+s20], $0x80, $0x38;
	[tilespmem:$0x1E400] =	vst v63  }
0x60: {  	s24 =	rddreg [dreg:$0x9]  }
0x61: {  	[tilespmem:s28], [sflag:$0x5] =	stream.linear.gather [hbm4b:s24+s20], $0x80, $0x38;
	[tilespmem:$0x1E400] =	vst v63  }
0x62: {  	s15 =	rddreg [dreg:$0xa]  }
0x63: {  	[tilespmem:s29], [sflag:$0x9] =	stream.linear.gather [hbm4b:s15+s20], $0x80, $0x38;
	[tilespmem:$0x1E400] =	vst v63  }
0x64: {  	s19 =	rddreg [dreg:$0xb]  }
0x65: {  	[tilespmem:s30], [sflag:$0x6] =	stream.linear.gather [hbm4b:s19+s20], $0x80, $0x38;
	[tilespmem:$0x1E400] =	vst v63  }
0x66: {  	s22 =	rddreg [dreg:$0xc];
	s24 =	simm.s32 $0x3  }
0x67: {  	[tilespmem:s31], [sflag:$0xA] =	stream.linear.gather [hbm4b:s22+s20], $0x80, $0x38;
	[tilespmem:$0x1E400] =	vst v63  }
0x68: {  	_ =	swait.ge [sflag:s24], $0x80  }
0x69: {  	[sflag:s24] =	ssyncset.done $0x0  }
0x6a: {  	[sflag:s24] =	ssyncadd.s32 $0xFFFFFF80  }
0x6b: {  	[tilespmem:s20], [sflag:$0x1] =	stream.indirect.gather [hbm4b:s1+s6], $0x80, s5, s6, $0xb8;
	[tilespmem:$0x1E400] =	vst v63  }
.LBB2_6:
0x6c: {  	_ =	swait.ge [sflag:s7], $0x80  }
0x6d: {  	[sflag:s7] =	ssyncset.done $0x0  }
0x6e: {  	[sflag:s7] =	ssyncadd.s32 $0xFFFFFF80  }
0x6f: {  	[tilespmem:s8], [sflag:$0x2] =	stream.indirect.gather [hbm4b:s1+s6], $0x80, s25, s6, $0xb8;
	[tilespmem:$0x1E400] =	vst v63  }
0x70: {  	_ =	swait.ge [sflag:s9], $0x80  }
0x71: {  	[sflag:s9] =	ssyncset.done $0x0  }
0x72: {  	[sflag:s9] =	ssyncadd.s32 $0xFFFFFF80  }
0x73: {  	_ =	swait.ge [sflag:s10], $0x3E80  }
0x74: {  	[sflag:s10] =	ssyncset.done $0x0  }
0x75: {  	s0 =	simm.s32 $0x8200;
	[sflag:s10] =	ssyncadd.s32 $0xFFFFC180  }
0x76: {  	[spmem:s2] =	stream.indirect.scatter.add.f32 [tilespmem:s3], [sflag:$0xB], $0x80, s0, s6, $0xb8;
	[tilespmem:$0x1E400] =	vst v63  }
0x77: {  	v2 =	vld [tilespmem:$0x8200];
	_ =	sdelay $0x7  }
0x78: {  	[tilespmem:v2+s11+$0x0] =	vst.idx.add.f32.msk $0xffff, v1  }
0x79: {  	v2 =	vld [tilespmem:$0x8210];
	_ =	sdelay $0x7  }
0x7a: {  	[tilespmem:v2+s11+$0x0] =	vst.idx.add.f32.msk $0xffff, v1  }
0x7b: {  	v2 =	vld [tilespmem:$0x8220];
	_ =	sdelay $0x7  }
0x7c: {  	[tilespmem:v2+s11+$0x0] =	vst.idx.add.f32.msk $0xffff, v1  }
0x7d: {  	v2 =	vld [tilespmem:$0x8230];
	_ =	sdelay $0x7  }
0x7e: {  	[tilespmem:v2+s11+$0x0] =	vst.idx.add.f32.msk $0xffff, v1  }
0x7f: {  	v2 =	vld [tilespmem:$0x8240];
	_ =	sdelay $0x7  }
0x80: {  	[tilespmem:v2+s11+$0x0] =	vst.idx.add.f32.msk $0xffff, v1  }
0x81: {  	v2 =	vld [tilespmem:$0x8250];
	_ =	sdelay $0x7  }
0x82: {  	[tilespmem:v2+s11+$0x0] =	vst.idx.add.f32.msk $0xffff, v1  }
0x83: {  	v2 =	vld [tilespmem:$0x8260];
	_ =	sdelay $0x7  }
0x84: {  	[tilespmem:v2+s11+$0x0] =	vst.idx.add.f32.msk $0xffff, v1  }
0x85: {  	v2 =	vld [tilespmem:$0x826D];
	_ =	sdelay $0x5  }
0x86: {  	p1 =	seq.s32 s20, $0x4C0  }
0x87: {  	s15 =	sadd.s32 @!p1 s20, s21  }
0x88: {  	s5 =	sadd.s32 @!p1 $0x40, s15;
	s0 =	sxor.u32 @!p1 $0xFFFFFFFF, s20;
	[tilespmem:v2+s11+$0x0] =	vst.idx.add.f32.msk vm0, v1  }
0x89: {  	s5 =	sand.u32 @!p1 $0xFFFFF80, s5;
	s0 =	sand.u32 @!p1 $0x40, s0;
	_ =	swait.ge [sflag:s12], $0x3E80  }
0x8a: {  	s19 =	sadd.s32 @!p1 s4, s0;
	s0 =	simm.s32 @!p1 $0x8000;
	[sflag:s12] =	ssyncset.done $0x0  }
0x8b: {  	s22 =	sadd.s32 @!p1 s5, s19;
	s5 =	simm.s32 @!p1 $0x0;
	[sflag:s12] =	ssyncadd.s32 $0xFFFFC180  }
0x8c: {  	[tilespmem:s0], [sflag:$0x3] =	stream.linear.gather @!p1 [hbm4b:s22+s5], $0x80, $0x38;
	[tilespmem:$0x1E400] =	vst v63  }
0x8d: {  	s22 =	sadd.s32 @!p1 $0xA040, s15  }
0x8e: {  	s22 =	sand.u32 @!p1 $0xFFFFF80, s22  }
0x8f: {  	s19 =	sadd.s32 @!p1 s22, s19;
	s22 =	simm.s32 @!p1 $0x8200  }
0x90: {  	[tilespmem:s22], [sflag:$0x7] =	stream.linear.gather @!p1 [hbm4b:s19+s5], $0x80, $0x38;
	[tilespmem:$0x1E400] =	vst v63  }
0x91: {  	_ =	swait.ge [sflag:s13], $0x80  }
0x92: {  	[sflag:s13] =	ssyncset.done $0x0  }
0x93: {  	[sflag:s13] =	ssyncadd.s32 $0xFFFFFF80  }
0x94: {  	[tilespmem:s3], [sflag:$0x1] =	stream.indirect.gather [hbm4b:s1+s6], $0x80, s28, s6, $0xb8;
	[tilespmem:$0x1E400] =	vst v63  }
0x95: {  	_ =	swait.ge [sflag:s14], $0x80  }
0x96: {  	[sflag:s14] =	ssyncset.done $0x0  }
0x97: {  	[sflag:s14] =	ssyncadd.s32 $0xFFFFFF80  }
0x98: {  	_ =	swait.ge [sflag:s16], $0x3E80  }
0x99: {  	[sflag:s16] =	ssyncset.done $0x0  }
0x9a: {  	[sflag:s16] =	ssyncadd.s32 $0xFFFFC180  }
0x9b: {  	[spmem:s2] =	stream.indirect.scatter.add.f32 [tilespmem:s8], [sflag:$0xB], $0x80, s26, s6, $0xb8;
	[tilespmem:$0x1E400] =	vst v63  }
0x9c: {  	v2 =	vld [tilespmem:$0x8280];
	_ =	sdelay $0x7  }
0x9d: {  	[tilespmem:v2+s11+$0x0] =	vst.idx.add.f32.msk $0xffff, v1  }
0x9e: {  	v2 =	vld [tilespmem:$0x8290];
	_ =	sdelay $0x7  }
0x9f: {  	[tilespmem:v2+s11+$0x0] =	vst.idx.add.f32.msk $0xffff, v1  }
0xa0: {  	v2 =	vld [tilespmem:$0x82A0];
	_ =	sdelay $0x7  }
0xa1: {  	[tilespmem:v2+s11+$0x0] =	vst.idx.add.f32.msk $0xffff, v1  }
0xa2: {  	v2 =	vld [tilespmem:$0x82B0];
	_ =	sdelay $0x7  }
0xa3: {  	[tilespmem:v2+s11+$0x0] =	vst.idx.add.f32.msk $0xffff, v1  }
0xa4: {  	v2 =	vld [tilespmem:$0x82C0];
	_ =	sdelay $0x7  }
0xa5: {  	[tilespmem:v2+s11+$0x0] =	vst.idx.add.f32.msk $0xffff, v1  }
0xa6: {  	v2 =	vld [tilespmem:$0x82D0];
	_ =	sdelay $0x7  }
0xa7: {  	[tilespmem:v2+s11+$0x0] =	vst.idx.add.f32.msk $0xffff, v1  }
0xa8: {  	v2 =	vld [tilespmem:$0x82E0];
	_ =	sdelay $0x7  }
0xa9: {  	[tilespmem:v2+s11+$0x0] =	vst.idx.add.f32.msk $0xffff, v1  }
0xaa: {  	v2 =	vld [tilespmem:$0x82ED];
	_ =	sdelay $0x7  }
0xab: {  	s19 =	sadd.s32 @!p1 $0x50, s20;
	[tilespmem:v2+s11+$0x0] =	vst.idx.add.f32.msk vm0, v1  }
0xac: {  	s22 =	sadd.s32 @!p1 $0x50, s15;
	s19 =	sand.u32 @!p1 $0x50, s19;
	_ =	swait.ge [sflag:s12], $0x3E80  }
0xad: {  	s22 =	sand.u32 @!p1 $0xFFFFF80, s22;
	s19 =	sadd.s32 @!p1 s4, s19;
	[sflag:s12] =	ssyncset.done $0x0  }
0xae: {  	s24 =	simm.s32 @!p1 $0x8080;
	s22 =	sadd.s32 @!p1 s22, s19;
	[sflag:s12] =	ssyncadd.s32 $0xFFFFC180  }
0xaf: {  	[tilespmem:s24], [sflag:$0x4] =	stream.linear.gather @!p1 [hbm4b:s22+s5], $0x80, $0x38;
	[tilespmem:$0x1E400] =	vst v63  }
0xb0: {  	s22 =	sadd.s32 @!p1 $0xA050, s15  }
0xb1: {  	s22 =	sand.u32 @!p1 $0xFFFFF80, s22  }
0xb2: {  	s19 =	sadd.s32 @!p1 s22, s19;
	s22 =	simm.s32 @!p1 $0x8280  }
0xb3: {  	[tilespmem:s22], [sflag:$0x8] =	stream.linear.gather @!p1 [hbm4b:s19+s5], $0x80, $0x38;
	[tilespmem:$0x1E400] =	vst v63  }
0xb4: {  	_ =	swait.ge [sflag:s17], $0x80  }
0xb5: {  	[sflag:s17] =	ssyncset.done $0x0  }
0xb6: {  	[sflag:s17] =	ssyncadd.s32 $0xFFFFFF80  }
0xb7: {  	[tilespmem:s8], [sflag:$0x2] =	stream.indirect.gather [hbm4b:s1+s6], $0x80, s30, s6, $0xb8;
	[tilespmem:$0x1E400] =	vst v63  }
0xb8: {  	_ =	swait.ge [sflag:s23], $0x80  }
0xb9: {  	[sflag:s23] =	ssyncset.done $0x0  }
0xba: {  	[sflag:s23] =	ssyncadd.s32 $0xFFFFFF80  }
0xbb: {  	_ =	swait.ge [sflag:s10], $0x3E80  }
0xbc: {  	[sflag:s10] =	ssyncset.done $0x0  }
0xbd: {  	[sflag:s10] =	ssyncadd.s32 $0xFFFFC180  }
0xbe: {  	[spmem:s2] =	stream.indirect.scatter.add.f32 [tilespmem:s3], [sflag:$0xB], $0x80, s29, s6, $0xb8;
	[tilespmem:$0x1E400] =	vst v63  }
0xbf: {  	v2 =	vld [tilespmem:$0x8300];
	_ =	sdelay $0x7  }
0xc0: {  	[tilespmem:v2+s11+$0x0] =	vst.idx.add.f32.msk $0xffff, v1  }
0xc1: {  	v2 =	vld [tilespmem:$0x8310];
	_ =	sdelay $0x7  }
0xc2: {  	[tilespmem:v2+s11+$0x0] =	vst.idx.add.f32.msk $0xffff, v1  }
0xc3: {  	v2 =	vld [tilespmem:$0x8320];
	_ =	sdelay $0x7  }
0xc4: {  	[tilespmem:v2+s11+$0x0] =	vst.idx.add.f32.msk $0xffff, v1  }
0xc5: {  	v2 =	vld [tilespmem:$0x8330];
	_ =	sdelay $0x7  }
0xc6: {  	[tilespmem:v2+s11+$0x0] =	vst.idx.add.f32.msk $0xffff, v1  }
0xc7: {  	v2 =	vld [tilespmem:$0x8340];
	_ =	sdelay $0x7  }
0xc8: {  	[tilespmem:v2+s11+$0x0] =	vst.idx.add.f32.msk $0xffff, v1  }
0xc9: {  	v2 =	vld [tilespmem:$0x8350];
	_ =	sdelay $0x7  }
0xca: {  	[tilespmem:v2+s11+$0x0] =	vst.idx.add.f32.msk $0xffff, v1  }
0xcb: {  	v2 =	vld [tilespmem:$0x8360];
	_ =	sdelay $0x7  }
0xcc: {  	[tilespmem:v2+s11+$0x0] =	vst.idx.add.f32.msk $0xffff, v1  }
0xcd: {  	v2 =	vld [tilespmem:$0x836D];
	_ =	sdelay $0x7  }
0xce: {  	s24 =	simm.s32 @!p1 $0x8100;
	s19 =	sadd.s32 @!p1 $0x60, s20;
	s22 =	sadd.s32 @!p1 $0x60, s15;
	[tilespmem:v2+s11+$0x0] =	vst.idx.add.f32.msk vm0, v1  }
0xcf: {  	s15 =	sadd.s32 @!p1 $0xA060, s15;
	s19 =	sand.u32 @!p1 $0x60, s19;
	_ =	swait.ge [sflag:s12], $0x3E80  }
0xd0: {  	s22 =	sand.u32 @!p1 $0xFFFFF80, s22;
	s19 =	sadd.s32 @!p1 s4, s19;
	[sflag:s12] =	ssyncset.done $0x0  }
0xd1: {  	s15 =	sand.u32 @!p1 $0xFFFFF80, s15;
	s22 =	sadd.s32 @!p1 s22, s19;
	[sflag:s12] =	ssyncadd.s32 $0xFFFFC180  }
0xd2: {  	[tilespmem:s24], [sflag:$0x5] =	stream.linear.gather @!p1 [hbm4b:s22+s5], $0x80, $0x38;
	[tilespmem:$0x1E400] =	vst v63  }
0xd3: {  	s15 =	sadd.s32 @!p1 s15, s19;
	s19 =	simm.s32 @!p1 $0x8300  }
0xd4: {  	[tilespmem:s19], [sflag:$0x9] =	stream.linear.gather @!p1 [hbm4b:s15+s5], $0x80, $0x38;
	[tilespmem:$0x1E400] =	vst v63  }
0xd5: {  	s15 =	simm.s32 @!p1 $0x3  }
0xd6: {  	_ =	swait.ge @!p1 [sflag:s15], $0x80  }
0xd7: {  	[sflag:s15] =	ssyncset.done @!p1 $0x0  }
0xd8: {  	[sflag:s15] =	ssyncadd.s32 @!p1 $0xFFFFFF80;
	s15 =	simm.s32 @!p1 $0x7D  }
0xd9: {  	[tilespmem:s5], [sflag:$0x1] =	stream.indirect.gather @!p1 [hbm4b:s1+s15], $0x80, s0, s15, $0xb8;
	[tilespmem:$0x1E400] =	vst v63  }
0xda: {  	_ =	swait.ge [sflag:s18], $0x80  }
0xdb: {  	[sflag:s18] =	ssyncset.done $0x0  }
0xdc: {  	[sflag:s18] =	ssyncadd.s32 $0xFFFFFF80  }
0xdd: {  	_ =	swait.ge [sflag:s16], $0x3E80  }
0xde: {  	[sflag:s16] =	ssyncset.done $0x0  }
0xdf: {  	[sflag:s16] =	ssyncadd.s32 $0xFFFFC180  }
0xe0: {  	[spmem:s2] =	stream.indirect.scatter.add.f32 [tilespmem:s8], [sflag:$0xB], $0x80, s31, s6, $0xb8;
	[tilespmem:$0x1E400] =	vst v63  }
0xe1: {  	v2 =	vld [tilespmem:$0x8380];
	_ =	sdelay $0x7  }
0xe2: {  	[tilespmem:v2+s11+$0x0] =	vst.idx.add.f32.msk $0xffff, v1  }
0xe3: {  	v2 =	vld [tilespmem:$0x8390];
	_ =	sdelay $0x7  }
0xe4: {  	[tilespmem:v2+s11+$0x0] =	vst.idx.add.f32.msk $0xffff, v1  }
0xe5: {  	v2 =	vld [tilespmem:$0x83A0];
	_ =	sdelay $0x7  }
0xe6: {  	[tilespmem:v2+s11+$0x0] =	vst.idx.add.f32.msk $0xffff, v1  }
0xe7: {  	v2 =	vld [tilespmem:$0x83B0];
	_ =	sdelay $0x7  }
0xe8: {  	[tilespmem:v2+s11+$0x0] =	vst.idx.add.f32.msk $0xffff, v1  }
0xe9: {  	v2 =	vld [tilespmem:$0x83C0];
	_ =	sdelay $0x7  }
0xea: {  	[tilespmem:v2+s11+$0x0] =	vst.idx.add.f32.msk $0xffff, v1  }
0xeb: {  	v2 =	vld [tilespmem:$0x83D0];
	_ =	sdelay $0x7  }
0xec: {  	[tilespmem:v2+s11+$0x0] =	vst.idx.add.f32.msk $0xffff, v1  }
0xed: {  	v2 =	vld [tilespmem:$0x83E0];
	_ =	sdelay $0x7  }
0xee: {  	[tilespmem:v2+s11+$0x0] =	vst.idx.add.f32.msk $0xffff, v1  }
0xef: {  	v2 =	vld [tilespmem:$0x83ED];
	_ =	sdelay $0x6  }
.Ltmp4:
0xf0: {  	_ = 	snop;
	(pc) =	sbr.rel @p1 .LBB2_8-.Ltmp4, $4  }
0xf1: {  	[tilespmem:v2+s11+$0x0] =	vst.idx.add.f32.msk vm0, v1  }
0xf2: {  	_ =	swait.ge [sflag:s12], $0x3E80  }
0xf3: {  	[sflag:s12] =	ssyncset.done $0x0  }
0xf4: {  	[sflag:s12] =	ssyncadd.s32 $0xFFFFC180  }
0xf5: {  	s0 =	sadd.s32 s20, s21;
	s5 =	sadd.s32 $0x70, s20  }
0xf6: {  	s15 =	sadd.s32 $0x70, s0;
	s5 =	sand.u32 $0x70, s5;
	s0 =	sadd.s32 $0xA070, s0  }
.Ltmp5:
0xf7: {  	s15 =	sand.u32 $0xFFFFF80, s15;
	s5 =	sadd.s32 s4, s5;
	(pc) =	sbr.rel .LBB2_6-.Ltmp5, $4  }
0xf8: {  	s0 =	sand.u32 $0xFFFFF80, s0;
	s15 =	sadd.s32 s15, s5  }
0xf9: {  	[tilespmem:s30], [sflag:$0x6] =	stream.linear.gather [hbm4b:s15+s3], $0x80, $0x38;
	[tilespmem:$0x1E400] =	vst v63  }
0xfa: {  	s20 =	sadd.s32 $0x40, s20;
	s0 =	sadd.s32 s0, s5  }
0xfb: {  	[tilespmem:s31], [sflag:$0xA] =	stream.linear.gather [hbm4b:s0+s3], $0x80, $0x38;
	[tilespmem:$0x1E400] =	vst v63  }
.LBB2_9:
0xfc: {  	_ =	sfence.sel $0x180000  }
0xfd: {  	[bflag:$0x0] =	sbarrier.arrive $0xFFFF  }
0xfe: {  	_ =	strace $0x90000047  }
0xff: {  	[bflag:$0x2] =	sbarrier.arrive $0xFFFF  }
0x100: {  	s0 =	rddreg [dreg:$0x4]  }
0x101: {  	s0 =	sadd.s32 @!p0 $0x100000, s0  }
0x102: {  	[sflag:s0] =	ssyncadd.tile.s32 @!p0 $0x1;
	_ =	shalt  }
.Lfunc_end2:
_tile_overlayer_lowered:
.L_overlay_start_2:
0x103: {  	(tag) =	ssettag $0x2  }
0x104: {  	s0 =	rddreg [dreg:$0x0];
	s2 =	stileid.u32  }
0x105: {  	s1 =	rddreg [dreg:$0x1];
	p0 =	sne.s32 s2, $0x0  }
0x106: {  	s3 =	rddreg [dreg:$0x2];
	[bflag:$0x3] =	sbarrier.arrive $0xFFFF;
	s2 =	simm.s32 @!p0 $0x1C0C  }
0x107: {  	[timem:s3], [sflag:s2] =	dma.local @!p0 [hbm:s0], s1  }
0x108: {  	s0 =	simm.s32 @!p0 $0xC  }
0x109: {  	_ =	swait.ge @!p0 [sflag:s0], s1  }
0x10a: {  	s1 =	ssub.s32 @!p0 $0x0, s1;
	[sflag:s0] =	ssyncset.done @!p0 $0x0  }
0x10b: {  	[sflag:s0] =	ssyncadd.s32 @!p0 s1  }
0x10c: {  	[bflag:$0x3] =	sbarrier.arrive $0xFFFF  }
0x10d: {  	_ =	shalt  }

</sc_bundles>
